<compile_context>
chip_gen: v7x
topology: tpu7x:2x2x1
jax: 0.10.2.dev20260603
libtpu: 0.0.44.dev20260713+nightly
codegen_flags: <defaults>
</compile_context>

<pallas_src>
import functools

import jax
import jax.numpy as jnp
from jax import lax
from jax.experimental import pallas as pl
from jax.experimental.pallas import tpu as pltpu
from jax.experimental.pallas import tpu_sc as plsc

NC = 2
NS = 16
NW = NC * NS
CH = 512
L = 16


@functools.partial(jax.jit, static_argnums=(2, 3, 4))
def _emb_lookup(ids, table, n, d, b_sz):
    n_per_w = n // NW
    n_ch = n_per_w // CH
    n_pair = n_ch // 2
    ch_per_s = b_sz // CH
    dt = d // 8
    blk = CH * d // dt
    s_stride = b_sz * d
    mesh = plsc.VectorSubcoreMesh(
        core_axis_name="c", subcore_axis_name="s",
        num_cores=NC, num_subcores=NS)

    @functools.partial(
        pl.kernel,
        out_type=(
            jax.ShapeDtypeStruct((n * d,), jnp.float32),
            jax.ShapeDtypeStruct((blk,), jnp.float32),
        ),
        mesh=mesh,
        scratch_types=[
            [pltpu.VMEM((CH,), jnp.int32) for _ in range(2)],
            [pltpu.VMEM((CH, d), jnp.float32) for _ in range(2)],
            [pltpu.VMEM((CH * d,), jnp.float32) for _ in range(2)],
            [pltpu.SemaphoreType.DMA for _ in range(2)],
            [pltpu.SemaphoreType.DMA for _ in range(2)],
            [pltpu.SemaphoreType.DMA for _ in range(2)],
        ],
        compiler_params=pltpu.CompilerParams(
            use_tc_tiling_on_sc=False, needs_layout_passes=False),
    )
    def k(ids_hbm, table_hbm, out_hbm, dummy_hbm, idx_v, rows_v, t5, sem_i,
          sem_g, sem_s):
        wid = lax.axis_index("s") * NC + lax.axis_index("c")
        g0 = wid * n_ch
        iota = lax.iota(jnp.int32, L)
        e_pat = [(iota + c) & (L - 1) for c in range(L)]
        d_pat = [((e >> 3) << 12) + ((e & 7) << 7) + iota for e in e_pat]

        def idx_load(chunk, bb):
            return pltpu.async_copy(
                ids_hbm.at[pl.ds((g0 + chunk) * CH, CH)], idx_v[bb],
                sem_i[bb])

        def gather(bb):
            return pltpu.async_copy(
                table_hbm.at[idx_v[bb]], rows_v[bb], sem_g[bb])

        def transpose_chunk(bb):
            rows = rows_v[bb]
            dst = t5[bb]

            @plsc.parallel_loop(0, CH // L, unroll=8)
            def body(tb):
                row_idx = 16 * tb + iota
                btl = tb >> 3
                ttm = (tb & 7) << 4
                base0 = (btl << 10) + ttm
                for dd0 in (0, d // 2):
                    base = base0 + (dd0 >> 3) * blk
                    for c in range(L):
                        col = e_pat[c] + dd0 if dd0 else e_pat[c]
                        v = plsc.load_gather(rows, [row_idx, col])
                        plsc.store_scatter(dst, [d_pat[c] + base], v)

        def stores(chunk, bb):
            g = g0 + chunk
            s_idx = g // ch_per_s
            c = g - s_idx * ch_per_s
            hs = []
            for di in range(dt):
                dpos = s_idx * s_stride + di * blk * ch_per_s + c * blk
                hs.append(pltpu.async_copy(
                    t5[bb].at[pl.ds(di * blk, blk)],
                    out_hbm.at[pl.ds(dpos, blk)], sem_s[bb]))
            return hs

        def wait_stores(bb):
            for di in range(dt):
                pltpu.make_async_copy(
                    t5[bb].at[pl.ds(di * blk, blk)], dummy_hbm,
                    sem_s[bb]).wait()

        for bb in range(2):
            for di in range(dt):
                pltpu.async_copy(
                    t5[bb].at[pl.ds(di * blk, blk)], dummy_hbm, sem_s[bb])
        idx_load(0, 0)
        idx_load(1, 1)
        pltpu.make_async_copy(
            ids_hbm.at[pl.ds(0, CH)], idx_v[0], sem_i[0]).wait()
        gather(0)

        def pair(p, carry):
            a = 2 * p
            pltpu.make_async_copy(
                table_hbm.at[idx_v[0]], rows_v[0], sem_g[0]).wait()
            idx_load(jnp.minimum(a + 2, n_ch - 1), 0)
            pltpu.make_async_copy(
                ids_hbm.at[pl.ds(0, CH)], idx_v[1], sem_i[1]).wait()
            gather(1)
            wait_stores(0)
            transpose_chunk(0)
            stores(a, 0)
            pltpu.make_async_copy(
                table_hbm.at[idx_v[1]], rows_v[1], sem_g[1]).wait()
            idx_load(jnp.minimum(a + 3, n_ch - 1), 1)
            pltpu.make_async_copy(
                ids_hbm.at[pl.ds(0, CH)], idx_v[0], sem_i[0]).wait()
            gather(0)
            wait_stores(1)
            transpose_chunk(1)
            stores(a + 1, 1)
            return carry

        lax.fori_loop(0, n_pair, pair, 0)

        pltpu.make_async_copy(
            table_hbm.at[idx_v[0]], rows_v[0], sem_g[0]).wait()
        pltpu.make_async_copy(
            ids_hbm.at[pl.ds(0, CH)], idx_v[1], sem_i[1]).wait()
        wait_stores(0)
        wait_stores(1)

    return k(ids, table)


def kernel(token_ids, table):
    b, s = token_ids.shape
    d = table.shape[1]
    n = b * s
    ids = token_ids.T.reshape(n).astype(jnp.int32)
    flat, _ = _emb_lookup(ids, table, n, d, b)
    out5 = flat.reshape(s, d // 8, b // 128, 8, 128)
    out3 = out5.transpose(0, 1, 3, 2, 4).reshape(s, d, b)
    return out3.transpose(2, 0, 1)

# --- scband reference (transcript-rebuilt; emitter-appended) ---
"""Pipeline reference for scband-token-embedding-45483703664919 (READ-ONLY COPY).

The authoritative reference and input builder live on the scoring server;
editing this copy changes nothing except your own understanding.
"""

import jax, jax.numpy as jnp
import numpy as np

VOCAB = 1000000
EMBED_DIM = 32
BATCH = 4096
SEQ = 200

def setup_inputs(seed: int = 0) -> dict:
    key = jax.random.key(seed)
    k_ids, k_tab = jax.random.split(key)
    token_ids = jax.random.randint(k_ids, (BATCH, SEQ), 0, VOCAB, dtype=jnp.int64 if jax.config.read('jax_enable_x64') else jnp.int32)
    table = jax.random.normal(k_tab, (VOCAB, EMBED_DIM), dtype=jnp.float32) * 0.02
    return {"token_ids": token_ids, "table": table}

def reference(token_ids, table):
    # TokenEmbedding.forward with use_position=False; dropout is identity in eval mode.
    embeddings = jnp.take(table, token_ids, axis=0)
    return embeddings

if __name__ == "__main__":
    import jax
    _d = setup_inputs()
    print(jax.jit(kernel)(*tuple(_d.values())))

</pallas_src>

<mosaic_0001>
#map = affine_map<(d0, d1) -> (0)>
#map1 = affine_map<(d0, d1) -> (0, 0)>
module attributes {stable_mosaic.version = 14 : i64} {
  func.func @k(%arg0: i32, %arg1: i32, %arg2: memref<819200xi32, #tpu.memory_space<hbm>>, %arg3: memref<1000000x32xf32, #tpu.memory_space<hbm>>, %arg4: memref<26214400xf32, #tpu.memory_space<hbm>>, %arg5: memref<4096xf32, #tpu.memory_space<hbm>>, %arg6: memref<512xi32, #tpu.memory_space<vmem>>, %arg7: memref<512xi32, #tpu.memory_space<vmem>>, %arg8: memref<512x32xf32, #tpu.memory_space<vmem>>, %arg9: memref<512x32xf32, #tpu.memory_space<vmem>>, %arg10: memref<16384xf32, #tpu.memory_space<vmem>>, %arg11: memref<16384xf32, #tpu.memory_space<vmem>>, %arg12: memref<!tpu.dma_semaphore, #tpu.memory_space<semaphore_mem>>, %arg13: memref<!tpu.dma_semaphore, #tpu.memory_space<semaphore_mem>>, %arg14: memref<!tpu.dma_semaphore, #tpu.memory_space<semaphore_mem>>, %arg15: memref<!tpu.dma_semaphore, #tpu.memory_space<semaphore_mem>>, %arg16: memref<!tpu.dma_semaphore, #tpu.memory_space<semaphore_mem>>, %arg17: memref<!tpu.dma_semaphore, #tpu.memory_space<semaphore_mem>>) attributes {dimension_semantics = [#tpu.dimension_semantics<core_parallel>, #tpu.dimension_semantics<subcore_parallel>], iteration_bounds = array<i64: 2, 16>, scalar_prefetch = 0 : i64, scratch_operands = 12 : i64, tpu.core_type = #tpu.core_type<sc_vector_subcore>, window_params = [{transform_indices = #map}, {transform_indices = #map1}, {transform_indices = #map}, {transform_indices = #map}]} {
    %mul3A = arith.constant 2 : i32
    %mul3A_0 = arith.muli %arg1, %mul3A : i32
    %add3A = arith.addi %mul3A_0, %arg0 : i32
    %mul3A_1 = arith.constant 50 : i32
    %mul3A_2 = arith.muli %add3A, %mul3A_1 : i32
    %iota3A = tpu.iota {dimensions = array<i32: 0>} : vector<16xi32>
    %add3A_3 = arith.constant 0 : i32
    %add3A_4 = vector.broadcast %add3A_3 : i32 to vector<16xi32>
    %add3A_5 = arith.addi %iota3A, %add3A_4 : vector<16xi32>
    %and3A = arith.constant 15 : i32
    %and3A_6 = vector.broadcast %and3A : i32 to vector<16xi32>
    %and3A_7 = arith.andi %add3A_5, %and3A_6 : vector<16xi32>
    %add3A_8 = arith.constant 1 : i32
    %add3A_9 = vector.broadcast %add3A_8 : i32 to vector<16xi32>
    %add3A_10 = arith.addi %iota3A, %add3A_9 : vector<16xi32>
    %and3A_11 = arith.constant 15 : i32
    %and3A_12 = vector.broadcast %and3A_11 : i32 to vector<16xi32>
    %and3A_13 = arith.andi %add3A_10, %and3A_12 : vector<16xi32>
    %add3A_14 = arith.constant 2 : i32
    %add3A_15 = vector.broadcast %add3A_14 : i32 to vector<16xi32>
    %add3A_16 = arith.addi %iota3A, %add3A_15 : vector<16xi32>
    %and3A_17 = arith.constant 15 : i32
    %and3A_18 = vector.broadcast %and3A_17 : i32 to vector<16xi32>
    %and3A_19 = arith.andi %add3A_16, %and3A_18 : vector<16xi32>
    %add3A_20 = arith.constant 3 : i32
    %add3A_21 = vector.broadcast %add3A_20 : i32 to vector<16xi32>
    %add3A_22 = arith.addi %iota3A, %add3A_21 : vector<16xi32>
    %and3A_23 = arith.constant 15 : i32
    %and3A_24 = vector.broadcast %and3A_23 : i32 to vector<16xi32>
    %and3A_25 = arith.andi %add3A_22, %and3A_24 : vector<16xi32>
    %add3A_26 = arith.constant 4 : i32
    %add3A_27 = vector.broadcast %add3A_26 : i32 to vector<16xi32>
    %add3A_28 = arith.addi %iota3A, %add3A_27 : vector<16xi32>
    %and3A_29 = arith.constant 15 : i32
    %and3A_30 = vector.broadcast %and3A_29 : i32 to vector<16xi32>
    %and3A_31 = arith.andi %add3A_28, %and3A_30 : vector<16xi32>
    %add3A_32 = arith.constant 5 : i32
    %add3A_33 = vector.broadcast %add3A_32 : i32 to vector<16xi32>
    %add3A_34 = arith.addi %iota3A, %add3A_33 : vector<16xi32>
    %and3A_35 = arith.constant 15 : i32
    %and3A_36 = vector.broadcast %and3A_35 : i32 to vector<16xi32>
    %and3A_37 = arith.andi %add3A_34, %and3A_36 : vector<16xi32>
    %add3A_38 = arith.constant 6 : i32
    %add3A_39 = vector.broadcast %add3A_38 : i32 to vector<16xi32>
    %add3A_40 = arith.addi %iota3A, %add3A_39 : vector<16xi32>
    %and3A_41 = arith.constant 15 : i32
    %and3A_42 = vector.broadcast %and3A_41 : i32 to vector<16xi32>
    %and3A_43 = arith.andi %add3A_40, %and3A_42 : vector<16xi32>
    %add3A_44 = arith.constant 7 : i32
    %add3A_45 = vector.broadcast %add3A_44 : i32 to vector<16xi32>
    %add3A_46 = arith.addi %iota3A, %add3A_45 : vector<16xi32>
    %and3A_47 = arith.constant 15 : i32
    %and3A_48 = vector.broadcast %and3A_47 : i32 to vector<16xi32>
    %and3A_49 = arith.andi %add3A_46, %and3A_48 : vector<16xi32>
    %add3A_50 = arith.constant 8 : i32
    %add3A_51 = vector.broadcast %add3A_50 : i32 to vector<16xi32>
    %add3A_52 = arith.addi %iota3A, %add3A_51 : vector<16xi32>
    %and3A_53 = arith.constant 15 : i32
    %and3A_54 = vector.broadcast %and3A_53 : i32 to vector<16xi32>
    %and3A_55 = arith.andi %add3A_52, %and3A_54 : vector<16xi32>
    %add3A_56 = arith.constant 9 : i32
    %add3A_57 = vector.broadcast %add3A_56 : i32 to vector<16xi32>
    %add3A_58 = arith.addi %iota3A, %add3A_57 : vector<16xi32>
    %and3A_59 = arith.constant 15 : i32
    %and3A_60 = vector.broadcast %and3A_59 : i32 to vector<16xi32>
    %and3A_61 = arith.andi %add3A_58, %and3A_60 : vector<16xi32>
    %add3A_62 = arith.constant 10 : i32
    %add3A_63 = vector.broadcast %add3A_62 : i32 to vector<16xi32>
    %add3A_64 = arith.addi %iota3A, %add3A_63 : vector<16xi32>
    %and3A_65 = arith.constant 15 : i32
    %and3A_66 = vector.broadcast %and3A_65 : i32 to vector<16xi32>
    %and3A_67 = arith.andi %add3A_64, %and3A_66 : vector<16xi32>
    %add3A_68 = arith.constant 11 : i32
    %add3A_69 = vector.broadcast %add3A_68 : i32 to vector<16xi32>
    %add3A_70 = arith.addi %iota3A, %add3A_69 : vector<16xi32>
    %and3A_71 = arith.constant 15 : i32
    %and3A_72 = vector.broadcast %and3A_71 : i32 to vector<16xi32>
    %and3A_73 = arith.andi %add3A_70, %and3A_72 : vector<16xi32>
    %add3A_74 = arith.constant 12 : i32
    %add3A_75 = vector.broadcast %add3A_74 : i32 to vector<16xi32>
    %add3A_76 = arith.addi %iota3A, %add3A_75 : vector<16xi32>
    %and3A_77 = arith.constant 15 : i32
    %and3A_78 = vector.broadcast %and3A_77 : i32 to vector<16xi32>
    %and3A_79 = arith.andi %add3A_76, %and3A_78 : vector<16xi32>
    %add3A_80 = arith.constant 13 : i32
    %add3A_81 = vector.broadcast %add3A_80 : i32 to vector<16xi32>
    %add3A_82 = arith.addi %iota3A, %add3A_81 : vector<16xi32>
    %and3A_83 = arith.constant 15 : i32
    %and3A_84 = vector.broadcast %and3A_83 : i32 to vector<16xi32>
    %and3A_85 = arith.andi %add3A_82, %and3A_84 : vector<16xi32>
    %add3A_86 = arith.constant 14 : i32
    %add3A_87 = vector.broadcast %add3A_86 : i32 to vector<16xi32>
    %add3A_88 = arith.addi %iota3A, %add3A_87 : vector<16xi32>
    %and3A_89 = arith.constant 15 : i32
    %and3A_90 = vector.broadcast %and3A_89 : i32 to vector<16xi32>
    %and3A_91 = arith.andi %add3A_88, %and3A_90 : vector<16xi32>
    %add3A_92 = arith.constant 15 : i32
    %add3A_93 = vector.broadcast %add3A_92 : i32 to vector<16xi32>
    %add3A_94 = arith.addi %iota3A, %add3A_93 : vector<16xi32>
    %and3A_95 = arith.constant 15 : i32
    %and3A_96 = vector.broadcast %and3A_95 : i32 to vector<16xi32>
    %and3A_97 = arith.andi %add3A_94, %and3A_96 : vector<16xi32>
    %shift_right_arithmetic3A = arith.constant 3 : i32
    %shift_right_arithmetic3A_98 = vector.broadcast %shift_right_arithmetic3A : i32 to vector<16xi32>
    %shift_right_arithmetic3A_99 = arith.shrsi %and3A_7, %shift_right_arithmetic3A_98 : vector<16xi32>
    %shift_left3A = arith.constant 12 : i32
    %shift_left3A_100 = vector.broadcast %shift_left3A : i32 to vector<16xi32>
    %shift_left3A_101 = arith.shli %shift_right_arithmetic3A_99, %shift_left3A_100 : vector<16xi32>
    %and3A_102 = arith.constant 7 : i32
    %and3A_103 = vector.broadcast %and3A_102 : i32 to vector<16xi32>
    %and3A_104 = arith.andi %and3A_7, %and3A_103 : vector<16xi32>
    %shift_left3A_105 = arith.constant 7 : i32
    %shift_left3A_106 = vector.broadcast %shift_left3A_105 : i32 to vector<16xi32>
    %shift_left3A_107 = arith.shli %and3A_104, %shift_left3A_106 : vector<16xi32>
    %add3A_108 = arith.addi %shift_left3A_101, %shift_left3A_107 : vector<16xi32>
    %add3A_109 = arith.addi %add3A_108, %iota3A : vector<16xi32>
    %shift_right_arithmetic3A_110 = arith.constant 3 : i32
    %shift_right_arithmetic3A_111 = vector.broadcast %shift_right_arithmetic3A_110 : i32 to vector<16xi32>
    %shift_right_arithmetic3A_112 = arith.shrsi %and3A_13, %shift_right_arithmetic3A_111 : vector<16xi32>
    %shift_left3A_113 = arith.constant 12 : i32
    %shift_left3A_114 = vector.broadcast %shift_left3A_113 : i32 to vector<16xi32>
    %shift_left3A_115 = arith.shli %shift_right_arithmetic3A_112, %shift_left3A_114 : vector<16xi32>
    %and3A_116 = arith.constant 7 : i32
    %and3A_117 = vector.broadcast %and3A_116 : i32 to vector<16xi32>
    %and3A_118 = arith.andi %and3A_13, %and3A_117 : vector<16xi32>
    %shift_left3A_119 = arith.constant 7 : i32
    %shift_left3A_120 = vector.broadcast %shift_left3A_119 : i32 to vector<16xi32>
    %shift_left3A_121 = arith.shli %and3A_118, %shift_left3A_120 : vector<16xi32>
    %add3A_122 = arith.addi %shift_left3A_115, %shift_left3A_121 : vector<16xi32>
    %add3A_123 = arith.addi %add3A_122, %iota3A : vector<16xi32>
    %shift_right_arithmetic3A_124 = arith.constant 3 : i32
    %shift_right_arithmetic3A_125 = vector.broadcast %shift_right_arithmetic3A_124 : i32 to vector<16xi32>
    %shift_right_arithmetic3A_126 = arith.shrsi %and3A_19, %shift_right_arithmetic3A_125 : vector<16xi32>
    %shift_left3A_127 = arith.constant 12 : i32
    %shift_left3A_128 = vector.broadcast %shift_left3A_127 : i32 to vector<16xi32>
    %shift_left3A_129 = arith.shli %shift_right_arithmetic3A_126, %shift_left3A_128 : vector<16xi32>
    %and3A_130 = arith.constant 7 : i32
    %and3A_131 = vector.broadcast %and3A_130 : i32 to vector<16xi32>
    %and3A_132 = arith.andi %and3A_19, %and3A_131 : vector<16xi32>
    %shift_left3A_133 = arith.constant 7 : i32
    %shift_left3A_134 = vector.broadcast %shift_left3A_133 : i32 to vector<16xi32>
    %shift_left3A_135 = arith.shli %and3A_132, %shift_left3A_134 : vector<16xi32>
    %add3A_136 = arith.addi %shift_left3A_129, %shift_left3A_135 : vector<16xi32>
    %add3A_137 = arith.addi %add3A_136, %iota3A : vector<16xi32>
    %shift_right_arithmetic3A_138 = arith.constant 3 : i32
    %shift_right_arithmetic3A_139 = vector.broadcast %shift_right_arithmetic3A_138 : i32 to vector<16xi32>
    %shift_right_arithmetic3A_140 = arith.shrsi %and3A_25, %shift_right_arithmetic3A_139 : vector<16xi32>
    %shift_left3A_141 = arith.constant 12 : i32
    %shift_left3A_142 = vector.broadcast %shift_left3A_141 : i32 to vector<16xi32>
    %shift_left3A_143 = arith.shli %shift_right_arithmetic3A_140, %shift_left3A_142 : vector<16xi32>
    %and3A_144 = arith.constant 7 : i32
    %and3A_145 = vector.broadcast %and3A_144 : i32 to vector<16xi32>
    %and3A_146 = arith.andi %and3A_25, %and3A_145 : vector<16xi32>
    %shift_left3A_147 = arith.constant 7 : i32
    %shift_left3A_148 = vector.broadcast %shift_left3A_147 : i32 to vector<16xi32>
    %shift_left3A_149 = arith.shli %and3A_146, %shift_left3A_148 : vector<16xi32>
    %add3A_150 = arith.addi %shift_left3A_143, %shift_left3A_149 : vector<16xi32>
    %add3A_151 = arith.addi %add3A_150, %iota3A : vector<16xi32>
    %shift_right_arithmetic3A_152 = arith.constant 3 : i32
    %shift_right_arithmetic3A_153 = vector.broadcast %shift_right_arithmetic3A_152 : i32 to vector<16xi32>
    %shift_right_arithmetic3A_154 = arith.shrsi %and3A_31, %shift_right_arithmetic3A_153 : vector<16xi32>
    %shift_left3A_155 = arith.constant 12 : i32
    %shift_left3A_156 = vector.broadcast %shift_left3A_155 : i32 to vector<16xi32>
    %shift_left3A_157 = arith.shli %shift_right_arithmetic3A_154, %shift_left3A_156 : vector<16xi32>
    %and3A_158 = arith.constant 7 : i32
    %and3A_159 = vector.broadcast %and3A_158 : i32 to vector<16xi32>
    %and3A_160 = arith.andi %and3A_31, %and3A_159 : vector<16xi32>
    %shift_left3A_161 = arith.constant 7 : i32
    %shift_left3A_162 = vector.broadcast %shift_left3A_161 : i32 to vector<16xi32>
    %shift_left3A_163 = arith.shli %and3A_160, %shift_left3A_162 : vector<16xi32>
    %add3A_164 = arith.addi %shift_left3A_157, %shift_left3A_163 : vector<16xi32>
    %add3A_165 = arith.addi %add3A_164, %iota3A : vector<16xi32>
    %shift_right_arithmetic3A_166 = arith.constant 3 : i32
    %shift_right_arithmetic3A_167 = vector.broadcast %shift_right_arithmetic3A_166 : i32 to vector<16xi32>
    %shift_right_arithmetic3A_168 = arith.shrsi %and3A_37, %shift_right_arithmetic3A_167 : vector<16xi32>
    %shift_left3A_169 = arith.constant 12 : i32
    %shift_left3A_170 = vector.broadcast %shift_left3A_169 : i32 to vector<16xi32>
    %shift_left3A_171 = arith.shli %shift_right_arithmetic3A_168, %shift_left3A_170 : vector<16xi32>
    %and3A_172 = arith.constant 7 : i32
    %and3A_173 = vector.broadcast %and3A_172 : i32 to vector<16xi32>
    %and3A_174 = arith.andi %and3A_37, %and3A_173 : vector<16xi32>
    %shift_left3A_175 = arith.constant 7 : i32
    %shift_left3A_176 = vector.broadcast %shift_left3A_175 : i32 to vector<16xi32>
    %shift_left3A_177 = arith.shli %and3A_174, %shift_left3A_176 : vector<16xi32>
    %add3A_178 = arith.addi %shift_left3A_171, %shift_left3A_177 : vector<16xi32>
    %add3A_179 = arith.addi %add3A_178, %iota3A : vector<16xi32>
    %shift_right_arithmetic3A_180 = arith.constant 3 : i32
    %shift_right_arithmetic3A_181 = vector.broadcast %shift_right_arithmetic3A_180 : i32 to vector<16xi32>
    %shift_right_arithmetic3A_182 = arith.shrsi %and3A_43, %shift_right_arithmetic3A_181 : vector<16xi32>
    %shift_left3A_183 = arith.constant 12 : i32
    %shift_left3A_184 = vector.broadcast %shift_left3A_183 : i32 to vector<16xi32>
    %shift_left3A_185 = arith.shli %shift_right_arithmetic3A_182, %shift_left3A_184 : vector<16xi32>
    %and3A_186 = arith.constant 7 : i32
    %and3A_187 = vector.broadcast %and3A_186 : i32 to vector<16xi32>
    %and3A_188 = arith.andi %and3A_43, %and3A_187 : vector<16xi32>
    %shift_left3A_189 = arith.constant 7 : i32
    %shift_left3A_190 = vector.broadcast %shift_left3A_189 : i32 to vector<16xi32>
    %shift_left3A_191 = arith.shli %and3A_188, %shift_left3A_190 : vector<16xi32>
    %add3A_192 = arith.addi %shift_left3A_185, %shift_left3A_191 : vector<16xi32>
    %add3A_193 = arith.addi %add3A_192, %iota3A : vector<16xi32>
    %shift_right_arithmetic3A_194 = arith.constant 3 : i32
    %shift_right_arithmetic3A_195 = vector.broadcast %shift_right_arithmetic3A_194 : i32 to vector<16xi32>
    %shift_right_arithmetic3A_196 = arith.shrsi %and3A_49, %shift_right_arithmetic3A_195 : vector<16xi32>
    %shift_left3A_197 = arith.constant 12 : i32
    %shift_left3A_198 = vector.broadcast %shift_left3A_197 : i32 to vector<16xi32>
    %shift_left3A_199 = arith.shli %shift_right_arithmetic3A_196, %shift_left3A_198 : vector<16xi32>
    %and3A_200 = arith.constant 7 : i32
    %and3A_201 = vector.broadcast %and3A_200 : i32 to vector<16xi32>
    %and3A_202 = arith.andi %and3A_49, %and3A_201 : vector<16xi32>
    %shift_left3A_203 = arith.constant 7 : i32
    %shift_left3A_204 = vector.broadcast %shift_left3A_203 : i32 to vector<16xi32>
    %shift_left3A_205 = arith.shli %and3A_202, %shift_left3A_204 : vector<16xi32>
    %add3A_206 = arith.addi %shift_left3A_199, %shift_left3A_205 : vector<16xi32>
    %add3A_207 = arith.addi %add3A_206, %iota3A : vector<16xi32>
    %shift_right_arithmetic3A_208 = arith.constant 3 : i32
    %shift_right_arithmetic3A_209 = vector.broadcast %shift_right_arithmetic3A_208 : i32 to vector<16xi32>
    %shift_right_arithmetic3A_210 = arith.shrsi %and3A_55, %shift_right_arithmetic3A_209 : vector<16xi32>
    %shift_left3A_211 = arith.constant 12 : i32
    %shift_left3A_212 = vector.broadcast %shift_left3A_211 : i32 to vector<16xi32>
    %shift_left3A_213 = arith.shli %shift_right_arithmetic3A_210, %shift_left3A_212 : vector<16xi32>
    %and3A_214 = arith.constant 7 : i32
    %and3A_215 = vector.broadcast %and3A_214 : i32 to vector<16xi32>
    %and3A_216 = arith.andi %and3A_55, %and3A_215 : vector<16xi32>
    %shift_left3A_217 = arith.constant 7 : i32
    %shift_left3A_218 = vector.broadcast %shift_left3A_217 : i32 to vector<16xi32>
    %shift_left3A_219 = arith.shli %and3A_216, %shift_left3A_218 : vector<16xi32>
    %add3A_220 = arith.addi %shift_left3A_213, %shift_left3A_219 : vector<16xi32>
    %add3A_221 = arith.addi %add3A_220, %iota3A : vector<16xi32>
    %shift_right_arithmetic3A_222 = arith.constant 3 : i32
    %shift_right_arithmetic3A_223 = vector.broadcast %shift_right_arithmetic3A_222 : i32 to vector<16xi32>
    %shift_right_arithmetic3A_224 = arith.shrsi %and3A_61, %shift_right_arithmetic3A_223 : vector<16xi32>
    %shift_left3A_225 = arith.constant 12 : i32
    %shift_left3A_226 = vector.broadcast %shift_left3A_225 : i32 to vector<16xi32>
    %shift_left3A_227 = arith.shli %shift_right_arithmetic3A_224, %shift_left3A_226 : vector<16xi32>
    %and3A_228 = arith.constant 7 : i32
    %and3A_229 = vector.broadcast %and3A_228 : i32 to vector<16xi32>
    %and3A_230 = arith.andi %and3A_61, %and3A_229 : vector<16xi32>
    %shift_left3A_231 = arith.constant 7 : i32
    %shift_left3A_232 = vector.broadcast %shift_left3A_231 : i32 to vector<16xi32>
    %shift_left3A_233 = arith.shli %and3A_230, %shift_left3A_232 : vector<16xi32>
    %add3A_234 = arith.addi %shift_left3A_227, %shift_left3A_233 : vector<16xi32>
    %add3A_235 = arith.addi %add3A_234, %iota3A : vector<16xi32>
    %shift_right_arithmetic3A_236 = arith.constant 3 : i32
    %shift_right_arithmetic3A_237 = vector.broadcast %shift_right_arithmetic3A_236 : i32 to vector<16xi32>
    %shift_right_arithmetic3A_238 = arith.shrsi %and3A_67, %shift_right_arithmetic3A_237 : vector<16xi32>
    %shift_left3A_239 = arith.constant 12 : i32
    %shift_left3A_240 = vector.broadcast %shift_left3A_239 : i32 to vector<16xi32>
    %shift_left3A_241 = arith.shli %shift_right_arithmetic3A_238, %shift_left3A_240 : vector<16xi32>
    %and3A_242 = arith.constant 7 : i32
    %and3A_243 = vector.broadcast %and3A_242 : i32 to vector<16xi32>
    %and3A_244 = arith.andi %and3A_67, %and3A_243 : vector<16xi32>
    %shift_left3A_245 = arith.constant 7 : i32
    %shift_left3A_246 = vector.broadcast %shift_left3A_245 : i32 to vector<16xi32>
    %shift_left3A_247 = arith.shli %and3A_244, %shift_left3A_246 : vector<16xi32>
    %add3A_248 = arith.addi %shift_left3A_241, %shift_left3A_247 : vector<16xi32>
    %add3A_249 = arith.addi %add3A_248, %iota3A : vector<16xi32>
    %shift_right_arithmetic3A_250 = arith.constant 3 : i32
    %shift_right_arithmetic3A_251 = vector.broadcast %shift_right_arithmetic3A_250 : i32 to vector<16xi32>
    %shift_right_arithmetic3A_252 = arith.shrsi %and3A_73, %shift_right_arithmetic3A_251 : vector<16xi32>
    %shift_left3A_253 = arith.constant 12 : i32
    %shift_left3A_254 = vector.broadcast %shift_left3A_253 : i32 to vector<16xi32>
    %shift_left3A_255 = arith.shli %shift_right_arithmetic3A_252, %shift_left3A_254 : vector<16xi32>
    %and3A_256 = arith.constant 7 : i32
    %and3A_257 = vector.broadcast %and3A_256 : i32 to vector<16xi32>
    %and3A_258 = arith.andi %and3A_73, %and3A_257 : vector<16xi32>
    %shift_left3A_259 = arith.constant 7 : i32
    %shift_left3A_260 = vector.broadcast %shift_left3A_259 : i32 to vector<16xi32>
    %shift_left3A_261 = arith.shli %and3A_258, %shift_left3A_260 : vector<16xi32>
    %add3A_262 = arith.addi %shift_left3A_255, %shift_left3A_261 : vector<16xi32>
    %add3A_263 = arith.addi %add3A_262, %iota3A : vector<16xi32>
    %shift_right_arithmetic3A_264 = arith.constant 3 : i32
    %shift_right_arithmetic3A_265 = vector.broadcast %shift_right_arithmetic3A_264 : i32 to vector<16xi32>
    %shift_right_arithmetic3A_266 = arith.shrsi %and3A_79, %shift_right_arithmetic3A_265 : vector<16xi32>
    %shift_left3A_267 = arith.constant 12 : i32
    %shift_left3A_268 = vector.broadcast %shift_left3A_267 : i32 to vector<16xi32>
    %shift_left3A_269 = arith.shli %shift_right_arithmetic3A_266, %shift_left3A_268 : vector<16xi32>
    %and3A_270 = arith.constant 7 : i32
    %and3A_271 = vector.broadcast %and3A_270 : i32 to vector<16xi32>
    %and3A_272 = arith.andi %and3A_79, %and3A_271 : vector<16xi32>
    %shift_left3A_273 = arith.constant 7 : i32
    %shift_left3A_274 = vector.broadcast %shift_left3A_273 : i32 to vector<16xi32>
    %shift_left3A_275 = arith.shli %and3A_272, %shift_left3A_274 : vector<16xi32>
    %add3A_276 = arith.addi %shift_left3A_269, %shift_left3A_275 : vector<16xi32>
    %add3A_277 = arith.addi %add3A_276, %iota3A : vector<16xi32>
    %shift_right_arithmetic3A_278 = arith.constant 3 : i32
    %shift_right_arithmetic3A_279 = vector.broadcast %shift_right_arithmetic3A_278 : i32 to vector<16xi32>
    %shift_right_arithmetic3A_280 = arith.shrsi %and3A_85, %shift_right_arithmetic3A_279 : vector<16xi32>
    %shift_left3A_281 = arith.constant 12 : i32
    %shift_left3A_282 = vector.broadcast %shift_left3A_281 : i32 to vector<16xi32>
    %shift_left3A_283 = arith.shli %shift_right_arithmetic3A_280, %shift_left3A_282 : vector<16xi32>
    %and3A_284 = arith.constant 7 : i32
    %and3A_285 = vector.broadcast %and3A_284 : i32 to vector<16xi32>
    %and3A_286 = arith.andi %and3A_85, %and3A_285 : vector<16xi32>
    %shift_left3A_287 = arith.constant 7 : i32
    %shift_left3A_288 = vector.broadcast %shift_left3A_287 : i32 to vector<16xi32>
    %shift_left3A_289 = arith.shli %and3A_286, %shift_left3A_288 : vector<16xi32>
    %add3A_290 = arith.addi %shift_left3A_283, %shift_left3A_289 : vector<16xi32>
    %add3A_291 = arith.addi %add3A_290, %iota3A : vector<16xi32>
    %shift_right_arithmetic3A_292 = arith.constant 3 : i32
    %shift_right_arithmetic3A_293 = vector.broadcast %shift_right_arithmetic3A_292 : i32 to vector<16xi32>
    %shift_right_arithmetic3A_294 = arith.shrsi %and3A_91, %shift_right_arithmetic3A_293 : vector<16xi32>
    %shift_left3A_295 = arith.constant 12 : i32
    %shift_left3A_296 = vector.broadcast %shift_left3A_295 : i32 to vector<16xi32>
    %shift_left3A_297 = arith.shli %shift_right_arithmetic3A_294, %shift_left3A_296 : vector<16xi32>
    %and3A_298 = arith.constant 7 : i32
    %and3A_299 = vector.broadcast %and3A_298 : i32 to vector<16xi32>
    %and3A_300 = arith.andi %and3A_91, %and3A_299 : vector<16xi32>
    %shift_left3A_301 = arith.constant 7 : i32
    %shift_left3A_302 = vector.broadcast %shift_left3A_301 : i32 to vector<16xi32>
    %shift_left3A_303 = arith.shli %and3A_300, %shift_left3A_302 : vector<16xi32>
    %add3A_304 = arith.addi %shift_left3A_297, %shift_left3A_303 : vector<16xi32>
    %add3A_305 = arith.addi %add3A_304, %iota3A : vector<16xi32>
    %shift_right_arithmetic3A_306 = arith.constant 3 : i32
    %shift_right_arithmetic3A_307 = vector.broadcast %shift_right_arithmetic3A_306 : i32 to vector<16xi32>
    %shift_right_arithmetic3A_308 = arith.shrsi %and3A_97, %shift_right_arithmetic3A_307 : vector<16xi32>
    %shift_left3A_309 = arith.constant 12 : i32
    %shift_left3A_310 = vector.broadcast %shift_left3A_309 : i32 to vector<16xi32>
    %shift_left3A_311 = arith.shli %shift_right_arithmetic3A_308, %shift_left3A_310 : vector<16xi32>
    %and3A_312 = arith.constant 7 : i32
    %and3A_313 = vector.broadcast %and3A_312 : i32 to vector<16xi32>
    %and3A_314 = arith.andi %and3A_97, %and3A_313 : vector<16xi32>
    %shift_left3A_315 = arith.constant 7 : i32
    %shift_left3A_316 = vector.broadcast %shift_left3A_315 : i32 to vector<16xi32>
    %shift_left3A_317 = arith.shli %and3A_314, %shift_left3A_316 : vector<16xi32>
    %add3A_318 = arith.addi %shift_left3A_311, %shift_left3A_317 : vector<16xi32>
    %add3A_319 = arith.addi %add3A_318, %iota3A : vector<16xi32>
    %dma_start3A = arith.constant 0 : i32
    %dma_start3A_320 = tpu.memref_slice %arg10[%dma_start3A] : memref<16384xf32, #tpu.memory_space<vmem>> -> memref<4096xf32, #tpu.memory_space<vmem>>
    %dma_start3A_321 = arith.constant 0 : i32
    %dma_start3A_322 = tpu.memref_slice %arg10[%dma_start3A_321] : memref<16384xf32, #tpu.memory_space<vmem>> -> memref<4096xf32, #tpu.memory_space<vmem>>
    tpu.enqueue_dma source(%dma_start3A_322 : memref<4096xf32, #tpu.memory_space<vmem>>) target(%arg5 : memref<4096xf32, #tpu.memory_space<hbm>>) target_semaphore(%arg16 : memref<!tpu.dma_semaphore, #tpu.memory_space<semaphore_mem>>)
    %dma_start3A_323 = arith.constant 4096 : i32
    %dma_start3A_324 = tpu.memref_slice %arg10[%dma_start3A_323] : memref<16384xf32, #tpu.memory_space<vmem>> -> memref<4096xf32, #tpu.memory_space<vmem>>
    %dma_start3A_325 = arith.constant 4096 : i32
    %dma_start3A_326 = tpu.memref_slice %arg10[%dma_start3A_325] : memref<16384xf32, #tpu.memory_space<vmem>> -> memref<4096xf32, #tpu.memory_space<vmem>>
    tpu.enqueue_dma source(%dma_start3A_326 : memref<4096xf32, #tpu.memory_space<vmem>>) target(%arg5 : memref<4096xf32, #tpu.memory_space<hbm>>) target_semaphore(%arg16 : memref<!tpu.dma_semaphore, #tpu.memory_space<semaphore_mem>>)
    %dma_start3A_327 = arith.constant 8192 : i32
    %dma_start3A_328 = tpu.memref_slice %arg10[%dma_start3A_327] : memref<16384xf32, #tpu.memory_space<vmem>> -> memref<4096xf32, #tpu.memory_space<vmem>>
    %dma_start3A_329 = arith.constant 8192 : i32
    %dma_start3A_330 = tpu.memref_slice %arg10[%dma_start3A_329] : memref<16384xf32, #tpu.memory_space<vmem>> -> memref<4096xf32, #tpu.memory_space<vmem>>
    tpu.enqueue_dma source(%dma_start3A_330 : memref<4096xf32, #tpu.memory_space<vmem>>) target(%arg5 : memref<4096xf32, #tpu.memory_space<hbm>>) target_semaphore(%arg16 : memref<!tpu.dma_semaphore, #tpu.memory_space<semaphore_mem>>)
    %dma_start3A_331 = arith.constant 12288 : i32
    %dma_start3A_332 = tpu.memref_slice %arg10[%dma_start3A_331] : memref<16384xf32, #tpu.memory_space<vmem>> -> memref<4096xf32, #tpu.memory_space<vmem>>
    %dma_start3A_333 = arith.constant 12288 : i32
    %dma_start3A_334 = tpu.memref_slice %arg10[%dma_start3A_333] : memref<16384xf32, #tpu.memory_space<vmem>> -> memref<4096xf32, #tpu.memory_space<vmem>>
    tpu.enqueue_dma source(%dma_start3A_334 : memref<4096xf32, #tpu.memory_space<vmem>>) target(%arg5 : memref<4096xf32, #tpu.memory_space<hbm>>) target_semaphore(%arg16 : memref<!tpu.dma_semaphore, #tpu.memory_space<semaphore_mem>>)
    %dma_start3A_335 = arith.constant 0 : i32
    %dma_start3A_336 = tpu.memref_slice %arg11[%dma_start3A_335] : memref<16384xf32, #tpu.memory_space<vmem>> -> memref<4096xf32, #tpu.memory_space<vmem>>
    %dma_start3A_337 = arith.constant 0 : i32
    %dma_start3A_338 = tpu.memref_slice %arg11[%dma_start3A_337] : memref<16384xf32, #tpu.memory_space<vmem>> -> memref<4096xf32, #tpu.memory_space<vmem>>
    tpu.enqueue_dma source(%dma_start3A_338 : memref<4096xf32, #tpu.memory_space<vmem>>) target(%arg5 : memref<4096xf32, #tpu.memory_space<hbm>>) target_semaphore(%arg17 : memref<!tpu.dma_semaphore, #tpu.memory_space<semaphore_mem>>)
    %dma_start3A_339 = arith.constant 4096 : i32
    %dma_start3A_340 = tpu.memref_slice %arg11[%dma_start3A_339] : memref<16384xf32, #tpu.memory_space<vmem>> -> memref<4096xf32, #tpu.memory_space<vmem>>
    %dma_start3A_341 = arith.constant 4096 : i32
    %dma_start3A_342 = tpu.memref_slice %arg11[%dma_start3A_341] : memref<16384xf32, #tpu.memory_space<vmem>> -> memref<4096xf32, #tpu.memory_space<vmem>>
    tpu.enqueue_dma source(%dma_start3A_342 : memref<4096xf32, #tpu.memory_space<vmem>>) target(%arg5 : memref<4096xf32, #tpu.memory_space<hbm>>) target_semaphore(%arg17 : memref<!tpu.dma_semaphore, #tpu.memory_space<semaphore_mem>>)
    %dma_start3A_343 = arith.constant 8192 : i32
    %dma_start3A_344 = tpu.memref_slice %arg11[%dma_start3A_343] : memref<16384xf32, #tpu.memory_space<vmem>> -> memref<4096xf32, #tpu.memory_space<vmem>>
    %dma_start3A_345 = arith.constant 8192 : i32
    %dma_start3A_346 = tpu.memref_slice %arg11[%dma_start3A_345] : memref<16384xf32, #tpu.memory_space<vmem>> -> memref<4096xf32, #tpu.memory_space<vmem>>
    tpu.enqueue_dma source(%dma_start3A_346 : memref<4096xf32, #tpu.memory_space<vmem>>) target(%arg5 : memref<4096xf32, #tpu.memory_space<hbm>>) target_semaphore(%arg17 : memref<!tpu.dma_semaphore, #tpu.memory_space<semaphore_mem>>)
    %dma_start3A_347 = arith.constant 12288 : i32
    %dma_start3A_348 = tpu.memref_slice %arg11[%dma_start3A_347] : memref<16384xf32, #tpu.memory_space<vmem>> -> memref<4096xf32, #tpu.memory_space<vmem>>
    %dma_start3A_349 = arith.constant 12288 : i32
    %dma_start3A_350 = tpu.memref_slice %arg11[%dma_start3A_349] : memref<16384xf32, #tpu.memory_space<vmem>> -> memref<4096xf32, #tpu.memory_space<vmem>>
    tpu.enqueue_dma source(%dma_start3A_350 : memref<4096xf32, #tpu.memory_space<vmem>>) target(%arg5 : memref<4096xf32, #tpu.memory_space<hbm>>) target_semaphore(%arg17 : memref<!tpu.dma_semaphore, #tpu.memory_space<semaphore_mem>>)
    %add3A_351 = arith.constant 0 : i32
    %add3A_352 = arith.addi %mul3A_2, %add3A_351 : i32
    %mul3A_353 = arith.constant 512 : i32
    %mul3A_354 = arith.muli %add3A_352, %mul3A_353 : i32
    %dma_start3A_355 = tpu.memref_slice %arg2[%mul3A_354] : memref<819200xi32, #tpu.memory_space<hbm>> -> memref<512xi32, #tpu.memory_space<hbm>>
    %dma_start3A_356 = tpu.memref_slice %arg2[%mul3A_354] : memref<819200xi32, #tpu.memory_space<hbm>> -> memref<512xi32, #tpu.memory_space<hbm>>
    tpu.enqueue_dma source(%dma_start3A_356 : memref<512xi32, #tpu.memory_space<hbm>>) target(%arg6 : memref<512xi32, #tpu.memory_space<vmem>>) target_semaphore(%arg12 : memref<!tpu.dma_semaphore, #tpu.memory_space<semaphore_mem>>)
    %add3A_357 = arith.constant 1 : i32
    %add3A_358 = arith.addi %mul3A_2, %add3A_357 : i32
    %mul3A_359 = arith.constant 512 : i32
    %mul3A_360 = arith.muli %add3A_358, %mul3A_359 : i32
    %dma_start3A_361 = tpu.memref_slice %arg2[%mul3A_360] : memref<819200xi32, #tpu.memory_space<hbm>> -> memref<512xi32, #tpu.memory_space<hbm>>
    %dma_start3A_362 = tpu.memref_slice %arg2[%mul3A_360] : memref<819200xi32, #tpu.memory_space<hbm>> -> memref<512xi32, #tpu.memory_space<hbm>>
    tpu.enqueue_dma source(%dma_start3A_362 : memref<512xi32, #tpu.memory_space<hbm>>) target(%arg7 : memref<512xi32, #tpu.memory_space<vmem>>) target_semaphore(%arg13 : memref<!tpu.dma_semaphore, #tpu.memory_space<semaphore_mem>>)
    %dma_wait3A = arith.constant 0 : i32
    %dma_wait3A_363 = tpu.memref_slice %arg2[%dma_wait3A] : memref<819200xi32, #tpu.memory_space<hbm>> -> memref<512xi32, #tpu.memory_space<hbm>>
    %dma_wait3A_364 = arith.constant 0 : i32
    %dma_wait3A_365 = tpu.memref_slice %arg2[%dma_wait3A_364] : memref<819200xi32, #tpu.memory_space<hbm>> -> memref<512xi32, #tpu.memory_space<hbm>>
    tpu.wait_dma2 semaphore(%arg12 : memref<!tpu.dma_semaphore, #tpu.memory_space<semaphore_mem>>) src(%dma_wait3A_365 : memref<512xi32, #tpu.memory_space<hbm>>) dst(%arg6 : memref<512xi32, #tpu.memory_space<vmem>>)
    %dma_start3A_366 = arith.constant 0 : i32
    %dma_start3A_367 = arith.constant 0 : i32
    %dma_start3A_368 = tpu.memref_slice %arg3[%dma_start3A_366, %dma_start3A_367] : memref<1000000x32xf32, #tpu.memory_space<hbm>> -> memref<1000000x32xf32, #tpu.memory_space<hbm>>
    tpu.enqueue_indirect_dma source(%dma_start3A_368 : memref<1000000x32xf32, #tpu.memory_space<hbm>>) target(%arg8 : memref<512x32xf32, #tpu.memory_space<vmem>>) offsets(%arg6 : memref<512xi32, #tpu.memory_space<vmem>>) semaphore(%arg14 : memref<!tpu.dma_semaphore, #tpu.memory_space<semaphore_mem>>)
    %scan3A = arith.constant 0 : i32
    %scan3A_369 = arith.constant 0 : i32
    %scan3A_370 = arith.constant 25 : i32
    %scan3A_371 = arith.addi %scan3A_369, %scan3A_370 : i32
    %scan3A_372 = arith.constant 1 : i32
    scf.for %scan3A_413 = %scan3A_369 to %scan3A_371 step %scan3A_372  : i32 {
      %mul3A_414 = arith.constant 2 : i32
      %mul3A_415 = arith.muli %mul3A_414, %scan3A_413 : i32
      %dma_wait3A_416 = arith.constant 0 : i32
      %dma_wait3A_417 = arith.constant 0 : i32
      %dma_wait3A_418 = tpu.memref_slice %arg3[%dma_wait3A_416, %dma_wait3A_417] : memref<1000000x32xf32, #tpu.memory_space<hbm>> -> memref<1000000x32xf32, #tpu.memory_space<hbm>>
      tpu.wait_indirect_dma semaphore(%arg14 : memref<!tpu.dma_semaphore, #tpu.memory_space<semaphore_mem>>) src(%dma_wait3A_418 : memref<1000000x32xf32, #tpu.memory_space<hbm>>) dst(%arg8 : memref<512x32xf32, #tpu.memory_space<vmem>>)
      %add3A_419 = arith.constant 2 : i32
      %add3A_420 = arith.addi %mul3A_415, %add3A_419 : i32
      %min3A = arith.constant 49 : i32
      %min3A_421 = arith.minsi %add3A_420, %min3A : i32
      %add3A_422 = arith.addi %mul3A_2, %min3A_421 : i32
      %mul3A_423 = arith.constant 512 : i32
      %mul3A_424 = arith.muli %add3A_422, %mul3A_423 : i32
      %dma_start3A_425 = tpu.memref_slice %arg2[%mul3A_424] : memref<819200xi32, #tpu.memory_space<hbm>> -> memref<512xi32, #tpu.memory_space<hbm>>
      %dma_start3A_426 = tpu.memref_slice %arg2[%mul3A_424] : memref<819200xi32, #tpu.memory_space<hbm>> -> memref<512xi32, #tpu.memory_space<hbm>>
      tpu.enqueue_dma source(%dma_start3A_426 : memref<512xi32, #tpu.memory_space<hbm>>) target(%arg6 : memref<512xi32, #tpu.memory_space<vmem>>) target_semaphore(%arg12 : memref<!tpu.dma_semaphore, #tpu.memory_space<semaphore_mem>>)
      %dma_wait3A_427 = arith.constant 0 : i32
      %dma_wait3A_428 = tpu.memref_slice %arg2[%dma_wait3A_427] : memref<819200xi32, #tpu.memory_space<hbm>> -> memref<512xi32, #tpu.memory_space<hbm>>
      %dma_wait3A_429 = arith.constant 0 : i32
      %dma_wait3A_430 = tpu.memref_slice %arg2[%dma_wait3A_429] : memref<819200xi32, #tpu.memory_space<hbm>> -> memref<512xi32, #tpu.memory_space<hbm>>
      tpu.wait_dma2 semaphore(%arg13 : memref<!tpu.dma_semaphore, #tpu.memory_space<semaphore_mem>>) src(%dma_wait3A_430 : memref<512xi32, #tpu.memory_space<hbm>>) dst(%arg7 : memref<512xi32, #tpu.memory_space<vmem>>)
      %dma_start3A_431 = arith.constant 0 : i32
      %dma_start3A_432 = arith.constant 0 : i32
      %dma_start3A_433 = tpu.memref_slice %arg3[%dma_start3A_431, %dma_start3A_432] : memref<1000000x32xf32, #tpu.memory_space<hbm>> -> memref<1000000x32xf32, #tpu.memory_space<hbm>>
      tpu.enqueue_indirect_dma source(%dma_start3A_433 : memref<1000000x32xf32, #tpu.memory_space<hbm>>) target(%arg9 : memref<512x32xf32, #tpu.memory_space<vmem>>) offsets(%arg7 : memref<512xi32, #tpu.memory_space<vmem>>) semaphore(%arg15 : memref<!tpu.dma_semaphore, #tpu.memory_space<semaphore_mem>>)
      %dma_wait3A_434 = arith.constant 0 : i32
      %dma_wait3A_435 = tpu.memref_slice %arg10[%dma_wait3A_434] : memref<16384xf32, #tpu.memory_space<vmem>> -> memref<4096xf32, #tpu.memory_space<vmem>>
      %dma_wait3A_436 = arith.constant 0 : i32
      %dma_wait3A_437 = tpu.memref_slice %arg10[%dma_wait3A_436] : memref<16384xf32, #tpu.memory_space<vmem>> -> memref<4096xf32, #tpu.memory_space<vmem>>
      tpu.wait_dma2 semaphore(%arg16 : memref<!tpu.dma_semaphore, #tpu.memory_space<semaphore_mem>>) src(%dma_wait3A_437 : memref<4096xf32, #tpu.memory_space<vmem>>) dst(%arg5 : memref<4096xf32, #tpu.memory_space<hbm>>)
      %dma_wait3A_438 = arith.constant 4096 : i32
      %dma_wait3A_439 = tpu.memref_slice %arg10[%dma_wait3A_438] : memref<16384xf32, #tpu.memory_space<vmem>> -> memref<4096xf32, #tpu.memory_space<vmem>>
      %dma_wait3A_440 = arith.constant 4096 : i32
      %dma_wait3A_441 = tpu.memref_slice %arg10[%dma_wait3A_440] : memref<16384xf32, #tpu.memory_space<vmem>> -> memref<4096xf32, #tpu.memory_space<vmem>>
      tpu.wait_dma2 semaphore(%arg16 : memref<!tpu.dma_semaphore, #tpu.memory_space<semaphore_mem>>) src(%dma_wait3A_441 : memref<4096xf32, #tpu.memory_space<vmem>>) dst(%arg5 : memref<4096xf32, #tpu.memory_space<hbm>>)
      %dma_wait3A_442 = arith.constant 8192 : i32
      %dma_wait3A_443 = tpu.memref_slice %arg10[%dma_wait3A_442] : memref<16384xf32, #tpu.memory_space<vmem>> -> memref<4096xf32, #tpu.memory_space<vmem>>
      %dma_wait3A_444 = arith.constant 8192 : i32
      %dma_wait3A_445 = tpu.memref_slice %arg10[%dma_wait3A_444] : memref<16384xf32, #tpu.memory_space<vmem>> -> memref<4096xf32, #tpu.memory_space<vmem>>
      tpu.wait_dma2 semaphore(%arg16 : memref<!tpu.dma_semaphore, #tpu.memory_space<semaphore_mem>>) src(%dma_wait3A_445 : memref<4096xf32, #tpu.memory_space<vmem>>) dst(%arg5 : memref<4096xf32, #tpu.memory_space<hbm>>)
      %dma_wait3A_446 = arith.constant 12288 : i32
      %dma_wait3A_447 = tpu.memref_slice %arg10[%dma_wait3A_446] : memref<16384xf32, #tpu.memory_space<vmem>> -> memref<4096xf32, #tpu.memory_space<vmem>>
      %dma_wait3A_448 = arith.constant 12288 : i32
      %dma_wait3A_449 = tpu.memref_slice %arg10[%dma_wait3A_448] : memref<16384xf32, #tpu.memory_space<vmem>> -> memref<4096xf32, #tpu.memory_space<vmem>>
      tpu.wait_dma2 semaphore(%arg16 : memref<!tpu.dma_semaphore, #tpu.memory_space<semaphore_mem>>) src(%dma_wait3A_449 : memref<4096xf32, #tpu.memory_space<vmem>>) dst(%arg5 : memref<4096xf32, #tpu.memory_space<hbm>>)
      %parallel_loop3A = arith.constant 0 : i32
      %parallel_loop3A_450 = arith.constant 32 : i32
      %parallel_loop3A_451 = arith.constant 1 : i32
      scf.for %parallel_loop3A_645 = %parallel_loop3A to %parallel_loop3A_450 step %parallel_loop3A_451  : i32 {
        %parallel_loop3A_646 = arith.constant 16 : i32
        %parallel_loop3A_647 = arith.muli %parallel_loop3A_646, %parallel_loop3A_645 : i32
        %parallel_loop3A_648 = vector.broadcast %parallel_loop3A_647 : i32 to vector<16xi32>
        %parallel_loop3A_649 = arith.addi %parallel_loop3A_648, %iota3A : vector<16xi32>
        %parallel_loop3A_650 = arith.constant 3 : i32
        %parallel_loop3A_651 = arith.shrsi %parallel_loop3A_645, %parallel_loop3A_650 : i32
        %parallel_loop3A_652 = arith.constant 7 : i32
        %parallel_loop3A_653 = arith.andi %parallel_loop3A_645, %parallel_loop3A_652 : i32
        %parallel_loop3A_654 = arith.constant 4 : i32
        %parallel_loop3A_655 = arith.shli %parallel_loop3A_653, %parallel_loop3A_654 : i32
        %parallel_loop3A_656 = arith.constant 10 : i32
        %parallel_loop3A_657 = arith.shli %parallel_loop3A_651, %parallel_loop3A_656 : i32
        %parallel_loop3A_658 = arith.addi %parallel_loop3A_657, %parallel_loop3A_655 : i32
        %parallel_loop3A_659 = arith.constant 0 : i32
        %parallel_loop3A_660 = arith.addi %parallel_loop3A_658, %parallel_loop3A_659 : i32
        %parallel_loop3A_661 = tpu.vector_load_idx %arg8[%parallel_loop3A_649, %and3A_7] : memref<512x32xf32, #tpu.memory_space<vmem>>[vector<16xi32>, vector<16xi32>], vector<16xf32>,
        %parallel_loop3A_662 = vector.broadcast %parallel_loop3A_660 : i32 to vector<16xi32>
        %parallel_loop3A_663 = arith.addi %add3A_109, %parallel_loop3A_662 : vector<16xi32>
        tpu.vector_store_idx %arg10[%parallel_loop3A_663], %parallel_loop3A_661 : memref<16384xf32, #tpu.memory_space<vmem>>[vector<16xi32>], vector<16xf32>,
        %parallel_loop3A_664 = tpu.vector_load_idx %arg8[%parallel_loop3A_649, %and3A_13] : memref<512x32xf32, #tpu.memory_space<vmem>>[vector<16xi32>, vector<16xi32>], vector<16xf32>,
        %parallel_loop3A_665 = vector.broadcast %parallel_loop3A_660 : i32 to vector<16xi32>
        %parallel_loop3A_666 = arith.addi %add3A_123, %parallel_loop3A_665 : vector<16xi32>
        tpu.vector_store_idx %arg10[%parallel_loop3A_666], %parallel_loop3A_664 : memref<16384xf32, #tpu.memory_space<vmem>>[vector<16xi32>], vector<16xf32>,
        %parallel_loop3A_667 = tpu.vector_load_idx %arg8[%parallel_loop3A_649, %and3A_19] : memref<512x32xf32, #tpu.memory_space<vmem>>[vector<16xi32>, vector<16xi32>], vector<16xf32>,
        %parallel_loop3A_668 = vector.broadcast %parallel_loop3A_660 : i32 to vector<16xi32>
        %parallel_loop3A_669 = arith.addi %add3A_137, %parallel_loop3A_668 : vector<16xi32>
        tpu.vector_store_idx %arg10[%parallel_loop3A_669], %parallel_loop3A_667 : memref<16384xf32, #tpu.memory_space<vmem>>[vector<16xi32>], vector<16xf32>,
        %parallel_loop3A_670 = tpu.vector_load_idx %arg8[%parallel_loop3A_649, %and3A_25] : memref<512x32xf32, #tpu.memory_space<vmem>>[vector<16xi32>, vector<16xi32>], vector<16xf32>,
        %parallel_loop3A_671 = vector.broadcast %parallel_loop3A_660 : i32 to vector<16xi32>
        %parallel_loop3A_672 = arith.addi %add3A_151, %parallel_loop3A_671 : vector<16xi32>
        tpu.vector_store_idx %arg10[%parallel_loop3A_672], %parallel_loop3A_670 : memref<16384xf32, #tpu.memory_space<vmem>>[vector<16xi32>], vector<16xf32>,
        %parallel_loop3A_673 = tpu.vector_load_idx %arg8[%parallel_loop3A_649, %and3A_31] : memref<512x32xf32, #tpu.memory_space<vmem>>[vector<16xi32>, vector<16xi32>], vector<16xf32>,
        %parallel_loop3A_674 = vector.broadcast %parallel_loop3A_660 : i32 to vector<16xi32>
        %parallel_loop3A_675 = arith.addi %add3A_165, %parallel_loop3A_674 : vector<16xi32>
        tpu.vector_store_idx %arg10[%parallel_loop3A_675], %parallel_loop3A_673 : memref<16384xf32, #tpu.memory_space<vmem>>[vector<16xi32>], vector<16xf32>,
        %parallel_loop3A_676 = tpu.vector_load_idx %arg8[%parallel_loop3A_649, %and3A_37] : memref<512x32xf32, #tpu.memory_space<vmem>>[vector<16xi32>, vector<16xi32>], vector<16xf32>,
        %parallel_loop3A_677 = vector.broadcast %parallel_loop3A_660 : i32 to vector<16xi32>
        %parallel_loop3A_678 = arith.addi %add3A_179, %parallel_loop3A_677 : vector<16xi32>
        tpu.vector_store_idx %arg10[%parallel_loop3A_678], %parallel_loop3A_676 : memref<16384xf32, #tpu.memory_space<vmem>>[vector<16xi32>], vector<16xf32>,
        %parallel_loop3A_679 = tpu.vector_load_idx %arg8[%parallel_loop3A_649, %and3A_43] : memref<512x32xf32, #tpu.memory_space<vmem>>[vector<16xi32>, vector<16xi32>], vector<16xf32>,
        %parallel_loop3A_680 = vector.broadcast %parallel_loop3A_660 : i32 to vector<16xi32>
        %parallel_loop3A_681 = arith.addi %add3A_193, %parallel_loop3A_680 : vector<16xi32>
        tpu.vector_store_idx %arg10[%parallel_loop3A_681], %parallel_loop3A_679 : memref<16384xf32, #tpu.memory_space<vmem>>[vector<16xi32>], vector<16xf32>,
        %parallel_loop3A_682 = tpu.vector_load_idx %arg8[%parallel_loop3A_649, %and3A_49] : memref<512x32xf32, #tpu.memory_space<vmem>>[vector<16xi32>, vector<16xi32>], vector<16xf32>,
        %parallel_loop3A_683 = vector.broadcast %parallel_loop3A_660 : i32 to vector<16xi32>
        %parallel_loop3A_684 = arith.addi %add3A_207, %parallel_loop3A_683 : vector<16xi32>
        tpu.vector_store_idx %arg10[%parallel_loop3A_684], %parallel_loop3A_682 : memref<16384xf32, #tpu.memory_space<vmem>>[vector<16xi32>], vector<16xf32>,
        %parallel_loop3A_685 = tpu.vector_load_idx %arg8[%parallel_loop3A_649, %and3A_55] : memref<512x32xf32, #tpu.memory_space<vmem>>[vector<16xi32>, vector<16xi32>], vector<16xf32>,
        %parallel_loop3A_686 = vector.broadcast %parallel_loop3A_660 : i32 to vector<16xi32>
        %parallel_loop3A_687 = arith.addi %add3A_221, %parallel_loop3A_686 : vector<16xi32>
        tpu.vector_store_idx %arg10[%parallel_loop3A_687], %parallel_loop3A_685 : memref<16384xf32, #tpu.memory_space<vmem>>[vector<16xi32>], vector<16xf32>,
        %parallel_loop3A_688 = tpu.vector_load_idx %arg8[%parallel_loop3A_649, %and3A_61] : memref<512x32xf32, #tpu.memory_space<vmem>>[vector<16xi32>, vector<16xi32>], vector<16xf32>,
        %parallel_loop3A_689 = vector.broadcast %parallel_loop3A_660 : i32 to vector<16xi32>
        %parallel_loop3A_690 = arith.addi %add3A_235, %parallel_loop3A_689 : vector<16xi32>
        tpu.vector_store_idx %arg10[%parallel_loop3A_690], %parallel_loop3A_688 : memref<16384xf32, #tpu.memory_space<vmem>>[vector<16xi32>], vector<16xf32>,
        %parallel_loop3A_691 = tpu.vector_load_idx %arg8[%parallel_loop3A_649, %and3A_67] : memref<512x32xf32, #tpu.memory_space<vmem>>[vector<16xi32>, vector<16xi32>], vector<16xf32>,
        %parallel_loop3A_692 = vector.broadcast %parallel_loop3A_660 : i32 to vector<16xi32>
        %parallel_loop3A_693 = arith.addi %add3A_249, %parallel_loop3A_692 : vector<16xi32>
        tpu.vector_store_idx %arg10[%parallel_loop3A_693], %parallel_loop3A_691 : memref<16384xf32, #tpu.memory_space<vmem>>[vector<16xi32>], vector<16xf32>,
        %parallel_loop3A_694 = tpu.vector_load_idx %arg8[%parallel_loop3A_649, %and3A_73] : memref<512x32xf32, #tpu.memory_space<vmem>>[vector<16xi32>, vector<16xi32>], vector<16xf32>,
        %parallel_loop3A_695 = vector.broadcast %parallel_loop3A_660 : i32 to vector<16xi32>
        %parallel_loop3A_696 = arith.addi %add3A_263, %parallel_loop3A_695 : vector<16xi32>
        tpu.vector_store_idx %arg10[%parallel_loop3A_696], %parallel_loop3A_694 : memref<16384xf32, #tpu.memory_space<vmem>>[vector<16xi32>], vector<16xf32>,
        %parallel_loop3A_697 = tpu.vector_load_idx %arg8[%parallel_loop3A_649, %and3A_79] : memref<512x32xf32, #tpu.memory_space<vmem>>[vector<16xi32>, vector<16xi32>], vector<16xf32>,
        %parallel_loop3A_698 = vector.broadcast %parallel_loop3A_660 : i32 to vector<16xi32>
        %parallel_loop3A_699 = arith.addi %add3A_277, %parallel_loop3A_698 : vector<16xi32>
        tpu.vector_store_idx %arg10[%parallel_loop3A_699], %parallel_loop3A_697 : memref<16384xf32, #tpu.memory_space<vmem>>[vector<16xi32>], vector<16xf32>,
        %parallel_loop3A_700 = tpu.vector_load_idx %arg8[%parallel_loop3A_649, %and3A_85] : memref<512x32xf32, #tpu.memory_space<vmem>>[vector<16xi32>, vector<16xi32>], vector<16xf32>,
        %parallel_loop3A_701 = vector.broadcast %parallel_loop3A_660 : i32 to vector<16xi32>
        %parallel_loop3A_702 = arith.addi %add3A_291, %parallel_loop3A_701 : vector<16xi32>
        tpu.vector_store_idx %arg10[%parallel_loop3A_702], %parallel_loop3A_700 : memref<16384xf32, #tpu.memory_space<vmem>>[vector<16xi32>], vector<16xf32>,
        %parallel_loop3A_703 = tpu.vector_load_idx %arg8[%parallel_loop3A_649, %and3A_91] : memref<512x32xf32, #tpu.memory_space<vmem>>[vector<16xi32>, vector<16xi32>], vector<16xf32>,
        %parallel_loop3A_704 = vector.broadcast %parallel_loop3A_660 : i32 to vector<16xi32>
        %parallel_loop3A_705 = arith.addi %add3A_305, %parallel_loop3A_704 : vector<16xi32>
        tpu.vector_store_idx %arg10[%parallel_loop3A_705], %parallel_loop3A_703 : memref<16384xf32, #tpu.memory_space<vmem>>[vector<16xi32>], vector<16xf32>,
        %parallel_loop3A_706 = tpu.vector_load_idx %arg8[%parallel_loop3A_649, %and3A_97] : memref<512x32xf32, #tpu.memory_space<vmem>>[vector<16xi32>, vector<16xi32>], vector<16xf32>,
        %parallel_loop3A_707 = vector.broadcast %parallel_loop3A_660 : i32 to vector<16xi32>
        %parallel_loop3A_708 = arith.addi %add3A_319, %parallel_loop3A_707 : vector<16xi32>
        tpu.vector_store_idx %arg10[%parallel_loop3A_708], %parallel_loop3A_706 : memref<16384xf32, #tpu.memory_space<vmem>>[vector<16xi32>], vector<16xf32>,
        %parallel_loop3A_709 = arith.constant 8192 : i32
        %parallel_loop3A_710 = arith.addi %parallel_loop3A_658, %parallel_loop3A_709 : i32
        %parallel_loop3A_711 = arith.constant 16 : i32
        %parallel_loop3A_712 = vector.broadcast %parallel_loop3A_711 : i32 to vector<16xi32>
        %parallel_loop3A_713 = arith.addi %and3A_7, %parallel_loop3A_712 : vector<16xi32>
        %parallel_loop3A_714 = tpu.vector_load_idx %arg8[%parallel_loop3A_649, %parallel_loop3A_713] : memref<512x32xf32, #tpu.memory_space<vmem>>[vector<16xi32>, vector<16xi32>], vector<16xf32>,
        %parallel_loop3A_715 = vector.broadcast %parallel_loop3A_710 : i32 to vector<16xi32>
        %parallel_loop3A_716 = arith.addi %add3A_109, %parallel_loop3A_715 : vector<16xi32>
        tpu.vector_store_idx %arg10[%parallel_loop3A_716], %parallel_loop3A_714 : memref<16384xf32, #tpu.memory_space<vmem>>[vector<16xi32>], vector<16xf32>,
        %parallel_loop3A_717 = arith.constant 16 : i32
        %parallel_loop3A_718 = vector.broadcast %parallel_loop3A_717 : i32 to vector<16xi32>
        %parallel_loop3A_719 = arith.addi %and3A_13, %parallel_loop3A_718 : vector<16xi32>
        %parallel_loop3A_720 = tpu.vector_load_idx %arg8[%parallel_loop3A_649, %parallel_loop3A_719] : memref<512x32xf32, #tpu.memory_space<vmem>>[vector<16xi32>, vector<16xi32>], vector<16xf32>,
        %parallel_loop3A_721 = vector.broadcast %parallel_loop3A_710 : i32 to vector<16xi32>
        %parallel_loop3A_722 = arith.addi %add3A_123, %parallel_loop3A_721 : vector<16xi32>
        tpu.vector_store_idx %arg10[%parallel_loop3A_722], %parallel_loop3A_720 : memref<16384xf32, #tpu.memory_space<vmem>>[vector<16xi32>], vector<16xf32>,
        %parallel_loop3A_723 = arith.constant 16 : i32
        %parallel_loop3A_724 = vector.broadcast %parallel_loop3A_723 : i32 to vector<16xi32>
        %parallel_loop3A_725 = arith.addi %and3A_19, %parallel_loop3A_724 : vector<16xi32>
        %parallel_loop3A_726 = tpu.vector_load_idx %arg8[%parallel_loop3A_649, %parallel_loop3A_725] : memref<512x32xf32, #tpu.memory_space<vmem>>[vector<16xi32>, vector<16xi32>], vector<16xf32>,
        %parallel_loop3A_727 = vector.broadcast %parallel_loop3A_710 : i32 to vector<16xi32>
        %parallel_loop3A_728 = arith.addi %add3A_137, %parallel_loop3A_727 : vector<16xi32>
        tpu.vector_store_idx %arg10[%parallel_loop3A_728], %parallel_loop3A_726 : memref<16384xf32, #tpu.memory_space<vmem>>[vector<16xi32>], vector<16xf32>,
        %parallel_loop3A_729 = arith.constant 16 : i32
        %parallel_loop3A_730 = vector.broadcast %parallel_loop3A_729 : i32 to vector<16xi32>
        %parallel_loop3A_731 = arith.addi %and3A_25, %parallel_loop3A_730 : vector<16xi32>
        %parallel_loop3A_732 = tpu.vector_load_idx %arg8[%parallel_loop3A_649, %parallel_loop3A_731] : memref<512x32xf32, #tpu.memory_space<vmem>>[vector<16xi32>, vector<16xi32>], vector<16xf32>,
        %parallel_loop3A_733 = vector.broadcast %parallel_loop3A_710 : i32 to vector<16xi32>
        %parallel_loop3A_734 = arith.addi %add3A_151, %parallel_loop3A_733 : vector<16xi32>
        tpu.vector_store_idx %arg10[%parallel_loop3A_734], %parallel_loop3A_732 : memref<16384xf32, #tpu.memory_space<vmem>>[vector<16xi32>], vector<16xf32>,
        %parallel_loop3A_735 = arith.constant 16 : i32
        %parallel_loop3A_736 = vector.broadcast %parallel_loop3A_735 : i32 to vector<16xi32>
        %parallel_loop3A_737 = arith.addi %and3A_31, %parallel_loop3A_736 : vector<16xi32>
        %parallel_loop3A_738 = tpu.vector_load_idx %arg8[%parallel_loop3A_649, %parallel_loop3A_737] : memref<512x32xf32, #tpu.memory_space<vmem>>[vector<16xi32>, vector<16xi32>], vector<16xf32>,
        %parallel_loop3A_739 = vector.broadcast %parallel_loop3A_710 : i32 to vector<16xi32>
        %parallel_loop3A_740 = arith.addi %add3A_165, %parallel_loop3A_739 : vector<16xi32>
        tpu.vector_store_idx %arg10[%parallel_loop3A_740], %parallel_loop3A_738 : memref<16384xf32, #tpu.memory_space<vmem>>[vector<16xi32>], vector<16xf32>,
        %parallel_loop3A_741 = arith.constant 16 : i32
        %parallel_loop3A_742 = vector.broadcast %parallel_loop3A_741 : i32 to vector<16xi32>
        %parallel_loop3A_743 = arith.addi %and3A_37, %parallel_loop3A_742 : vector<16xi32>
        %parallel_loop3A_744 = tpu.vector_load_idx %arg8[%parallel_loop3A_649, %parallel_loop3A_743] : memref<512x32xf32, #tpu.memory_space<vmem>>[vector<16xi32>, vector<16xi32>], vector<16xf32>,
        %parallel_loop3A_745 = vector.broadcast %parallel_loop3A_710 : i32 to vector<16xi32>
        %parallel_loop3A_746 = arith.addi %add3A_179, %parallel_loop3A_745 : vector<16xi32>
        tpu.vector_store_idx %arg10[%parallel_loop3A_746], %parallel_loop3A_744 : memref<16384xf32, #tpu.memory_space<vmem>>[vector<16xi32>], vector<16xf32>,
        %parallel_loop3A_747 = arith.constant 16 : i32
        %parallel_loop3A_748 = vector.broadcast %parallel_loop3A_747 : i32 to vector<16xi32>
        %parallel_loop3A_749 = arith.addi %and3A_43, %parallel_loop3A_748 : vector<16xi32>
        %parallel_loop3A_750 = tpu.vector_load_idx %arg8[%parallel_loop3A_649, %parallel_loop3A_749] : memref<512x32xf32, #tpu.memory_space<vmem>>[vector<16xi32>, vector<16xi32>], vector<16xf32>,
        %parallel_loop3A_751 = vector.broadcast %parallel_loop3A_710 : i32 to vector<16xi32>
        %parallel_loop3A_752 = arith.addi %add3A_193, %parallel_loop3A_751 : vector<16xi32>
        tpu.vector_store_idx %arg10[%parallel_loop3A_752], %parallel_loop3A_750 : memref<16384xf32, #tpu.memory_space<vmem>>[vector<16xi32>], vector<16xf32>,
        %parallel_loop3A_753 = arith.constant 16 : i32
        %parallel_loop3A_754 = vector.broadcast %parallel_loop3A_753 : i32 to vector<16xi32>
        %parallel_loop3A_755 = arith.addi %and3A_49, %parallel_loop3A_754 : vector<16xi32>
        %parallel_loop3A_756 = tpu.vector_load_idx %arg8[%parallel_loop3A_649, %parallel_loop3A_755] : memref<512x32xf32, #tpu.memory_space<vmem>>[vector<16xi32>, vector<16xi32>], vector<16xf32>,
        %parallel_loop3A_757 = vector.broadcast %parallel_loop3A_710 : i32 to vector<16xi32>
        %parallel_loop3A_758 = arith.addi %add3A_207, %parallel_loop3A_757 : vector<16xi32>
        tpu.vector_store_idx %arg10[%parallel_loop3A_758], %parallel_loop3A_756 : memref<16384xf32, #tpu.memory_space<vmem>>[vector<16xi32>], vector<16xf32>,
        %parallel_loop3A_759 = arith.constant 16 : i32
        %parallel_loop3A_760 = vector.broadcast %parallel_loop3A_759 : i32 to vector<16xi32>
        %parallel_loop3A_761 = arith.addi %and3A_55, %parallel_loop3A_760 : vector<16xi32>
        %parallel_loop3A_762 = tpu.vector_load_idx %arg8[%parallel_loop3A_649, %parallel_loop3A_761] : memref<512x32xf32, #tpu.memory_space<vmem>>[vector<16xi32>, vector<16xi32>], vector<16xf32>,
        %parallel_loop3A_763 = vector.broadcast %parallel_loop3A_710 : i32 to vector<16xi32>
        %parallel_loop3A_764 = arith.addi %add3A_221, %parallel_loop3A_763 : vector<16xi32>
        tpu.vector_store_idx %arg10[%parallel_loop3A_764], %parallel_loop3A_762 : memref<16384xf32, #tpu.memory_space<vmem>>[vector<16xi32>], vector<16xf32>,
        %parallel_loop3A_765 = arith.constant 16 : i32
        %parallel_loop3A_766 = vector.broadcast %parallel_loop3A_765 : i32 to vector<16xi32>
        %parallel_loop3A_767 = arith.addi %and3A_61, %parallel_loop3A_766 : vector<16xi32>
        %parallel_loop3A_768 = tpu.vector_load_idx %arg8[%parallel_loop3A_649, %parallel_loop3A_767] : memref<512x32xf32, #tpu.memory_space<vmem>>[vector<16xi32>, vector<16xi32>], vector<16xf32>,
        %parallel_loop3A_769 = vector.broadcast %parallel_loop3A_710 : i32 to vector<16xi32>
        %parallel_loop3A_770 = arith.addi %add3A_235, %parallel_loop3A_769 : vector<16xi32>
        tpu.vector_store_idx %arg10[%parallel_loop3A_770], %parallel_loop3A_768 : memref<16384xf32, #tpu.memory_space<vmem>>[vector<16xi32>], vector<16xf32>,
        %parallel_loop3A_771 = arith.constant 16 : i32
        %parallel_loop3A_772 = vector.broadcast %parallel_loop3A_771 : i32 to vector<16xi32>
        %parallel_loop3A_773 = arith.addi %and3A_67, %parallel_loop3A_772 : vector<16xi32>
        %parallel_loop3A_774 = tpu.vector_load_idx %arg8[%parallel_loop3A_649, %parallel_loop3A_773] : memref<512x32xf32, #tpu.memory_space<vmem>>[vector<16xi32>, vector<16xi32>], vector<16xf32>,
        %parallel_loop3A_775 = vector.broadcast %parallel_loop3A_710 : i32 to vector<16xi32>
        %parallel_loop3A_776 = arith.addi %add3A_249, %parallel_loop3A_775 : vector<16xi32>
        tpu.vector_store_idx %arg10[%parallel_loop3A_776], %parallel_loop3A_774 : memref<16384xf32, #tpu.memory_space<vmem>>[vector<16xi32>], vector<16xf32>,
        %parallel_loop3A_777 = arith.constant 16 : i32
        %parallel_loop3A_778 = vector.broadcast %parallel_loop3A_777 : i32 to vector<16xi32>
        %parallel_loop3A_779 = arith.addi %and3A_73, %parallel_loop3A_778 : vector<16xi32>
        %parallel_loop3A_780 = tpu.vector_load_idx %arg8[%parallel_loop3A_649, %parallel_loop3A_779] : memref<512x32xf32, #tpu.memory_space<vmem>>[vector<16xi32>, vector<16xi32>], vector<16xf32>,
        %parallel_loop3A_781 = vector.broadcast %parallel_loop3A_710 : i32 to vector<16xi32>
        %parallel_loop3A_782 = arith.addi %add3A_263, %parallel_loop3A_781 : vector<16xi32>
        tpu.vector_store_idx %arg10[%parallel_loop3A_782], %parallel_loop3A_780 : memref<16384xf32, #tpu.memory_space<vmem>>[vector<16xi32>], vector<16xf32>,
        %parallel_loop3A_783 = arith.constant 16 : i32
        %parallel_loop3A_784 = vector.broadcast %parallel_loop3A_783 : i32 to vector<16xi32>
        %parallel_loop3A_785 = arith.addi %and3A_79, %parallel_loop3A_784 : vector<16xi32>
        %parallel_loop3A_786 = tpu.vector_load_idx %arg8[%parallel_loop3A_649, %parallel_loop3A_785] : memref<512x32xf32, #tpu.memory_space<vmem>>[vector<16xi32>, vector<16xi32>], vector<16xf32>,
        %parallel_loop3A_787 = vector.broadcast %parallel_loop3A_710 : i32 to vector<16xi32>
        %parallel_loop3A_788 = arith.addi %add3A_277, %parallel_loop3A_787 : vector<16xi32>
        tpu.vector_store_idx %arg10[%parallel_loop3A_788], %parallel_loop3A_786 : memref<16384xf32, #tpu.memory_space<vmem>>[vector<16xi32>], vector<16xf32>,
        %parallel_loop3A_789 = arith.constant 16 : i32
        %parallel_loop3A_790 = vector.broadcast %parallel_loop3A_789 : i32 to vector<16xi32>
        %parallel_loop3A_791 = arith.addi %and3A_85, %parallel_loop3A_790 : vector<16xi32>
        %parallel_loop3A_792 = tpu.vector_load_idx %arg8[%parallel_loop3A_649, %parallel_loop3A_791] : memref<512x32xf32, #tpu.memory_space<vmem>>[vector<16xi32>, vector<16xi32>], vector<16xf32>,
        %parallel_loop3A_793 = vector.broadcast %parallel_loop3A_710 : i32 to vector<16xi32>
        %parallel_loop3A_794 = arith.addi %add3A_291, %parallel_loop3A_793 : vector<16xi32>
        tpu.vector_store_idx %arg10[%parallel_loop3A_794], %parallel_loop3A_792 : memref<16384xf32, #tpu.memory_space<vmem>>[vector<16xi32>], vector<16xf32>,
        %parallel_loop3A_795 = arith.constant 16 : i32
        %parallel_loop3A_796 = vector.broadcast %parallel_loop3A_795 : i32 to vector<16xi32>
        %parallel_loop3A_797 = arith.addi %and3A_91, %parallel_loop3A_796 : vector<16xi32>
        %parallel_loop3A_798 = tpu.vector_load_idx %arg8[%parallel_loop3A_649, %parallel_loop3A_797] : memref<512x32xf32, #tpu.memory_space<vmem>>[vector<16xi32>, vector<16xi32>], vector<16xf32>,
        %parallel_loop3A_799 = vector.broadcast %parallel_loop3A_710 : i32 to vector<16xi32>
        %parallel_loop3A_800 = arith.addi %add3A_305, %parallel_loop3A_799 : vector<16xi32>
        tpu.vector_store_idx %arg10[%parallel_loop3A_800], %parallel_loop3A_798 : memref<16384xf32, #tpu.memory_space<vmem>>[vector<16xi32>], vector<16xf32>,
        %parallel_loop3A_801 = arith.constant 16 : i32
        %parallel_loop3A_802 = vector.broadcast %parallel_loop3A_801 : i32 to vector<16xi32>
        %parallel_loop3A_803 = arith.addi %and3A_97, %parallel_loop3A_802 : vector<16xi32>
        %parallel_loop3A_804 = tpu.vector_load_idx %arg8[%parallel_loop3A_649, %parallel_loop3A_803] : memref<512x32xf32, #tpu.memory_space<vmem>>[vector<16xi32>, vector<16xi32>], vector<16xf32>,
        %parallel_loop3A_805 = vector.broadcast %parallel_loop3A_710 : i32 to vector<16xi32>
        %parallel_loop3A_806 = arith.addi %add3A_319, %parallel_loop3A_805 : vector<16xi32>
        tpu.vector_store_idx %arg10[%parallel_loop3A_806], %parallel_loop3A_804 : memref<16384xf32, #tpu.memory_space<vmem>>[vector<16xi32>], vector<16xf32>,
      } {sc.loop_unroll_factor = 8 : i64, sc.parallel_access}
      %add3A_452 = arith.addi %mul3A_2, %mul3A_415 : i32
      %jit3A = arith.constant 8 : i32
      %div3A = arith.divsi %add3A_452, %jit3A : i32
      %sign3A = arith.constant 0 : i32
      %sign3A_453 = arith.cmpi sgt, %add3A_452, %sign3A : i32
      %sign3A_454 = arith.extui %sign3A_453 : i1 to i32
      %sign3A_455 = arith.constant 0 : i32
      %sign3A_456 = arith.cmpi slt, %add3A_452, %sign3A_455 : i32
      %sign3A_457 = arith.extui %sign3A_456 : i1 to i32
      %sign3A_458 = arith.subi %sign3A_454, %sign3A_457 : i32
      %sign3A_459 = arith.constant 0 : i32
      %sign3A_460 = arith.cmpi sgt, %jit3A, %sign3A_459 : i32
      %sign3A_461 = arith.extui %sign3A_460 : i1 to i32
      %sign3A_462 = arith.constant 0 : i32
      %sign3A_463 = arith.cmpi slt, %jit3A, %sign3A_462 : i32
      %sign3A_464 = arith.extui %sign3A_463 : i1 to i32
      %sign3A_465 = arith.subi %sign3A_461, %sign3A_464 : i32
      %ne3A = arith.cmpi ne, %sign3A_458, %sign3A_465 : i32
      %rem3A = arith.remsi %add3A_452, %jit3A : i32
      %ne3A_466 = arith.constant 0 : i32
      %ne3A_467 = arith.cmpi ne, %rem3A, %ne3A_466 : i32
      %and3A_468 = arith.andi %ne3A, %ne3A_467 : i1
      %sub3A = arith.constant 1 : i32
      %sub3A_469 = arith.subi %div3A, %sub3A : i32
      %select_n3A = arith.select %and3A_468, %sub3A_469, %div3A : i32
      %mul3A_470 = arith.constant 8 : i32
      %mul3A_471 = arith.muli %select_n3A, %mul3A_470 : i32
      %sub3A_472 = arith.subi %add3A_452, %mul3A_471 : i32
      %mul3A_473 = arith.constant 131072 : i32
      %mul3A_474 = arith.muli %select_n3A, %mul3A_473 : i32
      %add3A_475 = arith.constant 0 : i32
      %add3A_476 = arith.addi %mul3A_474, %add3A_475 : i32
      %mul3A_477 = arith.constant 4096 : i32
      %mul3A_478 = arith.muli %sub3A_472, %mul3A_477 : i32
      %add3A_479 = arith.addi %add3A_476, %mul3A_478 : i32
      %dma_start3A_480 = arith.constant 0 : i32
      %dma_start3A_481 = tpu.memref_slice %arg10[%dma_start3A_480] : memref<16384xf32, #tpu.memory_space<vmem>> -> memref<4096xf32, #tpu.memory_space<vmem>>
      %dma_start3A_482 = tpu.memref_slice %arg4[%add3A_479] : memref<26214400xf32, #tpu.memory_space<hbm>> -> memref<4096xf32, #tpu.memory_space<hbm>>
      %dma_start3A_483 = tpu.memref_slice %arg4[%add3A_479] : memref<26214400xf32, #tpu.memory_space<hbm>> -> memref<4096xf32, #tpu.memory_space<hbm>>
      %dma_start3A_484 = arith.constant 0 : i32
      %dma_start3A_485 = tpu.memref_slice %arg10[%dma_start3A_484] : memref<16384xf32, #tpu.memory_space<vmem>> -> memref<4096xf32, #tpu.memory_space<vmem>>
      tpu.enqueue_dma source(%dma_start3A_485 : memref<4096xf32, #tpu.memory_space<vmem>>) target(%dma_start3A_483 : memref<4096xf32, #tpu.memory_space<hbm>>) target_semaphore(%arg16 : memref<!tpu.dma_semaphore, #tpu.memory_space<semaphore_mem>>)
      %mul3A_486 = arith.constant 131072 : i32
      %mul3A_487 = arith.muli %select_n3A, %mul3A_486 : i32
      %add3A_488 = arith.constant 32768 : i32
      %add3A_489 = arith.addi %mul3A_487, %add3A_488 : i32
      %mul3A_490 = arith.constant 4096 : i32
      %mul3A_491 = arith.muli %sub3A_472, %mul3A_490 : i32
      %add3A_492 = arith.addi %add3A_489, %mul3A_491 : i32
      %dma_start3A_493 = arith.constant 4096 : i32
      %dma_start3A_494 = tpu.memref_slice %arg10[%dma_start3A_493] : memref<16384xf32, #tpu.memory_space<vmem>> -> memref<4096xf32, #tpu.memory_space<vmem>>
      %dma_start3A_495 = tpu.memref_slice %arg4[%add3A_492] : memref<26214400xf32, #tpu.memory_space<hbm>> -> memref<4096xf32, #tpu.memory_space<hbm>>
      %dma_start3A_496 = tpu.memref_slice %arg4[%add3A_492] : memref<26214400xf32, #tpu.memory_space<hbm>> -> memref<4096xf32, #tpu.memory_space<hbm>>
      %dma_start3A_497 = arith.constant 4096 : i32
      %dma_start3A_498 = tpu.memref_slice %arg10[%dma_start3A_497] : memref<16384xf32, #tpu.memory_space<vmem>> -> memref<4096xf32, #tpu.memory_space<vmem>>
      tpu.enqueue_dma source(%dma_start3A_498 : memref<4096xf32, #tpu.memory_space<vmem>>) target(%dma_start3A_496 : memref<4096xf32, #tpu.memory_space<hbm>>) target_semaphore(%arg16 : memref<!tpu.dma_semaphore, #tpu.memory_space<semaphore_mem>>)
      %mul3A_499 = arith.constant 131072 : i32
      %mul3A_500 = arith.muli %select_n3A, %mul3A_499 : i32
      %add3A_501 = arith.constant 65536 : i32
      %add3A_502 = arith.addi %mul3A_500, %add3A_501 : i32
      %mul3A_503 = arith.constant 4096 : i32
      %mul3A_504 = arith.muli %sub3A_472, %mul3A_503 : i32
      %add3A_505 = arith.addi %add3A_502, %mul3A_504 : i32
      %dma_start3A_506 = arith.constant 8192 : i32
      %dma_start3A_507 = tpu.memref_slice %arg10[%dma_start3A_506] : memref<16384xf32, #tpu.memory_space<vmem>> -> memref<4096xf32, #tpu.memory_space<vmem>>
      %dma_start3A_508 = tpu.memref_slice %arg4[%add3A_505] : memref<26214400xf32, #tpu.memory_space<hbm>> -> memref<4096xf32, #tpu.memory_space<hbm>>
      %dma_start3A_509 = tpu.memref_slice %arg4[%add3A_505] : memref<26214400xf32, #tpu.memory_space<hbm>> -> memref<4096xf32, #tpu.memory_space<hbm>>
      %dma_start3A_510 = arith.constant 8192 : i32
      %dma_start3A_511 = tpu.memref_slice %arg10[%dma_start3A_510] : memref<16384xf32, #tpu.memory_space<vmem>> -> memref<4096xf32, #tpu.memory_space<vmem>>
      tpu.enqueue_dma source(%dma_start3A_511 : memref<4096xf32, #tpu.memory_space<vmem>>) target(%dma_start3A_509 : memref<4096xf32, #tpu.memory_space<hbm>>) target_semaphore(%arg16 : memref<!tpu.dma_semaphore, #tpu.memory_space<semaphore_mem>>)
      %mul3A_512 = arith.constant 131072 : i32
      %mul3A_513 = arith.muli %select_n3A, %mul3A_512 : i32
      %add3A_514 = arith.constant 98304 : i32
      %add3A_515 = arith.addi %mul3A_513, %add3A_514 : i32
      %mul3A_516 = arith.constant 4096 : i32
      %mul3A_517 = arith.muli %sub3A_472, %mul3A_516 : i32
      %add3A_518 = arith.addi %add3A_515, %mul3A_517 : i32
      %dma_start3A_519 = arith.constant 12288 : i32
      %dma_start3A_520 = tpu.memref_slice %arg10[%dma_start3A_519] : memref<16384xf32, #tpu.memory_space<vmem>> -> memref<4096xf32, #tpu.memory_space<vmem>>
      %dma_start3A_521 = tpu.memref_slice %arg4[%add3A_518] : memref<26214400xf32, #tpu.memory_space<hbm>> -> memref<4096xf32, #tpu.memory_space<hbm>>
      %dma_start3A_522 = tpu.memref_slice %arg4[%add3A_518] : memref<26214400xf32, #tpu.memory_space<hbm>> -> memref<4096xf32, #tpu.memory_space<hbm>>
      %dma_start3A_523 = arith.constant 12288 : i32
      %dma_start3A_524 = tpu.memref_slice %arg10[%dma_start3A_523] : memref<16384xf32, #tpu.memory_space<vmem>> -> memref<4096xf32, #tpu.memory_space<vmem>>
      tpu.enqueue_dma source(%dma_start3A_524 : memref<4096xf32, #tpu.memory_space<vmem>>) target(%dma_start3A_522 : memref<4096xf32, #tpu.memory_space<hbm>>) target_semaphore(%arg16 : memref<!tpu.dma_semaphore, #tpu.memory_space<semaphore_mem>>)
      %dma_wait3A_525 = arith.constant 0 : i32
      %dma_wait3A_526 = arith.constant 0 : i32
      %dma_wait3A_527 = tpu.memref_slice %arg3[%dma_wait3A_525, %dma_wait3A_526] : memref<1000000x32xf32, #tpu.memory_space<hbm>> -> memref<1000000x32xf32, #tpu.memory_space<hbm>>
      tpu.wait_indirect_dma semaphore(%arg15 : memref<!tpu.dma_semaphore, #tpu.memory_space<semaphore_mem>>) src(%dma_wait3A_527 : memref<1000000x32xf32, #tpu.memory_space<hbm>>) dst(%arg9 : memref<512x32xf32, #tpu.memory_space<vmem>>)
      %add3A_528 = arith.constant 3 : i32
      %add3A_529 = arith.addi %mul3A_415, %add3A_528 : i32
      %min3A_530 = arith.constant 49 : i32
      %min3A_531 = arith.minsi %add3A_529, %min3A_530 : i32
      %add3A_532 = arith.addi %mul3A_2, %min3A_531 : i32
      %mul3A_533 = arith.constant 512 : i32
      %mul3A_534 = arith.muli %add3A_532, %mul3A_533 : i32
      %dma_start3A_535 = tpu.memref_slice %arg2[%mul3A_534] : memref<819200xi32, #tpu.memory_space<hbm>> -> memref<512xi32, #tpu.memory_space<hbm>>
      %dma_start3A_536 = tpu.memref_slice %arg2[%mul3A_534] : memref<819200xi32, #tpu.memory_space<hbm>> -> memref<512xi32, #tpu.memory_space<hbm>>
      tpu.enqueue_dma source(%dma_start3A_536 : memref<512xi32, #tpu.memory_space<hbm>>) target(%arg7 : memref<512xi32, #tpu.memory_space<vmem>>) target_semaphore(%arg13 : memref<!tpu.dma_semaphore, #tpu.memory_space<semaphore_mem>>)
      %dma_wait3A_537 = arith.constant 0 : i32
      %dma_wait3A_538 = tpu.memref_slice %arg2[%dma_wait3A_537] : memref<819200xi32, #tpu.memory_space<hbm>> -> memref<512xi32, #tpu.memory_space<hbm>>
      %dma_wait3A_539 = arith.constant 0 : i32
      %dma_wait3A_540 = tpu.memref_slice %arg2[%dma_wait3A_539] : memref<819200xi32, #tpu.memory_space<hbm>> -> memref<512xi32, #tpu.memory_space<hbm>>
      tpu.wait_dma2 semaphore(%arg12 : memref<!tpu.dma_semaphore, #tpu.memory_space<semaphore_mem>>) src(%dma_wait3A_540 : memref<512xi32, #tpu.memory_space<hbm>>) dst(%arg6 : memref<512xi32, #tpu.memory_space<vmem>>)
      %dma_start3A_541 = arith.constant 0 : i32
      %dma_start3A_542 = arith.constant 0 : i32
      %dma_start3A_543 = tpu.memref_slice %arg3[%dma_start3A_541, %dma_start3A_542] : memref<1000000x32xf32, #tpu.memory_space<hbm>> -> memref<1000000x32xf32, #tpu.memory_space<hbm>>
      tpu.enqueue_indirect_dma source(%dma_start3A_543 : memref<1000000x32xf32, #tpu.memory_space<hbm>>) target(%arg8 : memref<512x32xf32, #tpu.memory_space<vmem>>) offsets(%arg6 : memref<512xi32, #tpu.memory_space<vmem>>) semaphore(%arg14 : memref<!tpu.dma_semaphore, #tpu.memory_space<semaphore_mem>>)
      %dma_wait3A_544 = arith.constant 0 : i32
      %dma_wait3A_545 = tpu.memref_slice %arg11[%dma_wait3A_544] : memref<16384xf32, #tpu.memory_space<vmem>> -> memref<4096xf32, #tpu.memory_space<vmem>>
      %dma_wait3A_546 = arith.constant 0 : i32
      %dma_wait3A_547 = tpu.memref_slice %arg11[%dma_wait3A_546] : memref<16384xf32, #tpu.memory_space<vmem>> -> memref<4096xf32, #tpu.memory_space<vmem>>
      tpu.wait_dma2 semaphore(%arg17 : memref<!tpu.dma_semaphore, #tpu.memory_space<semaphore_mem>>) src(%dma_wait3A_547 : memref<4096xf32, #tpu.memory_space<vmem>>) dst(%arg5 : memref<4096xf32, #tpu.memory_space<hbm>>)
      %dma_wait3A_548 = arith.constant 4096 : i32
      %dma_wait3A_549 = tpu.memref_slice %arg11[%dma_wait3A_548] : memref<16384xf32, #tpu.memory_space<vmem>> -> memref<4096xf32, #tpu.memory_space<vmem>>
      %dma_wait3A_550 = arith.constant 4096 : i32
      %dma_wait3A_551 = tpu.memref_slice %arg11[%dma_wait3A_550] : memref<16384xf32, #tpu.memory_space<vmem>> -> memref<4096xf32, #tpu.memory_space<vmem>>
      tpu.wait_dma2 semaphore(%arg17 : memref<!tpu.dma_semaphore, #tpu.memory_space<semaphore_mem>>) src(%dma_wait3A_551 : memref<4096xf32, #tpu.memory_space<vmem>>) dst(%arg5 : memref<4096xf32, #tpu.memory_space<hbm>>)
      %dma_wait3A_552 = arith.constant 8192 : i32
      %dma_wait3A_553 = tpu.memref_slice %arg11[%dma_wait3A_552] : memref<16384xf32, #tpu.memory_space<vmem>> -> memref<4096xf32, #tpu.memory_space<vmem>>
      %dma_wait3A_554 = arith.constant 8192 : i32
      %dma_wait3A_555 = tpu.memref_slice %arg11[%dma_wait3A_554] : memref<16384xf32, #tpu.memory_space<vmem>> -> memref<4096xf32, #tpu.memory_space<vmem>>
      tpu.wait_dma2 semaphore(%arg17 : memref<!tpu.dma_semaphore, #tpu.memory_space<semaphore_mem>>) src(%dma_wait3A_555 : memref<4096xf32, #tpu.memory_space<vmem>>) dst(%arg5 : memref<4096xf32, #tpu.memory_space<hbm>>)
      %dma_wait3A_556 = arith.constant 12288 : i32
      %dma_wait3A_557 = tpu.memref_slice %arg11[%dma_wait3A_556] : memref<16384xf32, #tpu.memory_space<vmem>> -> memref<4096xf32, #tpu.memory_space<vmem>>
      %dma_wait3A_558 = arith.constant 12288 : i32
      %dma_wait3A_559 = tpu.memref_slice %arg11[%dma_wait3A_558] : memref<16384xf32, #tpu.memory_space<vmem>> -> memref<4096xf32, #tpu.memory_space<vmem>>
      tpu.wait_dma2 semaphore(%arg17 : memref<!tpu.dma_semaphore, #tpu.memory_space<semaphore_mem>>) src(%dma_wait3A_559 : memref<4096xf32, #tpu.memory_space<vmem>>) dst(%arg5 : memref<4096xf32, #tpu.memory_space<hbm>>)
      %parallel_loop3A_560 = arith.constant 0 : i32
      %parallel_loop3A_561 = arith.constant 32 : i32
      %parallel_loop3A_562 = arith.constant 1 : i32
      scf.for %parallel_loop3A_645 = %parallel_loop3A_560 to %parallel_loop3A_561 step %parallel_loop3A_562  : i32 {
        %parallel_loop3A_646 = arith.constant 16 : i32
        %parallel_loop3A_647 = arith.muli %parallel_loop3A_646, %parallel_loop3A_645 : i32
        %parallel_loop3A_648 = vector.broadcast %parallel_loop3A_647 : i32 to vector<16xi32>
        %parallel_loop3A_649 = arith.addi %parallel_loop3A_648, %iota3A : vector<16xi32>
        %parallel_loop3A_650 = arith.constant 3 : i32
        %parallel_loop3A_651 = arith.shrsi %parallel_loop3A_645, %parallel_loop3A_650 : i32
        %parallel_loop3A_652 = arith.constant 7 : i32
        %parallel_loop3A_653 = arith.andi %parallel_loop3A_645, %parallel_loop3A_652 : i32
        %parallel_loop3A_654 = arith.constant 4 : i32
        %parallel_loop3A_655 = arith.shli %parallel_loop3A_653, %parallel_loop3A_654 : i32
        %parallel_loop3A_656 = arith.constant 10 : i32
        %parallel_loop3A_657 = arith.shli %parallel_loop3A_651, %parallel_loop3A_656 : i32
        %parallel_loop3A_658 = arith.addi %parallel_loop3A_657, %parallel_loop3A_655 : i32
        %parallel_loop3A_659 = arith.constant 0 : i32
        %parallel_loop3A_660 = arith.addi %parallel_loop3A_658, %parallel_loop3A_659 : i32
        %parallel_loop3A_661 = tpu.vector_load_idx %arg9[%parallel_loop3A_649, %and3A_7] : memref<512x32xf32, #tpu.memory_space<vmem>>[vector<16xi32>, vector<16xi32>], vector<16xf32>,
        %parallel_loop3A_662 = vector.broadcast %parallel_loop3A_660 : i32 to vector<16xi32>
        %parallel_loop3A_663 = arith.addi %add3A_109, %parallel_loop3A_662 : vector<16xi32>
        tpu.vector_store_idx %arg11[%parallel_loop3A_663], %parallel_loop3A_661 : memref<16384xf32, #tpu.memory_space<vmem>>[vector<16xi32>], vector<16xf32>,
        %parallel_loop3A_664 = tpu.vector_load_idx %arg9[%parallel_loop3A_649, %and3A_13] : memref<512x32xf32, #tpu.memory_space<vmem>>[vector<16xi32>, vector<16xi32>], vector<16xf32>,
        %parallel_loop3A_665 = vector.broadcast %parallel_loop3A_660 : i32 to vector<16xi32>
        %parallel_loop3A_666 = arith.addi %add3A_123, %parallel_loop3A_665 : vector<16xi32>
        tpu.vector_store_idx %arg11[%parallel_loop3A_666], %parallel_loop3A_664 : memref<16384xf32, #tpu.memory_space<vmem>>[vector<16xi32>], vector<16xf32>,
        %parallel_loop3A_667 = tpu.vector_load_idx %arg9[%parallel_loop3A_649, %and3A_19] : memref<512x32xf32, #tpu.memory_space<vmem>>[vector<16xi32>, vector<16xi32>], vector<16xf32>,
        %parallel_loop3A_668 = vector.broadcast %parallel_loop3A_660 : i32 to vector<16xi32>
        %parallel_loop3A_669 = arith.addi %add3A_137, %parallel_loop3A_668 : vector<16xi32>
        tpu.vector_store_idx %arg11[%parallel_loop3A_669], %parallel_loop3A_667 : memref<16384xf32, #tpu.memory_space<vmem>>[vector<16xi32>], vector<16xf32>,
        %parallel_loop3A_670 = tpu.vector_load_idx %arg9[%parallel_loop3A_649, %and3A_25] : memref<512x32xf32, #tpu.memory_space<vmem>>[vector<16xi32>, vector<16xi32>], vector<16xf32>,
        %parallel_loop3A_671 = vector.broadcast %parallel_loop3A_660 : i32 to vector<16xi32>
        %parallel_loop3A_672 = arith.addi %add3A_151, %parallel_loop3A_671 : vector<16xi32>
        tpu.vector_store_idx %arg11[%parallel_loop3A_672], %parallel_loop3A_670 : memref<16384xf32, #tpu.memory_space<vmem>>[vector<16xi32>], vector<16xf32>,
        %parallel_loop3A_673 = tpu.vector_load_idx %arg9[%parallel_loop3A_649, %and3A_31] : memref<512x32xf32, #tpu.memory_space<vmem>>[vector<16xi32>, vector<16xi32>], vector<16xf32>,
        %parallel_loop3A_674 = vector.broadcast %parallel_loop3A_660 : i32 to vector<16xi32>
        %parallel_loop3A_675 = arith.addi %add3A_165, %parallel_loop3A_674 : vector<16xi32>
        tpu.vector_store_idx %arg11[%parallel_loop3A_675], %parallel_loop3A_673 : memref<16384xf32, #tpu.memory_space<vmem>>[vector<16xi32>], vector<16xf32>,
        %parallel_loop3A_676 = tpu.vector_load_idx %arg9[%parallel_loop3A_649, %and3A_37] : memref<512x32xf32, #tpu.memory_space<vmem>>[vector<16xi32>, vector<16xi32>], vector<16xf32>,
        %parallel_loop3A_677 = vector.broadcast %parallel_loop3A_660 : i32 to vector<16xi32>
        %parallel_loop3A_678 = arith.addi %add3A_179, %parallel_loop3A_677 : vector<16xi32>
        tpu.vector_store_idx %arg11[%parallel_loop3A_678], %parallel_loop3A_676 : memref<16384xf32, #tpu.memory_space<vmem>>[vector<16xi32>], vector<16xf32>,
        %parallel_loop3A_679 = tpu.vector_load_idx %arg9[%parallel_loop3A_649, %and3A_43] : memref<512x32xf32, #tpu.memory_space<vmem>>[vector<16xi32>, vector<16xi32>], vector<16xf32>,
        %parallel_loop3A_680 = vector.broadcast %parallel_loop3A_660 : i32 to vector<16xi32>
        %parallel_loop3A_681 = arith.addi %add3A_193, %parallel_loop3A_680 : vector<16xi32>
        tpu.vector_store_idx %arg11[%parallel_loop3A_681], %parallel_loop3A_679 : memref<16384xf32, #tpu.memory_space<vmem>>[vector<16xi32>], vector<16xf32>,
        %parallel_loop3A_682 = tpu.vector_load_idx %arg9[%parallel_loop3A_649, %and3A_49] : memref<512x32xf32, #tpu.memory_space<vmem>>[vector<16xi32>, vector<16xi32>], vector<16xf32>,
        %parallel_loop3A_683 = vector.broadcast %parallel_loop3A_660 : i32 to vector<16xi32>
        %parallel_loop3A_684 = arith.addi %add3A_207, %parallel_loop3A_683 : vector<16xi32>
        tpu.vector_store_idx %arg11[%parallel_loop3A_684], %parallel_loop3A_682 : memref<16384xf32, #tpu.memory_space<vmem>>[vector<16xi32>], vector<16xf32>,
        %parallel_loop3A_685 = tpu.vector_load_idx %arg9[%parallel_loop3A_649, %and3A_55] : memref<512x32xf32, #tpu.memory_space<vmem>>[vector<16xi32>, vector<16xi32>], vector<16xf32>,
        %parallel_loop3A_686 = vector.broadcast %parallel_loop3A_660 : i32 to vector<16xi32>
        %parallel_loop3A_687 = arith.addi %add3A_221, %parallel_loop3A_686 : vector<16xi32>
        tpu.vector_store_idx %arg11[%parallel_loop3A_687], %parallel_loop3A_685 : memref<16384xf32, #tpu.memory_space<vmem>>[vector<16xi32>], vector<16xf32>,
        %parallel_loop3A_688 = tpu.vector_load_idx %arg9[%parallel_loop3A_649, %and3A_61] : memref<512x32xf32, #tpu.memory_space<vmem>>[vector<16xi32>, vector<16xi32>], vector<16xf32>,
        %parallel_loop3A_689 = vector.broadcast %parallel_loop3A_660 : i32 to vector<16xi32>
        %parallel_loop3A_690 = arith.addi %add3A_235, %parallel_loop3A_689 : vector<16xi32>
        tpu.vector_store_idx %arg11[%parallel_loop3A_690], %parallel_loop3A_688 : memref<16384xf32, #tpu.memory_space<vmem>>[vector<16xi32>], vector<16xf32>,
        %parallel_loop3A_691 = tpu.vector_load_idx %arg9[%parallel_loop3A_649, %and3A_67] : memref<512x32xf32, #tpu.memory_space<vmem>>[vector<16xi32>, vector<16xi32>], vector<16xf32>,
        %parallel_loop3A_692 = vector.broadcast %parallel_loop3A_660 : i32 to vector<16xi32>
        %parallel_loop3A_693 = arith.addi %add3A_249, %parallel_loop3A_692 : vector<16xi32>
        tpu.vector_store_idx %arg11[%parallel_loop3A_693], %parallel_loop3A_691 : memref<16384xf32, #tpu.memory_space<vmem>>[vector<16xi32>], vector<16xf32>,
        %parallel_loop3A_694 = tpu.vector_load_idx %arg9[%parallel_loop3A_649, %and3A_73] : memref<512x32xf32, #tpu.memory_space<vmem>>[vector<16xi32>, vector<16xi32>], vector<16xf32>,
        %parallel_loop3A_695 = vector.broadcast %parallel_loop3A_660 : i32 to vector<16xi32>
        %parallel_loop3A_696 = arith.addi %add3A_263, %parallel_loop3A_695 : vector<16xi32>
        tpu.vector_store_idx %arg11[%parallel_loop3A_696], %parallel_loop3A_694 : memref<16384xf32, #tpu.memory_space<vmem>>[vector<16xi32>], vector<16xf32>,
        %parallel_loop3A_697 = tpu.vector_load_idx %arg9[%parallel_loop3A_649, %and3A_79] : memref<512x32xf32, #tpu.memory_space<vmem>>[vector<16xi32>, vector<16xi32>], vector<16xf32>,
        %parallel_loop3A_698 = vector.broadcast %parallel_loop3A_660 : i32 to vector<16xi32>
        %parallel_loop3A_699 = arith.addi %add3A_277, %parallel_loop3A_698 : vector<16xi32>
        tpu.vector_store_idx %arg11[%parallel_loop3A_699], %parallel_loop3A_697 : memref<16384xf32, #tpu.memory_space<vmem>>[vector<16xi32>], vector<16xf32>,
        %parallel_loop3A_700 = tpu.vector_load_idx %arg9[%parallel_loop3A_649, %and3A_85] : memref<512x32xf32, #tpu.memory_space<vmem>>[vector<16xi32>, vector<16xi32>], vector<16xf32>,
        %parallel_loop3A_701 = vector.broadcast %parallel_loop3A_660 : i32 to vector<16xi32>
        %parallel_loop3A_702 = arith.addi %add3A_291, %parallel_loop3A_701 : vector<16xi32>
        tpu.vector_store_idx %arg11[%parallel_loop3A_702], %parallel_loop3A_700 : memref<16384xf32, #tpu.memory_space<vmem>>[vector<16xi32>], vector<16xf32>,
        %parallel_loop3A_703 = tpu.vector_load_idx %arg9[%parallel_loop3A_649, %and3A_91] : memref<512x32xf32, #tpu.memory_space<vmem>>[vector<16xi32>, vector<16xi32>], vector<16xf32>,
        %parallel_loop3A_704 = vector.broadcast %parallel_loop3A_660 : i32 to vector<16xi32>
        %parallel_loop3A_705 = arith.addi %add3A_305, %parallel_loop3A_704 : vector<16xi32>
        tpu.vector_store_idx %arg11[%parallel_loop3A_705], %parallel_loop3A_703 : memref<16384xf32, #tpu.memory_space<vmem>>[vector<16xi32>], vector<16xf32>,
        %parallel_loop3A_706 = tpu.vector_load_idx %arg9[%parallel_loop3A_649, %and3A_97] : memref<512x32xf32, #tpu.memory_space<vmem>>[vector<16xi32>, vector<16xi32>], vector<16xf32>,
        %parallel_loop3A_707 = vector.broadcast %parallel_loop3A_660 : i32 to vector<16xi32>
        %parallel_loop3A_708 = arith.addi %add3A_319, %parallel_loop3A_707 : vector<16xi32>
        tpu.vector_store_idx %arg11[%parallel_loop3A_708], %parallel_loop3A_706 : memref<16384xf32, #tpu.memory_space<vmem>>[vector<16xi32>], vector<16xf32>,
        %parallel_loop3A_709 = arith.constant 8192 : i32
        %parallel_loop3A_710 = arith.addi %parallel_loop3A_658, %parallel_loop3A_709 : i32
        %parallel_loop3A_711 = arith.constant 16 : i32
        %parallel_loop3A_712 = vector.broadcast %parallel_loop3A_711 : i32 to vector<16xi32>
        %parallel_loop3A_713 = arith.addi %and3A_7, %parallel_loop3A_712 : vector<16xi32>
        %parallel_loop3A_714 = tpu.vector_load_idx %arg9[%parallel_loop3A_649, %parallel_loop3A_713] : memref<512x32xf32, #tpu.memory_space<vmem>>[vector<16xi32>, vector<16xi32>], vector<16xf32>,
        %parallel_loop3A_715 = vector.broadcast %parallel_loop3A_710 : i32 to vector<16xi32>
        %parallel_loop3A_716 = arith.addi %add3A_109, %parallel_loop3A_715 : vector<16xi32>
        tpu.vector_store_idx %arg11[%parallel_loop3A_716], %parallel_loop3A_714 : memref<16384xf32, #tpu.memory_space<vmem>>[vector<16xi32>], vector<16xf32>,
        %parallel_loop3A_717 = arith.constant 16 : i32
        %parallel_loop3A_718 = vector.broadcast %parallel_loop3A_717 : i32 to vector<16xi32>
        %parallel_loop3A_719 = arith.addi %and3A_13, %parallel_loop3A_718 : vector<16xi32>
        %parallel_loop3A_720 = tpu.vector_load_idx %arg9[%parallel_loop3A_649, %parallel_loop3A_719] : memref<512x32xf32, #tpu.memory_space<vmem>>[vector<16xi32>, vector<16xi32>], vector<16xf32>,
        %parallel_loop3A_721 = vector.broadcast %parallel_loop3A_710 : i32 to vector<16xi32>
        %parallel_loop3A_722 = arith.addi %add3A_123, %parallel_loop3A_721 : vector<16xi32>
        tpu.vector_store_idx %arg11[%parallel_loop3A_722], %parallel_loop3A_720 : memref<16384xf32, #tpu.memory_space<vmem>>[vector<16xi32>], vector<16xf32>,
        %parallel_loop3A_723 = arith.constant 16 : i32
        %parallel_loop3A_724 = vector.broadcast %parallel_loop3A_723 : i32 to vector<16xi32>
        %parallel_loop3A_725 = arith.addi %and3A_19, %parallel_loop3A_724 : vector<16xi32>
        %parallel_loop3A_726 = tpu.vector_load_idx %arg9[%parallel_loop3A_649, %parallel_loop3A_725] : memref<512x32xf32, #tpu.memory_space<vmem>>[vector<16xi32>, vector<16xi32>], vector<16xf32>,
        %parallel_loop3A_727 = vector.broadcast %parallel_loop3A_710 : i32 to vector<16xi32>
        %parallel_loop3A_728 = arith.addi %add3A_137, %parallel_loop3A_727 : vector<16xi32>
        tpu.vector_store_idx %arg11[%parallel_loop3A_728], %parallel_loop3A_726 : memref<16384xf32, #tpu.memory_space<vmem>>[vector<16xi32>], vector<16xf32>,
        %parallel_loop3A_729 = arith.constant 16 : i32
        %parallel_loop3A_730 = vector.broadcast %parallel_loop3A_729 : i32 to vector<16xi32>
        %parallel_loop3A_731 = arith.addi %and3A_25, %parallel_loop3A_730 : vector<16xi32>
        %parallel_loop3A_732 = tpu.vector_load_idx %arg9[%parallel_loop3A_649, %parallel_loop3A_731] : memref<512x32xf32, #tpu.memory_space<vmem>>[vector<16xi32>, vector<16xi32>], vector<16xf32>,
        %parallel_loop3A_733 = vector.broadcast %parallel_loop3A_710 : i32 to vector<16xi32>
        %parallel_loop3A_734 = arith.addi %add3A_151, %parallel_loop3A_733 : vector<16xi32>
        tpu.vector_store_idx %arg11[%parallel_loop3A_734], %parallel_loop3A_732 : memref<16384xf32, #tpu.memory_space<vmem>>[vector<16xi32>], vector<16xf32>,
        %parallel_loop3A_735 = arith.constant 16 : i32
        %parallel_loop3A_736 = vector.broadcast %parallel_loop3A_735 : i32 to vector<16xi32>
        %parallel_loop3A_737 = arith.addi %and3A_31, %parallel_loop3A_736 : vector<16xi32>
        %parallel_loop3A_738 = tpu.vector_load_idx %arg9[%parallel_loop3A_649, %parallel_loop3A_737] : memref<512x32xf32, #tpu.memory_space<vmem>>[vector<16xi32>, vector<16xi32>], vector<16xf32>,
        %parallel_loop3A_739 = vector.broadcast %parallel_loop3A_710 : i32 to vector<16xi32>
        %parallel_loop3A_740 = arith.addi %add3A_165, %parallel_loop3A_739 : vector<16xi32>
        tpu.vector_store_idx %arg11[%parallel_loop3A_740], %parallel_loop3A_738 : memref<16384xf32, #tpu.memory_space<vmem>>[vector<16xi32>], vector<16xf32>,
        %parallel_loop3A_741 = arith.constant 16 : i32
        %parallel_loop3A_742 = vector.broadcast %parallel_loop3A_741 : i32 to vector<16xi32>
        %parallel_loop3A_743 = arith.addi %and3A_37, %parallel_loop3A_742 : vector<16xi32>
        %parallel_loop3A_744 = tpu.vector_load_idx %arg9[%parallel_loop3A_649, %parallel_loop3A_743] : memref<512x32xf32, #tpu.memory_space<vmem>>[vector<16xi32>, vector<16xi32>], vector<16xf32>,
        %parallel_loop3A_745 = vector.broadcast %parallel_loop3A_710 : i32 to vector<16xi32>
        %parallel_loop3A_746 = arith.addi %add3A_179, %parallel_loop3A_745 : vector<16xi32>
        tpu.vector_store_idx %arg11[%parallel_loop3A_746], %parallel_loop3A_744 : memref<16384xf32, #tpu.memory_space<vmem>>[vector<16xi32>], vector<16xf32>,
        %parallel_loop3A_747 = arith.constant 16 : i32
        %parallel_loop3A_748 = vector.broadcast %parallel_loop3A_747 : i32 to vector<16xi32>
        %parallel_loop3A_749 = arith.addi %and3A_43, %parallel_loop3A_748 : vector<16xi32>
        %parallel_loop3A_750 = tpu.vector_load_idx %arg9[%parallel_loop3A_649, %parallel_loop3A_749] : memref<512x32xf32, #tpu.memory_space<vmem>>[vector<16xi32>, vector<16xi32>], vector<16xf32>,
        %parallel_loop3A_751 = vector.broadcast %parallel_loop3A_710 : i32 to vector<16xi32>
        %parallel_loop3A_752 = arith.addi %add3A_193, %parallel_loop3A_751 : vector<16xi32>
        tpu.vector_store_idx %arg11[%parallel_loop3A_752], %parallel_loop3A_750 : memref<16384xf32, #tpu.memory_space<vmem>>[vector<16xi32>], vector<16xf32>,
        %parallel_loop3A_753 = arith.constant 16 : i32
        %parallel_loop3A_754 = vector.broadcast %parallel_loop3A_753 : i32 to vector<16xi32>
        %parallel_loop3A_755 = arith.addi %and3A_49, %parallel_loop3A_754 : vector<16xi32>
        %parallel_loop3A_756 = tpu.vector_load_idx %arg9[%parallel_loop3A_649, %parallel_loop3A_755] : memref<512x32xf32, #tpu.memory_space<vmem>>[vector<16xi32>, vector<16xi32>], vector<16xf32>,
        %parallel_loop3A_757 = vector.broadcast %parallel_loop3A_710 : i32 to vector<16xi32>
        %parallel_loop3A_758 = arith.addi %add3A_207, %parallel_loop3A_757 : vector<16xi32>
        tpu.vector_store_idx %arg11[%parallel_loop3A_758], %parallel_loop3A_756 : memref<16384xf32, #tpu.memory_space<vmem>>[vector<16xi32>], vector<16xf32>,
        %parallel_loop3A_759 = arith.constant 16 : i32
        %parallel_loop3A_760 = vector.broadcast %parallel_loop3A_759 : i32 to vector<16xi32>
        %parallel_loop3A_761 = arith.addi %and3A_55, %parallel_loop3A_760 : vector<16xi32>
        %parallel_loop3A_762 = tpu.vector_load_idx %arg9[%parallel_loop3A_649, %parallel_loop3A_761] : memref<512x32xf32, #tpu.memory_space<vmem>>[vector<16xi32>, vector<16xi32>], vector<16xf32>,
        %parallel_loop3A_763 = vector.broadcast %parallel_loop3A_710 : i32 to vector<16xi32>
        %parallel_loop3A_764 = arith.addi %add3A_221, %parallel_loop3A_763 : vector<16xi32>
        tpu.vector_store_idx %arg11[%parallel_loop3A_764], %parallel_loop3A_762 : memref<16384xf32, #tpu.memory_space<vmem>>[vector<16xi32>], vector<16xf32>,
        %parallel_loop3A_765 = arith.constant 16 : i32
        %parallel_loop3A_766 = vector.broadcast %parallel_loop3A_765 : i32 to vector<16xi32>
        %parallel_loop3A_767 = arith.addi %and3A_61, %parallel_loop3A_766 : vector<16xi32>
        %parallel_loop3A_768 = tpu.vector_load_idx %arg9[%parallel_loop3A_649, %parallel_loop3A_767] : memref<512x32xf32, #tpu.memory_space<vmem>>[vector<16xi32>, vector<16xi32>], vector<16xf32>,
        %parallel_loop3A_769 = vector.broadcast %parallel_loop3A_710 : i32 to vector<16xi32>
        %parallel_loop3A_770 = arith.addi %add3A_235, %parallel_loop3A_769 : vector<16xi32>
        tpu.vector_store_idx %arg11[%parallel_loop3A_770], %parallel_loop3A_768 : memref<16384xf32, #tpu.memory_space<vmem>>[vector<16xi32>], vector<16xf32>,
        %parallel_loop3A_771 = arith.constant 16 : i32
        %parallel_loop3A_772 = vector.broadcast %parallel_loop3A_771 : i32 to vector<16xi32>
        %parallel_loop3A_773 = arith.addi %and3A_67, %parallel_loop3A_772 : vector<16xi32>
        %parallel_loop3A_774 = tpu.vector_load_idx %arg9[%parallel_loop3A_649, %parallel_loop3A_773] : memref<512x32xf32, #tpu.memory_space<vmem>>[vector<16xi32>, vector<16xi32>], vector<16xf32>,
        %parallel_loop3A_775 = vector.broadcast %parallel_loop3A_710 : i32 to vector<16xi32>
        %parallel_loop3A_776 = arith.addi %add3A_249, %parallel_loop3A_775 : vector<16xi32>
        tpu.vector_store_idx %arg11[%parallel_loop3A_776], %parallel_loop3A_774 : memref<16384xf32, #tpu.memory_space<vmem>>[vector<16xi32>], vector<16xf32>,
        %parallel_loop3A_777 = arith.constant 16 : i32
        %parallel_loop3A_778 = vector.broadcast %parallel_loop3A_777 : i32 to vector<16xi32>
        %parallel_loop3A_779 = arith.addi %and3A_73, %parallel_loop3A_778 : vector<16xi32>
        %parallel_loop3A_780 = tpu.vector_load_idx %arg9[%parallel_loop3A_649, %parallel_loop3A_779] : memref<512x32xf32, #tpu.memory_space<vmem>>[vector<16xi32>, vector<16xi32>], vector<16xf32>,
        %parallel_loop3A_781 = vector.broadcast %parallel_loop3A_710 : i32 to vector<16xi32>
        %parallel_loop3A_782 = arith.addi %add3A_263, %parallel_loop3A_781 : vector<16xi32>
        tpu.vector_store_idx %arg11[%parallel_loop3A_782], %parallel_loop3A_780 : memref<16384xf32, #tpu.memory_space<vmem>>[vector<16xi32>], vector<16xf32>,
        %parallel_loop3A_783 = arith.constant 16 : i32
        %parallel_loop3A_784 = vector.broadcast %parallel_loop3A_783 : i32 to vector<16xi32>
        %parallel_loop3A_785 = arith.addi %and3A_79, %parallel_loop3A_784 : vector<16xi32>
        %parallel_loop3A_786 = tpu.vector_load_idx %arg9[%parallel_loop3A_649, %parallel_loop3A_785] : memref<512x32xf32, #tpu.memory_space<vmem>>[vector<16xi32>, vector<16xi32>], vector<16xf32>,
        %parallel_loop3A_787 = vector.broadcast %parallel_loop3A_710 : i32 to vector<16xi32>
        %parallel_loop3A_788 = arith.addi %add3A_277, %parallel_loop3A_787 : vector<16xi32>
        tpu.vector_store_idx %arg11[%parallel_loop3A_788], %parallel_loop3A_786 : memref<16384xf32, #tpu.memory_space<vmem>>[vector<16xi32>], vector<16xf32>,
        %parallel_loop3A_789 = arith.constant 16 : i32
        %parallel_loop3A_790 = vector.broadcast %parallel_loop3A_789 : i32 to vector<16xi32>
        %parallel_loop3A_791 = arith.addi %and3A_85, %parallel_loop3A_790 : vector<16xi32>
        %parallel_loop3A_792 = tpu.vector_load_idx %arg9[%parallel_loop3A_649, %parallel_loop3A_791] : memref<512x32xf32, #tpu.memory_space<vmem>>[vector<16xi32>, vector<16xi32>], vector<16xf32>,
        %parallel_loop3A_793 = vector.broadcast %parallel_loop3A_710 : i32 to vector<16xi32>
        %parallel_loop3A_794 = arith.addi %add3A_291, %parallel_loop3A_793 : vector<16xi32>
        tpu.vector_store_idx %arg11[%parallel_loop3A_794], %parallel_loop3A_792 : memref<16384xf32, #tpu.memory_space<vmem>>[vector<16xi32>], vector<16xf32>,
        %parallel_loop3A_795 = arith.constant 16 : i32
        %parallel_loop3A_796 = vector.broadcast %parallel_loop3A_795 : i32 to vector<16xi32>
        %parallel_loop3A_797 = arith.addi %and3A_91, %parallel_loop3A_796 : vector<16xi32>
        %parallel_loop3A_798 = tpu.vector_load_idx %arg9[%parallel_loop3A_649, %parallel_loop3A_797] : memref<512x32xf32, #tpu.memory_space<vmem>>[vector<16xi32>, vector<16xi32>], vector<16xf32>,
        %parallel_loop3A_799 = vector.broadcast %parallel_loop3A_710 : i32 to vector<16xi32>
        %parallel_loop3A_800 = arith.addi %add3A_305, %parallel_loop3A_799 : vector<16xi32>
        tpu.vector_store_idx %arg11[%parallel_loop3A_800], %parallel_loop3A_798 : memref<16384xf32, #tpu.memory_space<vmem>>[vector<16xi32>], vector<16xf32>,
        %parallel_loop3A_801 = arith.constant 16 : i32
        %parallel_loop3A_802 = vector.broadcast %parallel_loop3A_801 : i32 to vector<16xi32>
        %parallel_loop3A_803 = arith.addi %and3A_97, %parallel_loop3A_802 : vector<16xi32>
        %parallel_loop3A_804 = tpu.vector_load_idx %arg9[%parallel_loop3A_649, %parallel_loop3A_803] : memref<512x32xf32, #tpu.memory_space<vmem>>[vector<16xi32>, vector<16xi32>], vector<16xf32>,
        %parallel_loop3A_805 = vector.broadcast %parallel_loop3A_710 : i32 to vector<16xi32>
        %parallel_loop3A_806 = arith.addi %add3A_319, %parallel_loop3A_805 : vector<16xi32>
        tpu.vector_store_idx %arg11[%parallel_loop3A_806], %parallel_loop3A_804 : memref<16384xf32, #tpu.memory_space<vmem>>[vector<16xi32>], vector<16xf32>,
      } {sc.loop_unroll_factor = 8 : i64, sc.parallel_access}
      %add3A_563 = arith.constant 1 : i32
      %add3A_564 = arith.addi %mul3A_415, %add3A_563 : i32
      %add3A_565 = arith.addi %mul3A_2, %add3A_564 : i32
      %jit3A_566 = arith.constant 8 : i32
      %div3A_567 = arith.divsi %add3A_565, %jit3A_566 : i32
      %sign3A_568 = arith.constant 0 : i32
      %sign3A_569 = arith.cmpi sgt, %add3A_565, %sign3A_568 : i32
      %sign3A_570 = arith.extui %sign3A_569 : i1 to i32
      %sign3A_571 = arith.constant 0 : i32
      %sign3A_572 = arith.cmpi slt, %add3A_565, %sign3A_571 : i32
      %sign3A_573 = arith.extui %sign3A_572 : i1 to i32
      %sign3A_574 = arith.subi %sign3A_570, %sign3A_573 : i32
      %sign3A_575 = arith.constant 0 : i32
      %sign3A_576 = arith.cmpi sgt, %jit3A_566, %sign3A_575 : i32
      %sign3A_577 = arith.extui %sign3A_576 : i1 to i32
      %sign3A_578 = arith.constant 0 : i32
      %sign3A_579 = arith.cmpi slt, %jit3A_566, %sign3A_578 : i32
      %sign3A_580 = arith.extui %sign3A_579 : i1 to i32
      %sign3A_581 = arith.subi %sign3A_577, %sign3A_580 : i32
      %ne3A_582 = arith.cmpi ne, %sign3A_574, %sign3A_581 : i32
      %rem3A_583 = arith.remsi %add3A_565, %jit3A_566 : i32
      %ne3A_584 = arith.constant 0 : i32
      %ne3A_585 = arith.cmpi ne, %rem3A_583, %ne3A_584 : i32
      %and3A_586 = arith.andi %ne3A_582, %ne3A_585 : i1
      %sub3A_587 = arith.constant 1 : i32
      %sub3A_588 = arith.subi %div3A_567, %sub3A_587 : i32
      %select_n3A_589 = arith.select %and3A_586, %sub3A_588, %div3A_567 : i32
      %mul3A_590 = arith.constant 8 : i32
      %mul3A_591 = arith.muli %select_n3A_589, %mul3A_590 : i32
      %sub3A_592 = arith.subi %add3A_565, %mul3A_591 : i32
      %mul3A_593 = arith.constant 131072 : i32
      %mul3A_594 = arith.muli %select_n3A_589, %mul3A_593 : i32
      %add3A_595 = arith.constant 0 : i32
      %add3A_596 = arith.addi %mul3A_594, %add3A_595 : i32
      %mul3A_597 = arith.constant 4096 : i32
      %mul3A_598 = arith.muli %sub3A_592, %mul3A_597 : i32
      %add3A_599 = arith.addi %add3A_596, %mul3A_598 : i32
      %dma_start3A_600 = arith.constant 0 : i32
      %dma_start3A_601 = tpu.memref_slice %arg11[%dma_start3A_600] : memref<16384xf32, #tpu.memory_space<vmem>> -> memref<4096xf32, #tpu.memory_space<vmem>>
      %dma_start3A_602 = tpu.memref_slice %arg4[%add3A_599] : memref<26214400xf32, #tpu.memory_space<hbm>> -> memref<4096xf32, #tpu.memory_space<hbm>>
      %dma_start3A_603 = tpu.memref_slice %arg4[%add3A_599] : memref<26214400xf32, #tpu.memory_space<hbm>> -> memref<4096xf32, #tpu.memory_space<hbm>>
      %dma_start3A_604 = arith.constant 0 : i32
      %dma_start3A_605 = tpu.memref_slice %arg11[%dma_start3A_604] : memref<16384xf32, #tpu.memory_space<vmem>> -> memref<4096xf32, #tpu.memory_space<vmem>>
      tpu.enqueue_dma source(%dma_start3A_605 : memref<4096xf32, #tpu.memory_space<vmem>>) target(%dma_start3A_603 : memref<4096xf32, #tpu.memory_space<hbm>>) target_semaphore(%arg17 : memref<!tpu.dma_semaphore, #tpu.memory_space<semaphore_mem>>)
      %mul3A_606 = arith.constant 131072 : i32
      %mul3A_607 = arith.muli %select_n3A_589, %mul3A_606 : i32
      %add3A_608 = arith.constant 32768 : i32
      %add3A_609 = arith.addi %mul3A_607, %add3A_608 : i32
      %mul3A_610 = arith.constant 4096 : i32
      %mul3A_611 = arith.muli %sub3A_592, %mul3A_610 : i32
      %add3A_612 = arith.addi %add3A_609, %mul3A_611 : i32
      %dma_start3A_613 = arith.constant 4096 : i32
      %dma_start3A_614 = tpu.memref_slice %arg11[%dma_start3A_613] : memref<16384xf32, #tpu.memory_space<vmem>> -> memref<4096xf32, #tpu.memory_space<vmem>>
      %dma_start3A_615 = tpu.memref_slice %arg4[%add3A_612] : memref<26214400xf32, #tpu.memory_space<hbm>> -> memref<4096xf32, #tpu.memory_space<hbm>>
      %dma_start3A_616 = tpu.memref_slice %arg4[%add3A_612] : memref<26214400xf32, #tpu.memory_space<hbm>> -> memref<4096xf32, #tpu.memory_space<hbm>>
      %dma_start3A_617 = arith.constant 4096 : i32
      %dma_start3A_618 = tpu.memref_slice %arg11[%dma_start3A_617] : memref<16384xf32, #tpu.memory_space<vmem>> -> memref<4096xf32, #tpu.memory_space<vmem>>
      tpu.enqueue_dma source(%dma_start3A_618 : memref<4096xf32, #tpu.memory_space<vmem>>) target(%dma_start3A_616 : memref<4096xf32, #tpu.memory_space<hbm>>) target_semaphore(%arg17 : memref<!tpu.dma_semaphore, #tpu.memory_space<semaphore_mem>>)
      %mul3A_619 = arith.constant 131072 : i32
      %mul3A_620 = arith.muli %select_n3A_589, %mul3A_619 : i32
      %add3A_621 = arith.constant 65536 : i32
      %add3A_622 = arith.addi %mul3A_620, %add3A_621 : i32
      %mul3A_623 = arith.constant 4096 : i32
      %mul3A_624 = arith.muli %sub3A_592, %mul3A_623 : i32
      %add3A_625 = arith.addi %add3A_622, %mul3A_624 : i32
      %dma_start3A_626 = arith.constant 8192 : i32
      %dma_start3A_627 = tpu.memref_slice %arg11[%dma_start3A_626] : memref<16384xf32, #tpu.memory_space<vmem>> -> memref<4096xf32, #tpu.memory_space<vmem>>
      %dma_start3A_628 = tpu.memref_slice %arg4[%add3A_625] : memref<26214400xf32, #tpu.memory_space<hbm>> -> memref<4096xf32, #tpu.memory_space<hbm>>
      %dma_start3A_629 = tpu.memref_slice %arg4[%add3A_625] : memref<26214400xf32, #tpu.memory_space<hbm>> -> memref<4096xf32, #tpu.memory_space<hbm>>
      %dma_start3A_630 = arith.constant 8192 : i32
      %dma_start3A_631 = tpu.memref_slice %arg11[%dma_start3A_630] : memref<16384xf32, #tpu.memory_space<vmem>> -> memref<4096xf32, #tpu.memory_space<vmem>>
      tpu.enqueue_dma source(%dma_start3A_631 : memref<4096xf32, #tpu.memory_space<vmem>>) target(%dma_start3A_629 : memref<4096xf32, #tpu.memory_space<hbm>>) target_semaphore(%arg17 : memref<!tpu.dma_semaphore, #tpu.memory_space<semaphore_mem>>)
      %mul3A_632 = arith.constant 131072 : i32
      %mul3A_633 = arith.muli %select_n3A_589, %mul3A_632 : i32
      %add3A_634 = arith.constant 98304 : i32
      %add3A_635 = arith.addi %mul3A_633, %add3A_634 : i32
      %mul3A_636 = arith.constant 4096 : i32
      %mul3A_637 = arith.muli %sub3A_592, %mul3A_636 : i32
      %add3A_638 = arith.addi %add3A_635, %mul3A_637 : i32
      %dma_start3A_639 = arith.constant 12288 : i32
      %dma_start3A_640 = tpu.memref_slice %arg11[%dma_start3A_639] : memref<16384xf32, #tpu.memory_space<vmem>> -> memref<4096xf32, #tpu.memory_space<vmem>>
      %dma_start3A_641 = tpu.memref_slice %arg4[%add3A_638] : memref<26214400xf32, #tpu.memory_space<hbm>> -> memref<4096xf32, #tpu.memory_space<hbm>>
      %dma_start3A_642 = tpu.memref_slice %arg4[%add3A_638] : memref<26214400xf32, #tpu.memory_space<hbm>> -> memref<4096xf32, #tpu.memory_space<hbm>>
      %dma_start3A_643 = arith.constant 12288 : i32
      %dma_start3A_644 = tpu.memref_slice %arg11[%dma_start3A_643] : memref<16384xf32, #tpu.memory_space<vmem>> -> memref<4096xf32, #tpu.memory_space<vmem>>
      tpu.enqueue_dma source(%dma_start3A_644 : memref<4096xf32, #tpu.memory_space<vmem>>) target(%dma_start3A_642 : memref<4096xf32, #tpu.memory_space<hbm>>) target_semaphore(%arg17 : memref<!tpu.dma_semaphore, #tpu.memory_space<semaphore_mem>>)
    }
    %scan3A_373 = arith.constant 25 : i32
    %dma_wait3A_374 = arith.constant 0 : i32
    %dma_wait3A_375 = arith.constant 0 : i32
    %dma_wait3A_376 = tpu.memref_slice %arg3[%dma_wait3A_374, %dma_wait3A_375] : memref<1000000x32xf32, #tpu.memory_space<hbm>> -> memref<1000000x32xf32, #tpu.memory_space<hbm>>
    tpu.wait_indirect_dma semaphore(%arg14 : memref<!tpu.dma_semaphore, #tpu.memory_space<semaphore_mem>>) src(%dma_wait3A_376 : memref<1000000x32xf32, #tpu.memory_space<hbm>>) dst(%arg8 : memref<512x32xf32, #tpu.memory_space<vmem>>)
    %dma_wait3A_377 = arith.constant 0 : i32
    %dma_wait3A_378 = tpu.memref_slice %arg2[%dma_wait3A_377] : memref<819200xi32, #tpu.memory_space<hbm>> -> memref<512xi32, #tpu.memory_space<hbm>>
    %dma_wait3A_379 = arith.constant 0 : i32
    %dma_wait3A_380 = tpu.memref_slice %arg2[%dma_wait3A_379] : memref<819200xi32, #tpu.memory_space<hbm>> -> memref<512xi32, #tpu.memory_space<hbm>>
    tpu.wait_dma2 semaphore(%arg13 : memref<!tpu.dma_semaphore, #tpu.memory_space<semaphore_mem>>) src(%dma_wait3A_380 : memref<512xi32, #tpu.memory_space<hbm>>) dst(%arg7 : memref<512xi32, #tpu.memory_space<vmem>>)
    %dma_wait3A_381 = arith.constant 0 : i32
    %dma_wait3A_382 = tpu.memref_slice %arg10[%dma_wait3A_381] : memref<16384xf32, #tpu.memory_space<vmem>> -> memref<4096xf32, #tpu.memory_space<vmem>>
    %dma_wait3A_383 = arith.constant 0 : i32
    %dma_wait3A_384 = tpu.memref_slice %arg10[%dma_wait3A_383] : memref<16384xf32, #tpu.memory_space<vmem>> -> memref<4096xf32, #tpu.memory_space<vmem>>
    tpu.wait_dma2 semaphore(%arg16 : memref<!tpu.dma_semaphore, #tpu.memory_space<semaphore_mem>>) src(%dma_wait3A_384 : memref<4096xf32, #tpu.memory_space<vmem>>) dst(%arg5 : memref<4096xf32, #tpu.memory_space<hbm>>)
    %dma_wait3A_385 = arith.constant 4096 : i32
    %dma_wait3A_386 = tpu.memref_slice %arg10[%dma_wait3A_385] : memref<16384xf32, #tpu.memory_space<vmem>> -> memref<4096xf32, #tpu.memory_space<vmem>>
    %dma_wait3A_387 = arith.constant 4096 : i32
    %dma_wait3A_388 = tpu.memref_slice %arg10[%dma_wait3A_387] : memref<16384xf32, #tpu.memory_space<vmem>> -> memref<4096xf32, #tpu.memory_space<vmem>>
    tpu.wait_dma2 semaphore(%arg16 : memref<!tpu.dma_semaphore, #tpu.memory_space<semaphore_mem>>) src(%dma_wait3A_388 : memref<4096xf32, #tpu.memory_space<vmem>>) dst(%arg5 : memref<4096xf32, #tpu.memory_space<hbm>>)
    %dma_wait3A_389 = arith.constant 8192 : i32
    %dma_wait3A_390 = tpu.memref_slice %arg10[%dma_wait3A_389] : memref<16384xf32, #tpu.memory_space<vmem>> -> memref<4096xf32, #tpu.memory_space<vmem>>
    %dma_wait3A_391 = arith.constant 8192 : i32
    %dma_wait3A_392 = tpu.memref_slice %arg10[%dma_wait3A_391] : memref<16384xf32, #tpu.memory_space<vmem>> -> memref<4096xf32, #tpu.memory_space<vmem>>
    tpu.wait_dma2 semaphore(%arg16 : memref<!tpu.dma_semaphore, #tpu.memory_space<semaphore_mem>>) src(%dma_wait3A_392 : memref<4096xf32, #tpu.memory_space<vmem>>) dst(%arg5 : memref<4096xf32, #tpu.memory_space<hbm>>)
    %dma_wait3A_393 = arith.constant 12288 : i32
    %dma_wait3A_394 = tpu.memref_slice %arg10[%dma_wait3A_393] : memref<16384xf32, #tpu.memory_space<vmem>> -> memref<4096xf32, #tpu.memory_space<vmem>>
    %dma_wait3A_395 = arith.constant 12288 : i32
    %dma_wait3A_396 = tpu.memref_slice %arg10[%dma_wait3A_395] : memref<16384xf32, #tpu.memory_space<vmem>> -> memref<4096xf32, #tpu.memory_space<vmem>>
    tpu.wait_dma2 semaphore(%arg16 : memref<!tpu.dma_semaphore, #tpu.memory_space<semaphore_mem>>) src(%dma_wait3A_396 : memref<4096xf32, #tpu.memory_space<vmem>>) dst(%arg5 : memref<4096xf32, #tpu.memory_space<hbm>>)
    %dma_wait3A_397 = arith.constant 0 : i32
    %dma_wait3A_398 = tpu.memref_slice %arg11[%dma_wait3A_397] : memref<16384xf32, #tpu.memory_space<vmem>> -> memref<4096xf32, #tpu.memory_space<vmem>>
    %dma_wait3A_399 = arith.constant 0 : i32
    %dma_wait3A_400 = tpu.memref_slice %arg11[%dma_wait3A_399] : memref<16384xf32, #tpu.memory_space<vmem>> -> memref<4096xf32, #tpu.memory_space<vmem>>
    tpu.wait_dma2 semaphore(%arg17 : memref<!tpu.dma_semaphore, #tpu.memory_space<semaphore_mem>>) src(%dma_wait3A_400 : memref<4096xf32, #tpu.memory_space<vmem>>) dst(%arg5 : memref<4096xf32, #tpu.memory_space<hbm>>)
    %dma_wait3A_401 = arith.constant 4096 : i32
    %dma_wait3A_402 = tpu.memref_slice %arg11[%dma_wait3A_401] : memref<16384xf32, #tpu.memory_space<vmem>> -> memref<4096xf32, #tpu.memory_space<vmem>>
    %dma_wait3A_403 = arith.constant 4096 : i32
    %dma_wait3A_404 = tpu.memref_slice %arg11[%dma_wait3A_403] : memref<16384xf32, #tpu.memory_space<vmem>> -> memref<4096xf32, #tpu.memory_space<vmem>>
    tpu.wait_dma2 semaphore(%arg17 : memref<!tpu.dma_semaphore, #tpu.memory_space<semaphore_mem>>) src(%dma_wait3A_404 : memref<4096xf32, #tpu.memory_space<vmem>>) dst(%arg5 : memref<4096xf32, #tpu.memory_space<hbm>>)
    %dma_wait3A_405 = arith.constant 8192 : i32
    %dma_wait3A_406 = tpu.memref_slice %arg11[%dma_wait3A_405] : memref<16384xf32, #tpu.memory_space<vmem>> -> memref<4096xf32, #tpu.memory_space<vmem>>
    %dma_wait3A_407 = arith.constant 8192 : i32
    %dma_wait3A_408 = tpu.memref_slice %arg11[%dma_wait3A_407] : memref<16384xf32, #tpu.memory_space<vmem>> -> memref<4096xf32, #tpu.memory_space<vmem>>
    tpu.wait_dma2 semaphore(%arg17 : memref<!tpu.dma_semaphore, #tpu.memory_space<semaphore_mem>>) src(%dma_wait3A_408 : memref<4096xf32, #tpu.memory_space<vmem>>) dst(%arg5 : memref<4096xf32, #tpu.memory_space<hbm>>)
    %dma_wait3A_409 = arith.constant 12288 : i32
    %dma_wait3A_410 = tpu.memref_slice %arg11[%dma_wait3A_409] : memref<16384xf32, #tpu.memory_space<vmem>> -> memref<4096xf32, #tpu.memory_space<vmem>>
    %dma_wait3A_411 = arith.constant 12288 : i32
    %dma_wait3A_412 = tpu.memref_slice %arg11[%dma_wait3A_411] : memref<16384xf32, #tpu.memory_space<vmem>> -> memref<4096xf32, #tpu.memory_space<vmem>>
    tpu.wait_dma2 semaphore(%arg17 : memref<!tpu.dma_semaphore, #tpu.memory_space<semaphore_mem>>) src(%dma_wait3A_412 : memref<4096xf32, #tpu.memory_space<vmem>>) dst(%arg5 : memref<4096xf32, #tpu.memory_space<hbm>>)
    return
  }
}

</mosaic_0001>

<sc_bundles>
// kernel: _emb_lookup.3.cloned.1.call-start
scs
__scs_entry_jumppad:
0x0: {  	(pc) =	sbr.rel $0x88, $3  }
0x1: {  	(tag) =	ssettag $0x0;
	lr =	simm.s32 $0x1  }
0x2: {  	[smem:$0x3F9F] =	sst lr;
	_ =	strace $0xD0000000  }
0x3: {  	_ = 	snop  }
0x4: {  	_ = 	snop  }
0x5: {  	_ = 	snop  }
0x6: {  	_ = 	snop  }
0x7: {  	_ = 	snop  }
__scs_overlays_trampoline_lowered:
0x8: {  	[smem:$0x3FAE] =	sst s0  }
0x9: {  	[smem:$0x3FAF] =	sst s1  }
0xa: {  	[smem:$0x3FB0] =	sst s2  }
0xb: {  	[smem:$0x3FB1] =	sst s3  }
0xc: {  	[smem:$0x3FB2] =	sst s4  }
0xd: {  	[smem:$0x3FB3] =	sst s5  }
0xe: {  	[smem:$0x3FB4] =	sst s6  }
0xf: {  	[smem:$0x3FB5] =	sst s7  }
0x10: {  	[smem:$0x3FB6] =	sst s8  }
0x11: {  	[smem:$0x3FB7] =	sst s9;
	s0 =	simm.s32 @!p0 $0x0  }
0x12: {  	s1 =	sld [smem:$0x3F9D];
	s0 =	simm.s32 @p0 $0x1  }
0x13: {  	[smem:$0x3FB8] =	sst s0;
	s0 =	simm.s32 @!p1 $0x0  }
0x14: {  	s2 =	sld [smem:$0x3F9C];
	s0 =	simm.s32 @p1 $0x1  }
0x15: {  	[smem:$0x3FB9] =	sst s0;
	s0 =	simm.s32 @!p2 $0x0  }
0x16: {  	s3 =	sld [smem:$0x3FDB];
	s0 =	simm.s32 @p2 $0x1  }
0x17: {  	s4 =	simm.s32 $0x1BF5;
	[smem:$0x3FBB] =	sst s0  }
0x18: {  	s0 =	sld [smem:$0x3F9E];
	_ =	swait.ge [sflag:s4], $0x0  }
0x19: {  	s7 =	sld [smem:$0x3F9F]  }
0x1a: {  	s8 =	sadd.s32 $0xFFFFE003, lr  }
0x1b: {  	s9 =	sadd.s32 $0xFFFFFEF7, lr;
	s5 =	simm.s32 $0xFFFFFFFF;
	p2 =	slt.u32 s8, $0xFFFFF086  }
0x1c: {  	p1 =	slt.u32 s9, $0xF7A;
	s5 =	simm.s32 @!p2 $0x0  }
0x1d: {  	s5 =	simm.s32 @p1 $0x1;
	p0 =	seq.s32 s7, s2  }
0x1e: {  	s7 =	smul.u32 @!p0 $0xF7A, s2;
	p2 =	seq.s32 @!p0 s5, $0x0  }
0x1f: {  	s9 =	smul.u32 $0xF7A, s1;
	s8 =	simm.s32 @!p0 $0x1BF5;
	p2 =	por !p2, p0  }
0x20: {  	[sflag:s8] =	ssyncset.s32 @!p0 $0xFFFFF086;
	s6 =	sadd.s32 @!p0 s3, s7;
	s7 =	simm.s32 @!p0 $0x108  }
0x21: {  	s3 =	sadd.s32 s3, s9;
	s6 =	sadd.s32 @!p0 $0x88, s6;
	s7 =	simm.s32 @p2 $0x1082  }
0x22: {  	[simem:s7], [sflag:s8] =	dma.local @!p0 [hbm:s6], $0xF7A  }
0x23: {  	s9 =	sor.u32 $0xD0000000, s2;
	s6 =	simm.s32 $0x108;
	_ =	swait.ge @!p0 [sflag:s8], $0x0  }
0x24: {  	s3 =	sadd.s32 $0x88, s3;
	s6 =	simm.s32 @!p1 $0x1082;
	[sflag:s4] =	ssyncset.s32 $0xFFFFF086  }
0x25: {  	[simem:s6], [sflag:s4] =	dma.local [hbm:s3], $0xF7A  }
0x26: {  	[smem:$0x3F9F] =	sst s1;
	(tag) =	ssettag s2;
	_ =	strace s9  }
0x27: {  	s1 =	sld [smem:$0x3FAF]  }
0x28: {  	s2 =	sld [smem:$0x3FB0]  }
0x29: {  	s4 =	sld [smem:$0x3FB2]  }
0x2a: {  	p0 =	seq.s32 s5, $0x0;
	s5 =	sld [smem:$0x3FB3]  }
0x2b: {  	s6 =	sld [smem:$0x3FB4]  }
0x2c: {  	s7 =	sld [smem:$0x3FB5]  }
0x2d: {  	s3 =	simm.s32 $0x108;
	s8 =	sld [smem:$0x3FB6]  }
0x2e: {  	s3 =	simm.s32 @!p0 $0x1082;
	s9 =	sld [smem:$0x3FB7]  }
0x2f: {  	lr =	sadd.s32 s0, s3;
	s0 =	sld [smem:$0x3FAE]  }
0x30: {  	s3 =	sld [smem:$0x3FB1]  }
0x31: {  	[smem:$0x3FBA] =	sst s10  }
0x32: {  	s10 =	sld [smem:$0x3FB8];
	_ =	sdelay $0x3  }
0x33: {  	p0 =	seq.s32 s10, $0x1;
	s10 =	sld [smem:$0x3FBA];
	_ =	sdelay $0x3  }
0x34: {  	[smem:$0x3FBA] =	sst s10  }
0x35: {  	s10 =	sld [smem:$0x3FB9];
	_ =	sdelay $0x3  }
0x36: {  	p1 =	seq.s32 s10, $0x1;
	s10 =	sld [smem:$0x3FBA];
	_ =	sdelay $0x3  }
0x37: {  	[smem:$0x3FBA] =	sst s10  }
0x38: {  	s10 =	sld [smem:$0x3FBB]  }
0x39: {  	_ = 	snop;
	(pc) =	sbr.ind lr, $3  }
0x3a: {  	_ = 	snop  }
0x3b: {  	_ = 	snop  }
0x3c: {  	p2 =	seq.s32 s10, $0x1;
	s10 =	sld [smem:$0x3FBA]  }
0x3d: {  	_ =	shalt  }
0x3e: {  	_ =	shalt  }
0x3f: {  	_ =	shalt  }
0x40: {  	_ =	shalt  }
0x41: {  	_ =	shalt  }
0x42: {  	_ =	shalt  }
0x43: {  	_ =	shalt  }
0x44: {  	_ =	shalt  }
0x45: {  	_ =	shalt  }
0x46: {  	_ =	shalt  }
0x47: {  	_ =	shalt  }
0x48: {  	_ =	shalt  }
0x49: {  	_ =	shalt  }
0x4a: {  	_ =	shalt  }
0x4b: {  	_ =	shalt  }
0x4c: {  	_ =	shalt  }
0x4d: {  	_ =	shalt  }
0x4e: {  	_ =	shalt  }
0x4f: {  	_ =	shalt  }
0x50: {  	_ =	shalt  }
0x51: {  	_ =	shalt  }
0x52: {  	_ =	shalt  }
0x53: {  	_ =	shalt  }
0x54: {  	_ =	shalt  }
0x55: {  	_ =	shalt  }
0x56: {  	_ =	shalt  }
0x57: {  	_ =	shalt  }
0x58: {  	_ =	shalt  }
0x59: {  	_ =	shalt  }
0x5a: {  	_ =	shalt  }
0x5b: {  	_ =	shalt  }
0x5c: {  	_ =	shalt  }
0x5d: {  	_ =	shalt  }
0x5e: {  	_ =	shalt  }
0x5f: {  	_ =	shalt  }
0x60: {  	_ =	shalt  }
0x61: {  	_ =	shalt  }
0x62: {  	_ =	shalt  }
0x63: {  	_ =	shalt  }
0x64: {  	_ =	shalt  }
0x65: {  	_ =	shalt  }
0x66: {  	_ =	shalt  }
0x67: {  	_ =	shalt  }
0x68: {  	_ =	shalt  }
0x69: {  	_ =	shalt  }
0x6a: {  	_ =	shalt  }
0x6b: {  	_ =	shalt  }
0x6c: {  	_ =	shalt  }
0x6d: {  	_ =	shalt  }
0x6e: {  	_ =	shalt  }
0x6f: {  	_ =	shalt  }
0x70: {  	_ =	shalt  }
0x71: {  	_ =	shalt  }
0x72: {  	_ =	shalt  }
0x73: {  	_ =	shalt  }
0x74: {  	_ =	shalt  }
0x75: {  	_ =	shalt  }
0x76: {  	_ =	shalt  }
0x77: {  	_ =	shalt  }
0x78: {  	_ =	shalt  }
0x79: {  	_ =	shalt  }
0x7a: {  	_ =	shalt  }
0x7b: {  	_ =	shalt  }
0x7c: {  	_ =	shalt  }
0x7d: {  	_ =	shalt  }
0x7e: {  	_ =	shalt  }
0x7f: {  	_ =	shalt  }
0x80: {  	_ =	shalt  }
0x81: {  	_ =	shalt  }
0x82: {  	_ =	shalt  }
0x83: {  	_ =	shalt  }
0x84: {  	_ =	shalt  }
0x85: {  	_ =	shalt  }
0x86: {  	_ =	shalt  }
0x87: {  	_ =	shalt  }
.Lfunc_end0:
.L_simem_size_0:
called_computation_lowered:
.L_overlay_start_0:
0x88: {  	s2 =	sld [smem:$0x3FD9]  }
0x89: {  	s3 =	sld [smem:$0x3FFE];
	_ =	sdelay $0x1  }
0x8a: {  	s1 =	srdreg.scid  }
0x8b: {  	s0 =	sand.u32 $0x1, s1  }
0x8c: {  	s14 =	sshll.u32 s0, $0xA;
	s2 =	sadd.s32 s3, s2  }
0x8d: {  	s2 =	sadd.s32 s2, s14  }
0x8e: {  	[smem:$0x3FC6] =	sst s2  }
0x8f: {  	_ = 	snop  }
0x90: {  	s2 =	sld [smem:$0x3FD0];
	_ =	sdelay $0x2  }
0x91: {  	s4 =	simm.s32 $0xA;
	s5 =	simm.s32 $0x10;
	s15 =	sld [smem:$0x3FC9]  }
0x92: {  	[smem:s5], [sflag:s4] =	dma.local [hbm:s2], $0x1  }
0x93: {  	_ =	swait.eq [sflag:s4], $0x1  }
0x94: {  	[sflag:s4] =	ssyncset.done $0x0  }
0x95: {  	s16 =	sld [smem:$0x10];
	[sflag:s4] =	ssyncadd.s32 $0xFFFFFFFF  }
0x96: {  	s17 =	sld [smem:$0x11];
	(tm) =	ssettm $0x1  }
0x97: {  	s18 =	sld [smem:$0x3FFB];
	_ =	sdelay $0x3  }
0x98: {  	_ =	strace s18  }
0x99: {  	s5 =	sld [smem:$0x3FFC];
	_ =	sdelay $0x3  }
0x9a: {  	_ =	strace s5  }
0x9b: {  	s5 =	sld [smem:$0x3FFD];
	_ =	sdelay $0x3  }
0x9c: {  	_ =	strace s5  }
0x9d: {  	_ =	strace $0x8FFFFFFF  }
0x9e: {  	s19 =	sld [smem:$0x3FDB];
	_ =	sdelay $0x1  }
0x9f: {  	s6 =	simm.s32 $_scs_section_size  }
0xa0: {  	s7 =	simm.s32 $_size__tile_overlayer_lowered;
	s8 =	simm.s32 $_tile_overlayer_lowered  }
0xa1: {  	s22 =	simm.s32 $0x1BFF;
	s21 =	sshll.u32 s8, $0x1;
	s5 =	sadd.s32 s6, s19  }
0xa2: {  	s9 =	simm.s32 $0x0;
	s20 =	sshll.u32 s7, $0x1;
	s7 =	sadd.s32 s21, s5  }
0xa3: {  	[timem:s9], [sflag:s22] =	dma.local [hbm:s7], s20  }
0xa4: {  	_ =	swait.ge [sflag:s22], s20  }
0xa5: {  	s6 =	ssub.s32 $0x0, s20;
	[sflag:s22] =	ssyncset.done $0x0  }
0xa6: {  	[sflag:s22] =	ssyncadd.s32 s6;
	_ =	sdelay $0x1  }
0xa7: {  	s23 =	simm.s32 $0x1B8B  }
0xa8: {  	_ =	swait.ge [sflag:s23], $0x1  }
0xa9: {  	[sflag:s23] =	ssyncset.done $0x0  }
0xaa: {  	s25 =	simm.s32 $0x1B8E;
	s24 =	sld [smem:$0x3FFE];
	[sflag:s23] =	ssyncadd.s32 $0xFFFFFFFF  }
0xab: {  	s26 =	simm.s32 $execute0_lowered;
	[smem:$0x3FD2] =	sst s25  }
0xac: {  	s7 =	sshll.u32 s26, $0x1;
	_ =	strace $0x80000046;
	[dreg:$0x1] =	wrdreg $0xFFFFFFFF  }
0xad: {  	s28 =	simm.s32 $_size_execute0_lowered;
	s5 =	sadd.s32 s5, s7;
	[dreg:$0x0] =	wrdreg $0x0  }
0xae: {  	s7 =	sshll.u32 s28, $0x1;
	[dreg:$0x2] =	wrdreg s5  }
0xaf: {  	[dreg:$0x3] =	wrdreg s7  }
0xb0: {  	[dreg:$0x4] =	wrdreg $0xC0  }
0xb1: {  	_ =	task [dreg:s9], $0x5FFFF  }
0xb2: {  	[dreg:$0x1] =	wrdreg $0xFFFFFFFF  }
0xb3: {  	[dreg:$0x0] =	wrdreg $0x60  }
0xb4: {  	[dreg:$0x2] =	wrdreg s15  }
0xb5: {  	[dreg:$0x3] =	wrdreg s24  }
0xb6: {  	[dreg:$0x4] =	wrdreg s16  }
0xb7: {  	[dreg:$0x5] =	wrdreg s17  }
0xb8: {  	[dreg:$0x6] =	wrdreg $0x9  }
0xb9: {  	_ =	task.clear_ibuf [dreg:s9], $0x7FFFF;
	_ =	strace $0x90000046  }
0xba: {  	s29 =	simm.s32 $0x9;
	_ =	strace $0x80000048  }
0xbb: {  	_ =	swait.ge [sflag:s29], $0x1  }
0xbc: {  	[sflag:s29] =	ssyncadd.s32 $0xFFFFFFFF  }
0xbd: {  	_ =	strace $0x90000048  }
0xbe: {  	_ =	sfence  }
0xbf: {  	s30 =	sld [smem:$0x0];
	_ =	sdelay $0x2  }
0xc0: {  	s31 =	sshll.u32 s1, $0xD;
	s1 =	sshrl.u32 s1, $0x2  }
0xc1: {  	s3 =	sand.u32 $0x4000, s31;
	s1 =	sadd.s32 s1, s30  }
0xc2: {  	s0 =	sor.u32 s3, s0;
	s1 =	sshll.u32 s1, $0x11  }
0xc3: {  	s0 =	sor.u32 s1, s0  }
0xc4: {  	s0 =	sadd.s32 $0x8F2B, s0  }
0xc5: {  	[sflag:s0] =	ssyncadd.remote.s32 $0x1  }
0xc6: {  	_ =	sfence.sel $0xFFFF  }
0xc7: {  	[dreg:$0x0] =	wrdreg $0xFFFFFFFF;
	(pc) =	sbr.abs _section_cstart, $3  }
0xc8: {  	[dreg:$0x1] =	wrdreg $0xFFFFFFFF  }
0xc9: {  	_ =	task.clear_ibuf [dreg:s9], $0x2FFFF;
	_ =	strace $0x9FFFFFFF  }
0xca: {  	(tm) =	ssettm $0x7FFFFFFF  }
0xcb: {  	_ =	shalt  }
tec
execute0_lowered:
.L_overlay_start_1:
0x0: {  	(tag) =	ssettag $0x1  }
0x1: {  	v0 =	vimm.s32 $0x138F;
	vm14 =	vcmask $0x300  }
0x2: {  	vm13 =	vcmask $0x704;
	vm12 =	vcmask $0xB08;
	vm11 =	vcmask $0xF0C  }
0x3: {  	vm10 =	vcmask $0x1310;
	vm9 =	vcmask $0x1714;
	vm8 =	vcmask $0x1B18  }
0x4: {  	vm6 =	vcmask $0x1F1C;
	vm7 =	vcmask $0x2320;
	vm5 =	vcmask $0x2724  }
0x5: {  	v2 =	vimm.s32 $0xF;
	vm4 =	vcmask $0x2B28;
	vm2 =	vcmask $0x2F2C  }
0x6: {  	vm0 =	vcmask $0x3330;
	vm3 =	vcmask $0x3734;
	v4 =	vimm.s32 $0xFEDCBA9  }
0x7: {  	v5 =	vimm.s32 $0x87654321;
	v6 =	vimm.s32 $0x8F;
	vm1 =	vcmask $0x3B38  }
0x8: {  	v7 =	vimm.s32 $0x98765432;
	v8 =	vimm.s32 $0x10F;
	v11 =	vimm.s32 $0xBA987654  }
0x9: {  	v13 =	vimm.s32 $0xCBA98765;
	v15 =	vimm.s32 $0xDCBA9876;
	v16 =	vimm.s32 $0x30F  }
0xa: {  	v17 =	vimm.s32 $0xEDCBA987;
	v51 =	vimm.s32 $0x76543210;
	v34 =	vimm.s32 $0xFEDCBA98  }
0xb: {  	v53 =	vimm.s32 $0x108F;
	v55 =	vimm.s32 $0x110F;
	v57 =	vimm.s32 $0x118F  }
0xc: {  	v59 =	vimm.s32 $0x120F;
	v61 =	vimm.s32 $0x128F;
	v62 =	vimm.s32 $0x130F  }
0xd: {  	v37 =	vimm.s32 $0x1C1B1A19;
	v40 =	vimm.s32 $0x101F1E1D;
	v41 =	vimm.s32 $0x14131211  }
0xe: {  	v46 =	vimm.s32 $0x18171615;
	v47 =	vimm.s32 $0x1D1C1B1A;
	v0 =	vsel vm14, $0x0, v0  }
0xf: {  	v2 =	vsel vm14, $0x80, v2;
	v4 =	vunpack.c.l.s4.s8 v4;
	v5 =	vunpack.c.l.s4.s8 v5  }
0x10: {  	v6 =	vsel vm14, $0x100, v6;
	v7 =	vunpack.c.l.s4.s8 v7;
	v11 =	vunpack.c.l.s4.s8 v11  }
0x11: {  	v13 =	vunpack.c.l.s4.s8 v13;
	v15 =	vunpack.c.l.s4.s8 v15;
	v0 =	vsel vm13, $0x81, v0  }
0x12: {  	v17 =	vunpack.c.l.s4.s8 v17;
	v34 =	vunpack.c.l.s4.s8 v34;
	v0 =	vsel vm12, $0x102, v0  }
0x13: {  	v54 =	vsel vm14, $0x1100, v53;
	v2 =	vsel vm13, $0x101, v2;
	v0 =	vsel vm11, $0x183, v0  }
0x14: {  	v60 =	vsel vm14, $0x1280, v59;
	v2 =	vsel vm12, $0x182, v2;
	v0 =	vsel vm10, $0x204, v0  }
0x15: {  	v53 =	vimm.s32 $0x11101F1E;
	v2 =	vsel vm11, $0x203, v2;
	v0 =	vsel vm9, $0x285, v0  }
0x16: {  	v18 =	vunpack.c.0.s8.s32 v4;
	v2 =	vsel vm10, $0x284, v2;
	v1 =	vsel vm8, $0x306, v0  }
0x17: {  	v4 =	vsel vm13, $0x181, v6;
	v2 =	vsel vm9, $0x305, v2;
	v1 =	vsel vm6, $0x387, v1  }
0x18: {  	v19 =	vunpack.c.0.s8.s32 v5;
	v2 =	vsel vm8, $0x386, v2;
	v1 =	vsel vm7, $0x1008, v1  }
0x19: {  	v21 =	vunpack.c.0.s8.s32 v7;
	v2 =	vsel vm6, $0x1007, v2;
	v1 =	vsel vm5, $0x1089, v1  }
0x1a: {  	v4 =	vsel vm12, $0x202, v4;
	v2 =	vsel vm7, $0x1088, v2;
	v1 =	vsel vm4, $0x110A, v1  }
0x1b: {  	v4 =	vsel vm11, $0x283, v4;
	v2 =	vsel vm5, $0x1109, v2;
	v3 =	vsel vm2, $0x118B, v1  }
0x1c: {  	v5 =	vcombine.low v19, v18;
	v2 =	vsel vm4, $0x118A, v2;
	v3 =	vsel vm0, $0x120C, v3  }
0x1d: {  	v4 =	vsel vm10, $0x304, v4;
	v6 =	vsel vm2, $0x120B, v2;
	v3 =	vsel vm3, $0x128D, v3  }
0x1e: {  	v4 =	vsel vm9, $0x385, v4;
	v6 =	vsel vm0, $0x128C, v6;
	v2 =	vsel vm1, $0x130E, v3  }
0x1f: {  	v3 =	vand.u32 $0xF, v5;
	v5 =	vsel vm3, $0x130D, v6;
	v6 =	vsel vm8, $0x1006, v4  }
0x20: {  	v4 =	vsel vm1, $0x138E, v5;
	v5 =	vimm.s32 $0x10FEDCBA;
	v6 =	vsel vm6, $0x1087, v6  }
0x21: {  	v7 =	vimm.s32 $0x210FEDCB;
	v5 =	vunpack.c.l.s4.s8 v5;
	v6 =	vsel vm7, $0x1108, v6  }
0x22: {  	v25 =	vunpack.c.0.s8.s32 v11;
	v27 =	vunpack.c.0.s8.s32 v13;
	v6 =	vsel vm5, $0x1189, v6  }
0x23: {  	v20 =	vunpack.c.0.s8.s32 v5;
	v5 =	vsel vm4, $0x120A, v6;
	v6 =	vsel vm14, $0x180, v8  }
0x24: {  	v30 =	vunpack.c.0.s8.s32 v15;
	v34 =	vunpack.c.0.s8.s32 v34;
	v6 =	vsel vm13, $0x201, v6  }
0x25: {  	v7 =	vunpack.c.l.s4.s8 v7;
	v8 =	vimm.s32 $0xA9876543;
	v6 =	vsel vm12, $0x282, v6  }
0x26: {  	v5 =	vsel vm2, $0x128B, v5;
	v8 =	vunpack.c.l.s4.s8 v8;
	v6 =	vsel vm11, $0x303, v6  }
0x27: {  	v22 =	vunpack.c.0.s8.s32 v7;
	v10 =	vsel vm0, $0x130C, v5;
	v5 =	vsel vm10, $0x384, v6  }
0x28: {  	v9 =	vcombine.low v21, v20;
	v23 =	vunpack.c.0.s8.s32 v8;
	v6 =	vsel vm9, $0x1005, v5  }
0x29: {  	v7 =	vsel vm3, $0x138D, v10;
	v10 =	vimm.s32 $0x18F;
	v6 =	vsel vm8, $0x1086, v6  }
0x2a: {  	v5 =	vand.u32 $0xF, v9;
	v8 =	vcombine.low v23, v22;
	v9 =	vsel vm6, $0x1107, v6  }
0x2b: {  	v10 =	vsel vm14, $0x200, v10;
	v6 =	vsel vm1, $0xE, v7;
	v9 =	vsel vm7, $0x1188, v9  }
0x2c: {  	v7 =	vand.u32 $0xF, v8;
	v8 =	vsel vm5, $0x1209, v9;
	v9 =	vsel vm13, $0x281, v10  }
0x2d: {  	v32 =	vunpack.c.0.s8.s32 v17;
	v10 =	vimm.s32 $0x3210FEDC;
	v9 =	vsel vm12, $0x302, v9  }
0x2e: {  	v34 =	vand.u32 $0xF, v34;
	v10 =	vunpack.c.l.s4.s8 v10;
	v9 =	vsel vm11, $0x383, v9  }
0x2f: {  	v19 =	vcombine.low v18, v19;
	v0 =	vlaneseq.u32;
	v9 =	vsel vm10, $0x1004, v9  }
0x30: {  	v24 =	vunpack.c.0.s8.s32 v10;
	v10 =	vimm.s32 $0x20F;
	v9 =	vsel vm9, $0x1085, v9  }
0x31: {  	v44 =	vand.u32 $0xF, v19;
	v10 =	vsel vm14, $0x280, v10;
	v9 =	vsel vm8, $0x1106, v9  }
0x32: {  	v19 =	vunpack.c.0.s8.s32 v47;
	v10 =	vsel vm13, $0x301, v10;
	v9 =	vsel vm6, $0x1187, v9  }
0x33: {  	v11 =	vcombine.low v25, v24;
	v10 =	vsel vm12, $0x382, v10;
	v9 =	vsel vm7, $0x1208, v9  }
0x34: {  	v21 =	vcombine.low v20, v21;
	v10 =	vsel vm11, $0x1003, v10;
	v12 =	vsel vm5, $0x1289, v9  }
0x35: {  	v9 =	vand.u32 $0xF, v11;
	v11 =	vsel vm4, $0x130A, v12;
	v12 =	vimm.s32 $0x43210FED  }
0x36: {  	v1 =	vmul.u32 $0x20, v0;
	v10 =	vsel vm10, $0x1084, v10;
	v12 =	vunpack.c.l.s4.s8 v12  }
0x37: {  	v0 =	vunpack.c.0.s8.s32 v37;
	v45 =	vand.u32 $0xF, v21;
	v10 =	vsel vm9, $0x1105, v10  }
0x38: {  	v10 =	vsel vm8, $0x1186, v10;
	v26 =	vunpack.c.0.s8.s32 v12;
	v12 =	vimm.s32 $0x28F  }
0x39: {  	v21 =	vunpack.c.0.s8.s32 v53;
	v10 =	vsel vm6, $0x1207, v10;
	v12 =	vsel vm14, $0x300, v12  }
0x3a: {  	v23 =	vcombine.low v22, v23;
	v10 =	vsel vm7, $0x1288, v10;
	v12 =	vsel vm13, $0x381, v12  }
0x3b: {  	v10 =	vsel vm5, $0x1309, v10;
	v13 =	vcombine.low v27, v26;
	v12 =	vsel vm12, $0x1002, v12  }
0x3c: {  	v8 =	vsel vm4, $0x128A, v8;
	v14 =	vsel vm4, $0x138A, v10;
	v12 =	vsel vm11, $0x1083, v12  }
0x3d: {  	v14 =	vsel vm2, $0xB, v14;
	v38 =	vand.u32 $0xF, v13;
	v12 =	vsel vm10, $0x1104, v12  }
0x3e: {  	v13 =	vsel vm0, $0x8C, v14;
	v14 =	vimm.s32 $0x543210FE;
	v12 =	vsel vm9, $0x1185, v12  }
0x3f: {  	v8 =	vsel vm2, $0x130B, v8;
	v14 =	vunpack.c.l.s4.s8 v14;
	v12 =	vsel vm8, $0x1206, v12  }
0x40: {  	v8 =	vsel vm0, $0x138C, v8;
	v25 =	vcombine.low v24, v25;
	v12 =	vsel vm6, $0x1287, v12  }
0x41: {  	v29 =	vunpack.c.0.s8.s32 v14;
	v14 =	vsel vm14, $0x380, v16;
	v12 =	vsel vm7, $0x1308, v12  }
0x42: {  	v13 =	vsel vm3, $0x10D, v13;
	v14 =	vsel vm13, $0x1001, v14;
	v15 =	vsel vm5, $0x1389, v12  }
0x43: {  	v14 =	vsel vm12, $0x1082, v14;
	v12 =	vsel vm1, $0x18E, v13;
	v13 =	vsel vm4, $0xA, v15  }
0x44: {  	v11 =	vsel vm2, $0x138B, v11;
	v16 =	vsel vm2, $0x8B, v13;
	v13 =	vsel vm11, $0x1103, v14  }
0x45: {  	v15 =	vcombine.low v30, v29;
	v14 =	vimm.s32 $0x6543210F;
	v13 =	vsel vm10, $0x1184, v13  }
0x46: {  	v11 =	vsel vm0, $0xC, v11;
	v14 =	vunpack.c.l.s4.s8 v14;
	v28 =	vsel vm9, $0x1205, v13  }
0x47: {  	v39 =	vand.u32 $0xF, v15;
	v15 =	vsel vm0, $0x10C, v16;
	v16 =	vsel vm8, $0x1286, v28  }
0x48: {  	v11 =	vsel vm3, $0x8D, v11;
	v31 =	vunpack.c.0.s8.s32 v14;
	v14 =	vsel vm6, $0x1307, v16  }
0x49: {  	v49 =	vand.u32 $0xF, v25;
	v10 =	vsel vm1, $0x10E, v11;
	v14 =	vsel vm7, $0x1388, v14  }
0x4a: {  	v11 =	vlaneseq.u32;
	v17 =	vcombine.low v32, v31;
	v28 =	vsel vm5, $0x9, v14  }
0x4b: {  	v27 =	vcombine.low v26, v27;
	v29 =	vcombine.low v29, v30;
	v28 =	vsel vm4, $0x8A, v28  }
0x4c: {  	v42 =	vand.u32 $0xF, v17;
	v17 =	vsel vm2, $0x10B, v28;
	v28 =	vimm.s32 $0x100F  }
0x4d: {  	v15 =	vsel vm3, $0x18D, v15;
	v16 =	vimm.s32 $0x38F;
	v28 =	vsel vm14, $0x1080, v28  }
0x4e: {  	v13 =	vunpack.c.0.s8.s32 v40;
	v16 =	vsel vm14, $0x1000, v16;
	v28 =	vsel vm13, $0x1101, v28  }
0x4f: {  	v31 =	vcombine.low v31, v32;
	v16 =	vsel vm13, $0x1081, v16;
	v28 =	vsel vm12, $0x1182, v28  }
0x50: {  	v16 =	vsel vm12, $0x1102, v16;
	v17 =	vsel vm0, $0x18C, v17;
	v28 =	vsel vm11, $0x1203, v28  }
0x51: {  	v16 =	vsel vm11, $0x1183, v16;
	v17 =	vsel vm3, $0x20D, v17;
	v28 =	vsel vm10, $0x1284, v28  }
0x52: {  	v33 =	vsel vm10, $0x1204, v16;
	v16 =	vsel vm1, $0x28E, v17;
	v28 =	vsel vm9, $0x1305, v28  }
0x53: {  	v17 =	vsel vm9, $0x1285, v33;
	v33 =	vunpack.c.l.s4.s8 v51;
	v28 =	vsel vm8, $0x1386, v28  }
0x54: {  	v14 =	vsel vm1, $0x20E, v15;
	v17 =	vsel vm8, $0x1306, v17;
	v28 =	vsel vm6, $0x7, v28  }
0x55: {  	v17 =	vsel vm6, $0x1387, v17;
	v33 =	vunpack.c.0.s8.s32 v33;
	v28 =	vsel vm7, $0x88, v28  }
0x56: {  	v15 =	vunpack.c.0.s8.s32 v41;
	v17 =	vsel vm7, $0x8, v17;
	v28 =	vsel vm5, $0x109, v28  }
0x57: {  	v17 =	vsel vm5, $0x89, v17;
	v43 =	vcombine.low v34, v33;
	v28 =	vsel vm4, $0x18A, v28  }
0x58: {  	v33 =	vsel vm13, $0x1181, v54;
	v34 =	vsel vm14, $0x1180, v55;
	v28 =	vsel vm2, $0x20B, v28  }
0x59: {  	v55 =	vimm.s32 $0x19181716;
	v33 =	vsel vm12, $0x1202, v33;
	v28 =	vsel vm0, $0x28C, v28  }
0x5a: {  	v56 =	vsel vm13, $0x1201, v34;
	v33 =	vsel vm11, $0x1283, v33;
	v28 =	vsel vm3, $0x30D, v28  }
0x5b: {  	v20 =	vsel vm1, $0x38E, v28;
	v28 =	vsel vm10, $0x1304, v33;
	v33 =	vsel vm12, $0x1282, v56  }
0x5c: {  	v34 =	vsel vm14, $0x1200, v57;
	v28 =	vsel vm9, $0x1385, v28;
	v33 =	vsel vm11, $0x1303, v33  }
0x5d: {  	v34 =	vsel vm13, $0x1281, v34;
	v28 =	vsel vm8, $0x6, v28;
	v33 =	vsel vm10, $0x1384, v33  }
0x5e: {  	v34 =	vsel vm12, $0x1302, v34;
	v28 =	vsel vm6, $0x87, v28;
	v33 =	vsel vm9, $0x5, v33  }
0x5f: {  	v34 =	vsel vm11, $0x1383, v34;
	v28 =	vsel vm7, $0x108, v28;
	v33 =	vsel vm8, $0x86, v33  }
0x60: {  	v34 =	vsel vm10, $0x4, v34;
	v28 =	vsel vm5, $0x189, v28;
	v33 =	vsel vm6, $0x107, v33  }
0x61: {  	v34 =	vsel vm9, $0x85, v34;
	v28 =	vsel vm4, $0x20A, v28;
	v33 =	vsel vm7, $0x188, v33  }
0x62: {  	v34 =	vsel vm8, $0x106, v34;
	v28 =	vsel vm2, $0x28B, v28;
	v33 =	vsel vm5, $0x209, v33  }
0x63: {  	v34 =	vsel vm6, $0x187, v34;
	v28 =	vsel vm0, $0x30C, v28;
	v33 =	vsel vm4, $0x28A, v33  }
0x64: {  	v58 =	vsel vm7, $0x208, v34;
	v28 =	vsel vm3, $0x38D, v28;
	v33 =	vsel vm2, $0x30B, v33  }
0x65: {  	v22 =	vsel vm1, $0x100E, v28;
	v28 =	vsel vm0, $0x38C, v33;
	v33 =	vsel vm5, $0x289, v58  }
0x66: {  	v17 =	vsel vm4, $0x10A, v17;
	v28 =	vsel vm3, $0x100D, v28;
	v33 =	vsel vm4, $0x30A, v33  }
0x67: {  	v25 =	vunpack.c.0.s8.s32 v55;
	v24 =	vsel vm1, $0x108E, v28;
	v28 =	vsel vm2, $0x38B, v33  }
0x68: {  	v34 =	vsel vm14, $0x1380, v62;
	v33 =	vsel vm13, $0x1301, v60;
	v28 =	vsel vm0, $0x100C, v28  }
0x69: {  	v34 =	vsel vm13, $0x1, v34;
	v33 =	vsel vm12, $0x1382, v33;
	v28 =	vsel vm3, $0x108D, v28  }
0x6a: {  	v26 =	vsel vm1, $0x110E, v28;
	v28 =	vsel vm11, $0x3, v33;
	v33 =	vsel vm14, $0x1300, v61  }
0x6b: {  	v17 =	vsel vm2, $0x18B, v17;
	v34 =	vsel vm12, $0x82, v34;
	v33 =	vsel vm13, $0x1381, v33  }
0x6c: {  	s0 =	rddreg [dreg:$0x0];
	v35 =	vsel vm0, $0x20C, v17;
	v34 =	vsel vm11, $0x103, v34;
	v33 =	vsel vm12, $0x2, v33  }
0x6d: {  	s2 =	rddreg [dreg:$0x1];
	s4 =	simm.s32 $0x0;
	v17 =	vunpack.c.0.s8.s32 v46;
	v34 =	vsel vm10, $0x184, v34;
	v33 =	vsel vm11, $0x83, v33  }
0x6e: {  	[smem:$0x7FF] =	sst s4;
	v34 =	vsel vm9, $0x205, v34;
	v28 =	vsel vm10, $0x84, v28;
	v33 =	vsel vm10, $0x104, v33  }
0x6f: {  	s1 =	rddreg [dreg:$0x2];
	_ =	strace $0x80000047;
	[tilespmem:$0x1FFF0] =	vst v44;
	v34 =	vsel vm8, $0x286, v34;
	v28 =	vsel vm9, $0x105, v28;
	v33 =	vsel vm9, $0x185, v33  }
0x70: {  	[tilespmem:$0x1FEA0] =	vst v19;
	v34 =	vsel vm6, $0x307, v34;
	v28 =	vsel vm8, $0x186, v28;
	v33 =	vsel vm8, $0x206, v33  }
0x71: {  	[tilespmem:$0x1FE60] =	vst v0;
	v34 =	vsel vm7, $0x388, v34;
	v28 =	vsel vm6, $0x207, v28;
	v33 =	vsel vm6, $0x287, v33  }
0x72: {  	[tilespmem:$0x1FFA0] =	vst v1;
	v63 =	vsel vm5, $0x1009, v34;
	v28 =	vsel vm7, $0x288, v28;
	v33 =	vsel vm7, $0x308, v33  }
0x73: {  	[tilespmem:$0x1FEB0] =	vst v21;
	v36 =	vsel vm4, $0x108A, v63;
	v28 =	vsel vm5, $0x309, v28;
	v33 =	vsel vm5, $0x389, v33  }
0x74: {  	[tilespmem:$0x1FFB0] =	vst v39;
	v32 =	vsel vm2, $0x110B, v36;
	v28 =	vsel vm4, $0x38A, v28;
	v33 =	vsel vm4, $0x100A, v33  }
0x75: {  	[tilespmem:$0x1FE70] =	vst v13;
	v32 =	vsel vm0, $0x118C, v32;
	v28 =	vsel vm2, $0x100B, v28;
	v30 =	vsel vm2, $0x108B, v33  }
0x76: {  	[tilespmem:$0x1FE80] =	vst v15;
	v28 =	vsel vm0, $0x108C, v28;
	v30 =	vsel vm0, $0x110C, v30;
	vm0 =	vcmask $0x1F10  }
0x77: {  	[tilespmem:$0x1FFC0] =	vst v42;
	v56 =	vimm.s32 $0x1E1D1C1B;
	v0 =	vsel vm0, v13, v0;
	v13 =	vsel vm0, v17, v15  }
0x78: {  	v55 =	vor.u32 $0x10, v11;
	[tilespmem:$0x1FEE0] =	vst v0;
	v53 =	vcombine.low v13, v0;
	v0 =	vunpack.c.0.s8.s32 v56  }
0x79: {  	v57 =	vimm.s32 $0x1211101F;
	[tilespmem:$0x1FFD0] =	vst v55  }
0x7a: {  	v54 =	vimm.s32 $0x15141312;
	[tilespmem:$0x1FF20] =	vst v0;
	v0 =	vunpack.c.0.s8.s32 v57  }
0x7b: {  	v48 =	vand.u32 $0xF, v23;
	v23 =	vunpack.c.0.s8.s32 v54;
	[tilespmem:$0x1FFE0] =	vst v43;
	v58 =	vimm.s32 $0x16151413  }
0x7c: {  	[tilespmem:$0x1FF30] =	vst v0;
	v0 =	vunpack.c.0.s8.s32 v58  }
0x7d: {  	v59 =	vimm.s32 $0x1A191817;
	[tilespmem:$0x1FEC0] =	vst v23  }
0x7e: {  	s3 =	srdreg.scid;
	s5 =	stileid.u32;
	s12 =	simm.s32 $0x8400;
	[tilespmem:$0x1FF40] =	vst v0;
	v0 =	vunpack.c.0.s8.s32 v59  }
0x7f: {  	s17 =	simm.s32 $0xC400;
	s19 =	simm.s32 $0xE400;
	s20 =	simm.s32 $0xF400;
	[tilespmem:$0x1FED0] =	vst v25;
	v60 =	vimm.s32 $0x1F1E1D1C  }
0x80: {  	s21 =	simm.s32 $0x200;
	s22 =	simm.s32 $0x1;
	s23 =	simm.s32 $0x400;
	[tilespmem:$0x1FF50] =	vst v0;
	v0 =	vunpack.c.0.s8.s32 v60  }
0x81: {  	s24 =	simm.s32 $0x3;
	s3 =	sand.u32 $0x1, s3;
	s5 =	sshll.u32 s5, $0x1;
	v8 =	vsel vm3, $0xD, v8;
	[tilespmem:$0x1FE90] =	vst v17;
	v61 =	vimm.s32 $0x13121110  }
0x82: {  	s28 =	simm.s32 $0x5;
	s29 =	simm.s32 $0x4;
	s5 =	sor.u32 s3, s5;
	v8 =	vsel vm1, $0x8E, v8;
	[tilespmem:$0x1FF60] =	vst v0;
	v0 =	vunpack.c.0.s8.s32 v61  }
0x83: {  	s30 =	simm.s32 $0x6;
	s3 =	ssub.s32 $0x2, s3;
	s7 =	smul.u32 $0xC80, s5;
	v50 =	vand.u32 $0xF, v27;
	v51 =	vand.u32 $0xF, v29;
	v62 =	vimm.s32 $0x17161514;
	[tilespmem:$0x1FEF0] =	vst v13  }
0x84: {  	s8 =	sadd.s32 $0xF42C00, s2;
	s9 =	sshrl.u32 s3, $0x1;
	s6 =	smul.u32 $0x32, s5;
	v52 =	vsel vm3, $0x28D, v35;
	v15 =	vsel vm0, v21, v19;
	[tilespmem:$0x1FF70] =	vst v0;
	v0 =	vunpack.c.0.s8.s32 v62  }
0x85: {  	s26 =	ssub.s32 s3, s9;
	s3 =	simm.s32 $0x0;
	s25 =	sadd.s32 s0, s7;
	v18 =	vsel vm1, $0x30E, v52;
	v52 =	vand.u32 $0xF, v31;
	v63 =	vimm.s32 $0x1B1A1918;
	[tilespmem:$0x1FF00] =	vst v15  }
0x86: {  	s10 =	sadd.s32 $0x2, s6;
	s2 =	smax.u32 s26, $0x1;
	[dreg:$0x5] =	wrdreg s25;
	v32 =	vsel vm3, $0x120D, v32;
	v17 =	vsel vm0, v25, v23;
	[tilespmem:$0x1FF80] =	vst v0;
	v0 =	vunpack.c.0.s8.s32 v63  }
0x87: {  	s11 =	sadd.s32 $0x3, s6;
	s31 =	sadd.s32 $0x40, s25;
	[dreg:$0x7] =	wrdreg s2;
	v40 =	vsel vm1, $0x128E, v32;
	v28 =	vsel vm3, $0x110D, v28;
	v30 =	vsel vm3, $0x118D, v30;
	[tilespmem:$0x1FF10] =	vst v17  }
0x88: {  	s26 =	simm.s32 $0x4400;
	s25 =	simm.s32 $0x2;
	[dreg:$0x6] =	wrdreg s31;
	v28 =	vsel vm1, $0x118E, v28;
	v30 =	vsel vm1, $0x120E, v30;
	v54 =	vcombine.low v17, v15;
	[tilespmem:$0x1FF90] =	vst v0  }
.LBB2_1:
0x89: {  	s2 =	rddreg [dreg:$0x3]  }
0x8a: {  	[hbm4b:s2+s4] =	stream.linear.scatter [tilespmem:s12], [sflag:$0x5], $0x1000, $0x38;
	[tilespmem:$0x10400] =	vst v63  }
0x8b: {  	s13 =	simm.s32 $0x9400  }
0x8c: {  	[hbm4b:s2+s4] =	stream.linear.scatter [tilespmem:s13], [sflag:$0x5], $0x1000, $0x38;
	[tilespmem:$0x10400] =	vst v63  }
0x8d: {  	s14 =	simm.s32 $0xA400  }
0x8e: {  	[hbm4b:s2+s4] =	stream.linear.scatter [tilespmem:s14], [sflag:$0x5], $0x1000, $0x38;
	[tilespmem:$0x10400] =	vst v63  }
0x8f: {  	s15 =	simm.s32 $0xB400  }
0x90: {  	[hbm4b:s2+s4] =	stream.linear.scatter [tilespmem:s15], [sflag:$0x5], $0x1000, $0x38;
	[tilespmem:$0x10400] =	vst v63  }
0x91: {  	_ = 	snop  }
0x92: {  	[hbm4b:s2+s4] =	stream.linear.scatter [tilespmem:s17], [sflag:$0x6], $0x1000, $0x38;
	[tilespmem:$0x10400] =	vst v63  }
0x93: {  	s16 =	simm.s32 $0xD400  }
0x94: {  	[hbm4b:s2+s4] =	stream.linear.scatter [tilespmem:s16], [sflag:$0x6], $0x1000, $0x38;
	[tilespmem:$0x10400] =	vst v63  }
0x95: {  	_ = 	snop  }
0x96: {  	[hbm4b:s2+s4] =	stream.linear.scatter [tilespmem:s19], [sflag:$0x6], $0x1000, $0x38;
	[tilespmem:$0x10400] =	vst v63  }
0x97: {  	[dreg:$0x8] =	wrdreg s3  }
0x98: {  	[hbm4b:s2+s4] =	stream.linear.scatter [tilespmem:s20], [sflag:$0x6], $0x1000, $0x38;
	[tilespmem:$0x10400] =	vst v63  }
0x99: {  	s18 =	rddreg [dreg:$0x5]  }
0x9a: {  	[tilespmem:s4], [sflag:$0x1] =	stream.linear.gather [hbm4b:s18+s4], $0x200, $0x38;
	[tilespmem:$0x10400] =	vst v63  }
0x9b: {  	s31 =	rddreg [dreg:$0x6]  }
0x9c: {  	[tilespmem:s21], [sflag:$0x2] =	stream.linear.gather [hbm4b:s31+s4], $0x200, $0x38;
	[tilespmem:$0x10400] =	vst v63  }
0x9d: {  	_ =	swait.ge [sflag:s22], $0x200  }
0x9e: {  	[sflag:s22] =	ssyncset.done $0x0  }
0x9f: {  	s5 =	simm.s32 $0x0;
	[sflag:s22] =	ssyncadd.s32 $0xFFFFFE00  }
0xa0: {  	[tilespmem:s23], [sflag:$0x3] =	stream.indirect.gather [hbm4b:s8+s21], $0x20, s4, s21, $0xb8;
	[tilespmem:$0x10400] =	vst v63  }
.LBB2_2:
0xa1: {  	s3 =	sshll.u32 s5, $0x1  }
0xa2: {  	s2 =	smin.u32 s3, $0x2F  }
0xa3: {  	_ =	swait.ge [sflag:s24], $0x4000;
	s2 =	sadd.s32 s2, s10  }
0xa4: {  	[sflag:s24] =	ssyncset.done $0x0;
	s2 =	sshll.u32 s2, $0x6  }
0xa5: {  	[sflag:s24] =	ssyncadd.s32 $0xFFFFC000;
	s2 =	sadd.s32 s0, s2  }
0xa6: {  	[tilespmem:s4], [sflag:$0x1] =	stream.linear.gather [hbm4b:s2+s4], $0x200, $0x38;
	[tilespmem:$0x10400] =	vst v63  }
0xa7: {  	_ =	swait.ge [sflag:s25], $0x200  }
0xa8: {  	[sflag:s25] =	ssyncset.done $0x0  }
0xa9: {  	[sflag:s25] =	ssyncadd.s32 $0xFFFFFE00  }
0xaa: {  	[tilespmem:s26], [sflag:$0x4] =	stream.indirect.gather [hbm4b:s8+s21], $0x20, s21, s21, $0xb8;
	[tilespmem:$0x10400] =	vst v63  }
0xab: {  	_ =	swait.ge [sflag:s28], $0x1000  }
0xac: {  	[sflag:s28] =	ssyncset.done $0x0  }
0xad: {  	[sflag:s28] =	ssyncadd.s32 $0xFFFFF000  }
0xae: {  	_ =	swait.ge [sflag:s28], $0x1000  }
0xaf: {  	[sflag:s28] =	ssyncset.done $0x0  }
0xb0: {  	[sflag:s28] =	ssyncadd.s32 $0xFFFFF000  }
0xb1: {  	_ =	swait.ge [sflag:s28], $0x1000  }
0xb2: {  	[sflag:s28] =	ssyncset.done $0x0  }
0xb3: {  	[sflag:s28] =	ssyncadd.s32 $0xFFFFF000  }
0xb4: {  	_ =	swait.ge [sflag:s28], $0x1000  }
0xb5: {  	s9 =	simm.s32 $0xFFFFFFF8;
	[sflag:s28] =	ssyncset.done $0x0  }
0xb6: {  	s16 =	simm.s32 $0x2070;
	s7 =	simm.s32 $0x70;
	[sflag:s28] =	ssyncadd.s32 $0xFFFFF000  }
.LBB2_3:
0xb7: {  	_ = 	snop  }
0xb8: {  	s2 =	sadd.s32 $0xFFFFFF90, s7  }
0xb9: {  	v32 =	vmov s2  }
0xba: {  	v32 =	vshll.u32 v32, $0x5  }
0xbb: {  	v37 =	vor.u32 v1, v32  }
0xbc: {  	v32 =	vor.u32 v11, v37;
	_ =	sdelay $0x3  }
0xbd: {  	s15 =	sadd.s32 $0xFFFFDF90, s16  }
0xbe: {  	v33 =	vor.u32 s15, v2;
	v32 =	vld.idx.msk [tilespmem:v32+s23+$0x0], $0xffff  }
0xbf: {  	v34 =	vor.u32 v3, v37;
	_ =	sdelay $0x3  }
0xc0: {  	[tilespmem:v33+s12+$0x0] =	vst.idx.msk $0xffff, v32  }
0xc1: {  	v59 =	vor.u32 s15, v4;
	v32 =	vld.idx.msk [tilespmem:v34+s23+$0x0], $0xffff  }
0xc2: {  	v60 =	vor.u32 v5, v37;
	_ =	sdelay $0x3  }
0xc3: {  	[tilespmem:v59+s12+$0x0] =	vst.idx.msk $0xffff, v32  }
0xc4: {  	v61 =	vor.u32 s15, v6;
	v32 =	vld.idx.msk [tilespmem:v60+s23+$0x0], $0xffff  }
0xc5: {  	v62 =	vor.u32 v7, v37;
	_ =	sdelay $0x3  }
0xc6: {  	[tilespmem:v61+s12+$0x0] =	vst.idx.msk $0xffff, v32  }
0xc7: {  	v63 =	vor.u32 s15, v8;
	v32 =	vld.idx.msk [tilespmem:v62+s23+$0x0], $0xffff  }
0xc8: {  	v36 =	vor.u32 v9, v37;
	_ =	sdelay $0x3  }
0xc9: {  	[tilespmem:v63+s12+$0x0] =	vst.idx.msk $0xffff, v32  }
0xca: {  	v41 =	vor.u32 s15, v10;
	v32 =	vld.idx.msk [tilespmem:v36+s23+$0x0], $0xffff;
	_ =	sdelay $0x2  }
0xcb: {  	s13 =	sadd.s32 $0xFFFFFFA0, s7  }
0xcc: {  	v47 =	vmov s13  }
0xcd: {  	[tilespmem:v41+s12+$0x0] =	vst.idx.msk $0xffff, v32;
	v32 =	vshll.u32 v47, $0x5  }
0xce: {  	v21 =	vmov v38;
	v46 =	vor.u32 v38, v37;
	v38 =	vor.u32 v1, v32  }
0xcf: {  	v32 =	vor.u32 v11, v38;
	_ =	sdelay $0x3  }
0xd0: {  	s18 =	sadd.s32 $0xFFFFDFA0, s16  }
0xd1: {  	v57 =	vor.u32 s18, v2;
	v32 =	vld.idx.msk [tilespmem:v32+s23+$0x0], $0xffff  }
0xd2: {  	v58 =	vor.u32 v3, v38;
	_ =	sdelay $0x3  }
0xd3: {  	[tilespmem:v57+s12+$0x0] =	vst.idx.msk $0xffff, v32  }
0xd4: {  	v59 =	vor.u32 s18, v4;
	v32 =	vld.idx.msk [tilespmem:v58+s23+$0x0], $0xffff  }
0xd5: {  	v60 =	vor.u32 v5, v38;
	_ =	sdelay $0x3  }
0xd6: {  	[tilespmem:v59+s12+$0x0] =	vst.idx.msk $0xffff, v32  }
0xd7: {  	v61 =	vor.u32 s18, v6;
	v32 =	vld.idx.msk [tilespmem:v60+s23+$0x0], $0xffff  }
0xd8: {  	v62 =	vor.u32 v7, v38;
	_ =	sdelay $0x3  }
0xd9: {  	[tilespmem:v61+s12+$0x0] =	vst.idx.msk $0xffff, v32  }
0xda: {  	v63 =	vor.u32 s18, v8;
	v32 =	vld.idx.msk [tilespmem:v62+s23+$0x0], $0xffff  }
0xdb: {  	v36 =	vor.u32 v9, v38;
	_ =	sdelay $0x3  }
0xdc: {  	[tilespmem:v63+s12+$0x0] =	vst.idx.msk $0xffff, v32  }
0xdd: {  	v41 =	vor.u32 s18, v10;
	v32 =	vld.idx.msk [tilespmem:v36+s23+$0x0], $0xffff  }
0xde: {  	v33 =	vld.idx.msk [tilespmem:v46+s23+$0x0], $0xffff;
	v46 =	vor.u32 v21, v38  }
0xdf: {  	v56 =	vor.u32 s15, v12;
	_ =	sdelay $0x2  }
0xe0: {  	[tilespmem:v41+s12+$0x0] =	vst.idx.msk $0xffff, v32  }
0xe1: {  	v35 =	vor.u32 v39, v37;
	v47 =	vor.u32 s18, v12;
	v32 =	vld.idx.msk [tilespmem:v46+s23+$0x0], $0xffff  }
0xe2: {  	[tilespmem:v56+s12+$0x0] =	vst.idx.msk $0xffff, v33;
	v56 =	vor.u32 v39, v38;
	_ =	sdelay $0x3  }
0xe3: {  	v33 =	vld.idx.msk [tilespmem:v35+s23+$0x0], $0xffff;
	v36 =	vor.u32 s15, v14;
	[tilespmem:v47+s12+$0x0] =	vst.idx.msk $0xffff, v32  }
0xe4: {  	v57 =	vor.u32 v42, v37;
	v58 =	vor.u32 s18, v14;
	v32 =	vld.idx.msk [tilespmem:v56+s23+$0x0], $0xffff  }
0xe5: {  	v59 =	vor.u32 v42, v38;
	_ =	sdelay $0x2  }
0xe6: {  	[tilespmem:v36+s12+$0x0] =	vst.idx.msk $0xffff, v33  }
0xe7: {  	v60 =	vor.u32 s15, v16;
	v33 =	vld.idx.msk [tilespmem:v57+s23+$0x0], $0xffff;
	[tilespmem:v58+s12+$0x0] =	vst.idx.msk $0xffff, v32  }
0xe8: {  	v61 =	vor.u32 v43, v37;
	v62 =	vor.u32 s18, v16;
	v32 =	vld.idx.msk [tilespmem:v59+s23+$0x0], $0xffff  }
0xe9: {  	v63 =	vor.u32 v43, v38;
	_ =	sdelay $0x2  }
0xea: {  	[tilespmem:v60+s12+$0x0] =	vst.idx.msk $0xffff, v33  }
0xeb: {  	v42 =	vor.u32 s15, v18;
	v33 =	vld.idx.msk [tilespmem:v61+s23+$0x0], $0xffff;
	[tilespmem:v62+s12+$0x0] =	vst.idx.msk $0xffff, v32  }
0xec: {  	v43 =	vor.u32 v44, v37;
	v46 =	vor.u32 s18, v18;
	v32 =	vld.idx.msk [tilespmem:v63+s23+$0x0], $0xffff  }
0xed: {  	v47 =	vor.u32 v44, v38;
	_ =	sdelay $0x2  }
0xee: {  	[tilespmem:v42+s12+$0x0] =	vst.idx.msk $0xffff, v33  }
0xef: {  	v56 =	vor.u32 s15, v20;
	v33 =	vld.idx.msk [tilespmem:v43+s23+$0x0], $0xffff;
	[tilespmem:v46+s12+$0x0] =	vst.idx.msk $0xffff, v32  }
0xf0: {  	v57 =	vor.u32 v45, v37;
	v58 =	vor.u32 s18, v20;
	v32 =	vld.idx.msk [tilespmem:v47+s23+$0x0], $0xffff  }
0xf1: {  	v59 =	vor.u32 v45, v38;
	_ =	sdelay $0x2  }
0xf2: {  	[tilespmem:v56+s12+$0x0] =	vst.idx.msk $0xffff, v33  }
0xf3: {  	v60 =	vor.u32 s15, v22;
	v33 =	vld.idx.msk [tilespmem:v57+s23+$0x0], $0xffff;
	[tilespmem:v58+s12+$0x0] =	vst.idx.msk $0xffff, v32  }
0xf4: {  	v61 =	vor.u32 v48, v37;
	v62 =	vor.u32 s18, v22;
	v32 =	vld.idx.msk [tilespmem:v59+s23+$0x0], $0xffff  }
0xf5: {  	v63 =	vor.u32 v48, v38;
	_ =	sdelay $0x2  }
0xf6: {  	[tilespmem:v60+s12+$0x0] =	vst.idx.msk $0xffff, v33  }
0xf7: {  	v42 =	vor.u32 s15, v24;
	v33 =	vld.idx.msk [tilespmem:v61+s23+$0x0], $0xffff;
	[tilespmem:v62+s12+$0x0] =	vst.idx.msk $0xffff, v32  }
0xf8: {  	v44 =	vor.u32 s18, v24;
	v43 =	vor.u32 v49, v37;
	v32 =	vld.idx.msk [tilespmem:v63+s23+$0x0], $0xffff  }
0xf9: {  	v46 =	vor.u32 v49, v38;
	_ =	sdelay $0x2  }
0xfa: {  	[tilespmem:v42+s12+$0x0] =	vst.idx.msk $0xffff, v33  }
0xfb: {  	v47 =	vor.u32 s15, v26;
	v33 =	vld.idx.msk [tilespmem:v43+s23+$0x0], $0xffff;
	[tilespmem:v44+s12+$0x0] =	vst.idx.msk $0xffff, v32  }
0xfc: {  	v56 =	vor.u32 v50, v37;
	v57 =	vor.u32 s18, v26;
	v32 =	vld.idx.msk [tilespmem:v46+s23+$0x0], $0xffff  }
0xfd: {  	v58 =	vor.u32 v50, v38;
	_ =	sdelay $0x2  }
0xfe: {  	[tilespmem:v47+s12+$0x0] =	vst.idx.msk $0xffff, v33  }
0xff: {  	v59 =	vor.u32 s15, v28;
	v33 =	vld.idx.msk [tilespmem:v56+s23+$0x0], $0xffff;
	[tilespmem:v57+s12+$0x0] =	vst.idx.msk $0xffff, v32  }
0x100: {  	v60 =	vor.u32 v51, v37;
	v61 =	vor.u32 s18, v28;
	v32 =	vld.idx.msk [tilespmem:v58+s23+$0x0], $0xffff  }
0x101: {  	v62 =	vor.u32 v51, v38;
	_ =	sdelay $0x2  }
0x102: {  	[tilespmem:v59+s12+$0x0] =	vst.idx.msk $0xffff, v33  }
0x103: {  	v63 =	vor.u32 s15, v30;
	v33 =	vld.idx.msk [tilespmem:v60+s23+$0x0], $0xffff;
	[tilespmem:v61+s12+$0x0] =	vst.idx.msk $0xffff, v32  }
0x104: {  	v42 =	vor.u32 v52, v37;
	v43 =	vor.u32 s18, v30;
	v32 =	vld.idx.msk [tilespmem:v62+s23+$0x0], $0xffff  }
0x105: {  	v44 =	vor.u32 v52, v38;
	_ =	sdelay $0x2  }
0x106: {  	[tilespmem:v63+s12+$0x0] =	vst.idx.msk $0xffff, v33  }
0x107: {  	v46 =	vor.u32 s15, v40;
	v33 =	vld.idx.msk [tilespmem:v42+s23+$0x0], $0xffff;
	[tilespmem:v43+s12+$0x0] =	vst.idx.msk $0xffff, v32  }
0x108: {  	v47 =	vor.u32 v55, v37;
	v56 =	vor.u32 s18, v40;
	v32 =	vld.idx.msk [tilespmem:v44+s23+$0x0], $0xffff  }
0x109: {  	v57 =	vor.u32 v55, v38;
	_ =	sdelay $0x2  }
0x10a: {  	s31 =	sadd.s32 $0xFFFFFF90, s16;
	[tilespmem:v46+s12+$0x0] =	vst.idx.msk $0xffff, v33  }
0x10b: {  	s2 =	sadd.s32 $0xFFFFFFA0, s16;
	v58 =	vor.u32 s31, v2;
	v33 =	vld.idx.msk [tilespmem:v47+s23+$0x0], $0xffff;
	[tilespmem:v56+s12+$0x0] =	vst.idx.msk $0xffff, v32  }
0x10c: {  	v59 =	vor.u32 v53, v37;
	v60 =	vor.u32 s2, v2;
	v32 =	vld.idx.msk [tilespmem:v57+s23+$0x0], $0xffff  }
0x10d: {  	v61 =	vor.u32 v53, v38;
	_ =	sdelay $0x2  }
0x10e: {  	[tilespmem:v58+s12+$0x0] =	vst.idx.msk $0xffff, v33  }
0x10f: {  	v62 =	vor.u32 s31, v4;
	v33 =	vld.idx.msk [tilespmem:v59+s23+$0x0], $0xffff;
	[tilespmem:v60+s12+$0x0] =	vst.idx.msk $0xffff, v32  }
0x110: {  	v63 =	vor.u32 v54, v37;
	v32 =	vld.idx.msk [tilespmem:v61+s23+$0x0], $0xffff  }
0x111: {  	v15 =	vld [tilespmem:$0x1FF20]  }
0x112: {  	v17 =	vld [tilespmem:$0x1FF30]  }
0x113: {  	v19 =	vld [tilespmem:$0x1FF40]  }
0x114: {  	[tilespmem:v62+s12+$0x0] =	vst.idx.msk $0xffff, v33;
	v29 =	vld [tilespmem:$0x1FF50]  }
0x115: {  	v33 =	vld.idx.msk [tilespmem:v63+s23+$0x0], $0xffff  }
0x116: {  	v0 =	vld [tilespmem:$0x1FE70]  }
0x117: {  	v13 =	vld [tilespmem:$0x1FE80]  }
0x118: {  	v55 =	vld [tilespmem:$0x1FF60]  }
0x119: {  	v46 =	vor.u32 s2, v4;
	v61 =	vld [tilespmem:$0x1FF70]  }
0x11a: {  	v47 =	vor.u32 v54, v38;
	v62 =	vld [tilespmem:$0x1FF80]  }
0x11b: {  	v63 =	vld [tilespmem:$0x1FF90]  }
0x11c: {  	v41 =	vmovc v48;
	v42 =	vsel vm0, v17, v15;
	v43 =	vsel vm0, v29, v19;
	v48 =	vsel vm0, v13, v0;
	v0 =	vld [tilespmem:$0x1FE60]  }
0x11d: {  	v13 =	vld [tilespmem:$0x1FE90];
	v56 =	vcombine.low v43, v42  }
0x11e: {  	v58 =	vor.u32 s31, v6;
	[tilespmem:v46+s12+$0x0] =	vst.idx.msk $0xffff, v32  }
0x11f: {  	v34 =	vor.u32 s2, v6;
	v32 =	vld.idx.msk [tilespmem:v47+s23+$0x0], $0xffff;
	v39 =	vor.u32 v56, v37  }
0x120: {  	v35 =	vor.u32 v56, v38  }
0x121: {  	v31 =	vmov v45  }
0x122: {  	v44 =	vsel vm0, v61, v55;
	v45 =	vsel vm0, v63, v62;
	v46 =	vmovc v49;
	v49 =	vsel vm0, v0, v13;
	v0 =	vld [tilespmem:$0x1FEB0]  }
0x123: {  	[tilespmem:v58+s12+$0x0] =	vst.idx.msk $0xffff, v33;
	v57 =	vcombine.low v45, v44;
	v13 =	vld [tilespmem:$0x1FEC0]  }
0x124: {  	v59 =	vor.u32 s31, v8;
	[tilespmem:v34+s12+$0x0] =	vst.idx.msk $0xffff, v32;
	v33 =	vld.idx.msk [tilespmem:v39+s23+$0x0], $0xffff  }
0x125: {  	v60 =	vor.u32 v57, v37;
	v34 =	vor.u32 s2, v8;
	v32 =	vld.idx.msk [tilespmem:v35+s23+$0x0], $0xffff  }
0x126: {  	v35 =	vor.u32 v57, v38;
	_ =	sdelay $0x1  }
0x127: {  	v47 =	vmov v50;
	v50 =	vsel vm0, v13, v0;
	v0 =	vld [tilespmem:$0x1FEA0]  }
0x128: {  	v58 =	vcombine.low v49, v48;
	v13 =	vld [tilespmem:$0x1FED0];
	[tilespmem:v59+s12+$0x0] =	vst.idx.msk $0xffff, v33  }
0x129: {  	v59 =	vor.u32 s31, v10;
	[tilespmem:v34+s12+$0x0] =	vst.idx.msk $0xffff, v32;
	v33 =	vld.idx.msk [tilespmem:v60+s23+$0x0], $0xffff  }
0x12a: {  	v34 =	vor.u32 s2, v10;
	v60 =	vor.u32 v58, v37;
	v32 =	vld.idx.msk [tilespmem:v35+s23+$0x0], $0xffff  }
0x12b: {  	v35 =	vor.u32 v58, v38;
	_ =	sdelay $0x1  }
0x12c: {  	v23 =	vmov v51;
	v51 =	vsel vm0, v0, v13  }
0x12d: {  	[tilespmem:v59+s12+$0x0] =	vst.idx.msk $0xffff, v33;
	v59 =	vcombine.low v51, v50  }
0x12e: {  	[tilespmem:v34+s12+$0x0] =	vst.idx.msk $0xffff, v32;
	v33 =	vld.idx.msk [tilespmem:v60+s23+$0x0], $0xffff;
	v60 =	vor.u32 s31, v12  }
0x12f: {  	v34 =	vor.u32 s2, v12;
	v32 =	vld.idx.msk [tilespmem:v35+s23+$0x0], $0xffff;
	v39 =	vor.u32 v59, v37  }
0x130: {  	v35 =	vor.u32 v59, v38;
	_ =	sdelay $0x1  }
0x131: {  	v25 =	vmovc v52;
	v27 =	vmov v53;
	v52 =	vsel vm0, v19, v17;
	v53 =	vsel vm0, v15, v29  }
0x132: {  	[tilespmem:v60+s12+$0x0] =	vst.idx.msk $0xffff, v33;
	v60 =	vcombine.low v53, v52  }
0x133: {  	v36 =	vor.u32 s31, v14;
	[tilespmem:v34+s12+$0x0] =	vst.idx.msk $0xffff, v32;
	v33 =	vld.idx.msk [tilespmem:v39+s23+$0x0], $0xffff  }
0x134: {  	v34 =	vor.u32 s2, v14;
	v32 =	vld.idx.msk [tilespmem:v35+s23+$0x0], $0xffff;
	v39 =	vor.u32 v60, v37  }
0x135: {  	v35 =	vor.u32 v60, v38;
	_ =	sdelay $0x1  }
0x136: {  	v61 =	vsel vm0, v62, v61;
	v55 =	vsel vm0, v55, v63;
	v0 =	vld [tilespmem:$0x1FEE0]  }
0x137: {  	v61 =	vcombine.low v55, v61;
	v13 =	vld [tilespmem:$0x1FEF0];
	[tilespmem:v36+s12+$0x0] =	vst.idx.msk $0xffff, v33  }
0x138: {  	v63 =	vor.u32 s31, v16;
	[tilespmem:v34+s12+$0x0] =	vst.idx.msk $0xffff, v32;
	v33 =	vld.idx.msk [tilespmem:v39+s23+$0x0], $0xffff  }
0x139: {  	v34 =	vor.u32 s2, v16;
	v39 =	vor.u32 v61, v37;
	v32 =	vld.idx.msk [tilespmem:v35+s23+$0x0], $0xffff  }
0x13a: {  	v55 =	vor.u32 v61, v38;
	_ =	sdelay $0x1  }
0x13b: {  	v62 =	vcombine.low v0, v13;
	v0 =	vld [tilespmem:$0x1FF00]  }
0x13c: {  	v13 =	vld [tilespmem:$0x1FF10];
	[tilespmem:v63+s12+$0x0] =	vst.idx.msk $0xffff, v33  }
0x13d: {  	v63 =	vor.u32 s31, v18;
	[tilespmem:v34+s12+$0x0] =	vst.idx.msk $0xffff, v32;
	v33 =	vld.idx.msk [tilespmem:v39+s23+$0x0], $0xffff  }
0x13e: {  	v34 =	vor.u32 s2, v18;
	v39 =	vor.u32 v62, v37;
	v32 =	vld.idx.msk [tilespmem:v55+s23+$0x0], $0xffff  }
0x13f: {  	v55 =	vor.u32 v62, v38;
	_ =	sdelay $0x2  }
0x140: {  	[tilespmem:v63+s12+$0x0] =	vst.idx.msk $0xffff, v33;
	v63 =	vcombine.low v0, v13  }
0x141: {  	v36 =	vor.u32 s31, v20;
	[tilespmem:v34+s12+$0x0] =	vst.idx.msk $0xffff, v32;
	v33 =	vld.idx.msk [tilespmem:v39+s23+$0x0], $0xffff  }
0x142: {  	v35 =	vor.u32 s2, v20;
	v34 =	vld.idx.msk [tilespmem:v55+s23+$0x0], $0xffff;
	v39 =	vor.u32 v63, v37  }
0x143: {  	v29 =	vmov v54;
	v54 =	vor.u32 v63, v38;
	_ =	sdelay $0x2  }
0x144: {  	v32 =	vcombine.low v42, v43;
	[tilespmem:v36+s12+$0x0] =	vst.idx.msk $0xffff, v33  }
0x145: {  	v36 =	vor.u32 s31, v22;
	[tilespmem:v35+s12+$0x0] =	vst.idx.msk $0xffff, v34;
	v33 =	vld.idx.msk [tilespmem:v39+s23+$0x0], $0xffff  }
0x146: {  	v55 =	vor.u32 s2, v22;
	v39 =	vor.u32 v32, v37;
	v34 =	vld.idx.msk [tilespmem:v54+s23+$0x0], $0xffff  }
0x147: {  	v42 =	vor.u32 v32, v38;
	_ =	sdelay $0x2  }
0x148: {  	[tilespmem:v36+s12+$0x0] =	vst.idx.msk $0xffff, v33;
	v33 =	vcombine.low v44, v45  }
0x149: {  	[tilespmem:v55+s12+$0x0] =	vst.idx.msk $0xffff, v34;
	v36 =	vld.idx.msk [tilespmem:v39+s23+$0x0], $0xffff;
	v39 =	vor.u32 s31, v24  }
0x14a: {  	v55 =	vor.u32 s2, v24;
	v35 =	vld.idx.msk [tilespmem:v42+s23+$0x0], $0xffff;
	v54 =	vor.u32 v33, v37  }
0x14b: {  	v44 =	vor.u32 v33, v38;
	_ =	sdelay $0x2  }
0x14c: {  	v34 =	vcombine.low v48, v49;
	[tilespmem:v39+s12+$0x0] =	vst.idx.msk $0xffff, v36  }
0x14d: {  	v49 =	vor.u32 s31, v26;
	[tilespmem:v55+s12+$0x0] =	vst.idx.msk $0xffff, v35;
	v36 =	vld.idx.msk [tilespmem:v54+s23+$0x0], $0xffff  }
0x14e: {  	v54 =	vor.u32 v34, v37;
	v42 =	vld.idx.msk [tilespmem:v44+s23+$0x0], $0xffff;
	v44 =	vor.u32 s2, v26  }
0x14f: {  	v55 =	vor.u32 v34, v38;
	_ =	sdelay $0x2  }
0x150: {  	v35 =	vcombine.low v50, v51;
	[tilespmem:v49+s12+$0x0] =	vst.idx.msk $0xffff, v36  }
0x151: {  	v43 =	vor.u32 s31, v28;
	[tilespmem:v44+s12+$0x0] =	vst.idx.msk $0xffff, v42;
	v39 =	vld.idx.msk [tilespmem:v54+s23+$0x0], $0xffff  }
0x152: {  	v54 =	vor.u32 v35, v37;
	v42 =	vld.idx.msk [tilespmem:v55+s23+$0x0], $0xffff;
	v55 =	vor.u32 s2, v28  }
0x153: {  	v45 =	vor.u32 v35, v38;
	_ =	sdelay $0x1  }
0x154: {  	v36 =	vcombine.low v52, v53  }
0x155: {  	s15 =	sadd.s32 $0xFFFFFFD0, s7;
	v50 =	vor.u32 s31, v40;
	v51 =	vor.u32 s2, v30;
	[tilespmem:v43+s12+$0x0] =	vst.idx.msk $0xffff, v39  }
0x156: {  	s14 =	sadd.s32 $0xFFFFFFB0, s7;
	v49 =	vor.u32 v36, v37;
	v43 =	vor.u32 s31, v30;
	[tilespmem:v55+s12+$0x0] =	vst.idx.msk $0xffff, v42;
	v42 =	vmov s15;
	v48 =	vld.idx.msk [tilespmem:v54+s23+$0x0], $0xffff  }
0x157: {  	v44 =	vor.u32 v36, v38;
	v54 =	vmov s14;
	s14 =	sadd.s32 $0xFFFFFFC0, s7;
	v45 =	vld.idx.msk [tilespmem:v45+s23+$0x0], $0xffff;
	v39 =	vshll.u32 v42, $0x5  }
0x158: {  	s18 =	sadd.s32 $0xFFFFFFE0, s7;
	v37 =	vshll.u32 v54, $0x5;
	v55 =	vmov s14;
	v39 =	vor.u32 v1, v39  }
0x159: {  	v54 =	vmov s18;
	v37 =	vor.u32 v1, v37;
	v38 =	vshll.u32 v55, $0x5  }
0x15a: {  	s31 =	sadd.s32 $0xFFFFFFF0, s7;
	v42 =	vshll.u32 v54, $0x5;
	v52 =	vor.u32 v11, v37;
	v38 =	vor.u32 v1, v38  }
0x15b: {  	v55 =	vmov s31;
	v54 =	vmov s7;
	v53 =	vor.u32 v11, v38;
	[tilespmem:v43+s12+$0x0] =	vst.idx.msk $0xffff, v48  }
0x15c: {  	v42 =	vor.u32 v1, v42;
	v48 =	vor.u32 v11, v39;
	v43 =	vshll.u32 v55, $0x5;
	[tilespmem:v51+s12+$0x0] =	vst.idx.msk $0xffff, v45  }
0x15d: {  	v45 =	vor.u32 v11, v42;
	v51 =	vshll.u32 v54, $0x5;
	v49 =	vld.idx.msk [tilespmem:v49+s23+$0x0], $0xffff;
	v43 =	vor.u32 v1, v43  }
0x15e: {  	s31 =	sadd.s32 $0xFFFFDFB0, s16;
	v55 =	vor.u32 s2, v40;
	v54 =	vld.idx.msk [tilespmem:v44+s23+$0x0], $0xffff;
	v44 =	vor.u32 v1, v51;
	v0 =	vor.u32 v11, v43  }
0x15f: {  	s2 =	sadd.s32 $0xFFFFDFC0, s16;
	v1 =	vor.u32 v11, v44;
	v51 =	vld.idx.msk [tilespmem:v52+s23+$0x0], $0xffff;
	v52 =	vor.u32 s31, v2  }
0x160: {  	s13 =	sadd.s32 $0xFFFFDFD0, s16;
	v15 =	vmovc v3;
	v17 =	vmov v5;
	v3 =	vor.u32 v3, v37;
	v5 =	vor.u32 s2, v2;
	v53 =	vld.idx.msk [tilespmem:v53+s23+$0x0], $0xffff  }
0x161: {  	v19 =	vmovc v7;
	v13 =	vmov v9;
	v9 =	vor.u32 s13, v2;
	s14 =	sadd.s32 $0xFFFFDFE0, s16;
	v7 =	vor.u32 v15, v38;
	v48 =	vld.idx.msk [tilespmem:v48+s23+$0x0], $0xffff  }
0x162: {  	s15 =	sadd.s32 $0xFFFFDFF0, s16;
	v45 =	vld.idx.msk [tilespmem:v45+s23+$0x0], $0xffff;
	[tilespmem:v50+s12+$0x0] =	vst.idx.msk $0xffff, v49;
	v49 =	vor.u32 v15, v39;
	v50 =	vor.u32 s14, v2  }
0x163: {  	s18 =	sadd.s32 $0xFFFFE000, s16;
	[tilespmem:v55+s12+$0x0] =	vst.idx.msk $0xffff, v54;
	v54 =	vor.u32 v15, v42;
	v55 =	vor.u32 s15, v2;
	v0 =	vld.idx.msk [tilespmem:v0+s23+$0x0], $0xffff  }
0x164: {  	v1 =	vld.idx.msk [tilespmem:v1+s23+$0x0], $0xffff;
	[tilespmem:v52+s12+$0x0] =	vst.idx.msk $0xffff, v51;
	v51 =	vor.u32 v15, v43;
	v52 =	vor.u32 s18, v2  }
0x165: {  	v3 =	vld.idx.msk [tilespmem:v3+s23+$0x0], $0xffff;
	[tilespmem:v5+s12+$0x0] =	vst.idx.msk $0xffff, v53;
	v5 =	vor.u32 s31, v4;
	v53 =	vor.u32 v15, v44  }
0x166: {  	[tilespmem:v9+s12+$0x0] =	vst.idx.msk $0xffff, v48;
	v9 =	vor.u32 v17, v37;
	v7 =	vld.idx.msk [tilespmem:v7+s23+$0x0], $0xffff;
	v48 =	vor.u32 s2, v4  }
0x167: {  	[tilespmem:v50+s12+$0x0] =	vst.idx.msk $0xffff, v45;
	v45 =	vor.u32 v17, v38;
	v49 =	vld.idx.msk [tilespmem:v49+s23+$0x0], $0xffff;
	v50 =	vor.u32 s13, v4  }
0x168: {  	[tilespmem:v55+s12+$0x0] =	vst.idx.msk $0xffff, v0;
	v0 =	vor.u32 v17, v39;
	v54 =	vld.idx.msk [tilespmem:v54+s23+$0x0], $0xffff;
	v55 =	vor.u32 s14, v4  }
0x169: {  	[tilespmem:v52+s12+$0x0] =	vst.idx.msk $0xffff, v1;
	v1 =	vor.u32 v17, v42;
	v51 =	vld.idx.msk [tilespmem:v51+s23+$0x0], $0xffff;
	v52 =	vor.u32 s15, v4  }
0x16a: {  	[tilespmem:v5+s12+$0x0] =	vst.idx.msk $0xffff, v3;
	v3 =	vor.u32 v17, v43;
	v5 =	vld.idx.msk [tilespmem:v53+s23+$0x0], $0xffff;
	v53 =	vor.u32 s18, v4  }
0x16b: {  	v9 =	vld.idx.msk [tilespmem:v9+s23+$0x0], $0xffff;
	[tilespmem:v48+s12+$0x0] =	vst.idx.msk $0xffff, v7;
	v7 =	vor.u32 s31, v6;
	v48 =	vor.u32 v17, v44  }
0x16c: {  	[tilespmem:v50+s12+$0x0] =	vst.idx.msk $0xffff, v49;
	v49 =	vor.u32 v19, v37;
	v45 =	vld.idx.msk [tilespmem:v45+s23+$0x0], $0xffff;
	v50 =	vor.u32 s2, v6  }
0x16d: {  	[tilespmem:v55+s12+$0x0] =	vst.idx.msk $0xffff, v54;
	v54 =	vor.u32 v19, v38;
	v0 =	vld.idx.msk [tilespmem:v0+s23+$0x0], $0xffff;
	v55 =	vor.u32 s13, v6  }
0x16e: {  	[tilespmem:v52+s12+$0x0] =	vst.idx.msk $0xffff, v51;
	v51 =	vor.u32 v19, v39;
	v1 =	vld.idx.msk [tilespmem:v1+s23+$0x0], $0xffff;
	v52 =	vor.u32 s14, v6  }
0x16f: {  	[tilespmem:v53+s12+$0x0] =	vst.idx.msk $0xffff, v5;
	v5 =	vor.u32 v19, v42;
	v3 =	vld.idx.msk [tilespmem:v3+s23+$0x0], $0xffff;
	v53 =	vor.u32 s15, v6  }
0x170: {  	[tilespmem:v7+s12+$0x0] =	vst.idx.msk $0xffff, v9;
	v7 =	vor.u32 v19, v43;
	v9 =	vld.idx.msk [tilespmem:v48+s23+$0x0], $0xffff;
	v48 =	vor.u32 s18, v6  }
0x171: {  	v49 =	vld.idx.msk [tilespmem:v49+s23+$0x0], $0xffff;
	[tilespmem:v50+s12+$0x0] =	vst.idx.msk $0xffff, v45;
	v45 =	vor.u32 s31, v8;
	v50 =	vor.u32 v19, v44  }
0x172: {  	[tilespmem:v55+s12+$0x0] =	vst.idx.msk $0xffff, v0;
	v0 =	vor.u32 v13, v37;
	v54 =	vld.idx.msk [tilespmem:v54+s23+$0x0], $0xffff;
	v55 =	vor.u32 s2, v8  }
0x173: {  	[tilespmem:v52+s12+$0x0] =	vst.idx.msk $0xffff, v1;
	v1 =	vor.u32 v13, v38;
	v51 =	vld.idx.msk [tilespmem:v51+s23+$0x0], $0xffff;
	v52 =	vor.u32 s13, v8  }
0x174: {  	[tilespmem:v53+s12+$0x0] =	vst.idx.msk $0xffff, v3;
	v3 =	vor.u32 v13, v39;
	v5 =	vld.idx.msk [tilespmem:v5+s23+$0x0], $0xffff;
	v53 =	vor.u32 s14, v8  }
0x175: {  	[tilespmem:v48+s12+$0x0] =	vst.idx.msk $0xffff, v9;
	v9 =	vor.u32 v13, v42;
	v7 =	vld.idx.msk [tilespmem:v7+s23+$0x0], $0xffff;
	v48 =	vor.u32 s15, v8  }
0x176: {  	[tilespmem:v45+s12+$0x0] =	vst.idx.msk $0xffff, v49;
	v45 =	vor.u32 v13, v43;
	v49 =	vld.idx.msk [tilespmem:v50+s23+$0x0], $0xffff;
	v50 =	vor.u32 s18, v8  }
0x177: {  	v0 =	vld.idx.msk [tilespmem:v0+s23+$0x0], $0xffff;
	[tilespmem:v55+s12+$0x0] =	vst.idx.msk $0xffff, v54;
	v54 =	vor.u32 s31, v10;
	v55 =	vor.u32 v13, v44  }
0x178: {  	[tilespmem:v52+s12+$0x0] =	vst.idx.msk $0xffff, v51;
	v51 =	vor.u32 v21, v37;
	v1 =	vld.idx.msk [tilespmem:v1+s23+$0x0], $0xffff;
	v52 =	vor.u32 s2, v10  }
0x179: {  	[tilespmem:v53+s12+$0x0] =	vst.idx.msk $0xffff, v5;
	v3 =	vld.idx.msk [tilespmem:v3+s23+$0x0], $0xffff;
	v53 =	vor.u32 s13, v10  }
0x17a: {  	v5 =	vor.u32 v21, v38;
	[tilespmem:v48+s12+$0x0] =	vst.idx.msk $0xffff, v7;
	v9 =	vld.idx.msk [tilespmem:v9+s23+$0x0], $0xffff  }
0x17b: {  	v48 =	vor.u32 s14, v10;
	[tilespmem:v50+s12+$0x0] =	vst.idx.msk $0xffff, v49;
	v45 =	vld.idx.msk [tilespmem:v45+s23+$0x0], $0xffff  }
0x17c: {  	v7 =	vor.u32 v21, v39;
	[tilespmem:v54+s12+$0x0] =	vst.idx.msk $0xffff, v0;
	v54 =	vld.idx.msk [tilespmem:v55+s23+$0x0], $0xffff  }
0x17d: {  	v50 =	vor.u32 s15, v10;
	v51 =	vld.idx.msk [tilespmem:v51+s23+$0x0], $0xffff;
	[tilespmem:v52+s12+$0x0] =	vst.idx.msk $0xffff, v1  }
0x17e: {  	v49 =	vor.u32 v21, v42;
	[tilespmem:v53+s12+$0x0] =	vst.idx.msk $0xffff, v3;
	v3 =	vld [tilespmem:$0x1FFB0]  }
0x17f: {  	v55 =	vor.u32 s18, v10;
	v5 =	vld.idx.msk [tilespmem:v5+s23+$0x0], $0xffff  }
0x180: {  	v0 =	vor.u32 v21, v43;
	[tilespmem:v48+s12+$0x0] =	vst.idx.msk $0xffff, v9;
	v9 =	vld [tilespmem:$0x1FFB0]  }
0x181: {  	v1 =	vor.u32 s31, v12;
	v52 =	vor.u32 v21, v44;
	v7 =	vld.idx.msk [tilespmem:v7+s23+$0x0], $0xffff  }
0x182: {  	[tilespmem:v50+s12+$0x0] =	vst.idx.msk $0xffff, v45;
	v50 =	vld [tilespmem:$0x1FFB0]  }
0x183: {  	v53 =	vor.u32 s2, v12;
	v49 =	vld.idx.msk [tilespmem:v49+s23+$0x0], $0xffff  }
0x184: {  	v48 =	vor.u32 s13, v12;
	[tilespmem:v55+s12+$0x0] =	vst.idx.msk $0xffff, v54;
	v54 =	vld [tilespmem:$0x1FFB0]  }
0x185: {  	v0 =	vld.idx.msk [tilespmem:v0+s23+$0x0], $0xffff;
	v55 =	vor.u32 s15, v12  }
0x186: {  	[tilespmem:v1+s12+$0x0] =	vst.idx.msk $0xffff, v51;
	v51 =	vld.idx.msk [tilespmem:v52+s23+$0x0], $0xffff;
	v52 =	vor.u32 s18, v12  }
0x187: {  	v1 =	vld [tilespmem:$0x1FFB0];
	v3 =	vor.u32 v3, v37  }
0x188: {  	[tilespmem:v53+s12+$0x0] =	vst.idx.msk $0xffff, v5;
	v53 =	vld [tilespmem:$0x1FFB0];
	v9 =	vor.u32 v9, v38  }
0x189: {  	[tilespmem:v48+s12+$0x0] =	vst.idx.msk $0xffff, v7;
	v7 =	vld [tilespmem:$0x1FFC0];
	v45 =	vor.u32 v50, v39;
	v50 =	vor.u32 s14, v12  }
0x18a: {  	[tilespmem:v55+s12+$0x0] =	vst.idx.msk $0xffff, v0;
	v0 =	vld [tilespmem:$0x1FFC0]  }
0x18b: {  	v54 =	vor.u32 v54, v42;
	[tilespmem:v52+s12+$0x0] =	vst.idx.msk $0xffff, v51;
	v51 =	vld [tilespmem:$0x1FFC0]  }
0x18c: {  	v1 =	vor.u32 v1, v43;
	v3 =	vld.idx.msk [tilespmem:v3+s23+$0x0], $0xffff  }
0x18d: {  	v5 =	vor.u32 s31, v14;
	v9 =	vld.idx.msk [tilespmem:v9+s23+$0x0], $0xffff  }
0x18e: {  	v53 =	vor.u32 v53, v44;
	[tilespmem:v50+s12+$0x0] =	vst.idx.msk $0xffff, v49;
	v49 =	vld [tilespmem:$0x1FFC0]  }
0x18f: {  	v7 =	vor.u32 v7, v37;
	v45 =	vld.idx.msk [tilespmem:v45+s23+$0x0], $0xffff  }
0x190: {  	v48 =	vor.u32 s2, v14;
	v54 =	vld.idx.msk [tilespmem:v54+s23+$0x0], $0xffff  }
0x191: {  	v50 =	vor.u32 s13, v14;
	v1 =	vld.idx.msk [tilespmem:v1+s23+$0x0], $0xffff  }
0x192: {  	v55 =	vor.u32 s14, v14;
	[tilespmem:v5+s12+$0x0] =	vst.idx.msk $0xffff, v3;
	v3 =	vld [tilespmem:$0x1FFC0]  }
0x193: {  	v0 =	vor.u32 v0, v39;
	v5 =	vld.idx.msk [tilespmem:v53+s23+$0x0], $0xffff  }
0x194: {  	v52 =	vor.u32 s15, v14;
	v7 =	vld.idx.msk [tilespmem:v7+s23+$0x0], $0xffff  }
0x195: {  	v51 =	vor.u32 v51, v42;
	[tilespmem:v48+s12+$0x0] =	vst.idx.msk $0xffff, v9;
	v48 =	vld [tilespmem:$0x1FFC0]  }
0x196: {  	v53 =	vor.u32 s18, v14;
	[tilespmem:v50+s12+$0x0] =	vst.idx.msk $0xffff, v45;
	v50 =	vld [tilespmem:$0x1FFE0]  }
0x197: {  	v9 =	vor.u32 s31, v16;
	[tilespmem:v55+s12+$0x0] =	vst.idx.msk $0xffff, v54;
	v54 =	vld [tilespmem:$0x1FFE0]  }
0x198: {  	v49 =	vor.u32 v49, v38;
	v0 =	vld.idx.msk [tilespmem:v0+s23+$0x0], $0xffff  }
0x199: {  	v55 =	vor.u32 s13, v16;
	[tilespmem:v52+s12+$0x0] =	vst.idx.msk $0xffff, v1;
	v1 =	vld [tilespmem:$0x1FFE0]  }
0x19a: {  	v51 =	vld.idx.msk [tilespmem:v51+s23+$0x0], $0xffff;
	v3 =	vor.u32 v3, v43  }
0x19b: {  	[tilespmem:v53+s12+$0x0] =	vst.idx.msk $0xffff, v5;
	v5 =	vld [tilespmem:$0x1FFE0];
	v48 =	vor.u32 v48, v44  }
0x19c: {  	[tilespmem:v9+s12+$0x0] =	vst.idx.msk $0xffff, v7;
	v7 =	vld [tilespmem:$0x1FFE0];
	v45 =	vor.u32 v50, v37  }
0x19d: {  	v49 =	vld.idx.msk [tilespmem:v49+s23+$0x0], $0xffff;
	v50 =	vor.u32 s2, v16  }
0x19e: {  	v54 =	vor.u32 v54, v38;
	[tilespmem:v55+s12+$0x0] =	vst.idx.msk $0xffff, v0;
	v0 =	vld [tilespmem:$0x1FFF0]  }
0x19f: {  	v52 =	vor.u32 s14, v16;
	v3 =	vld.idx.msk [tilespmem:v3+s23+$0x0], $0xffff  }
0x1a0: {  	v53 =	vor.u32 s15, v16;
	v9 =	vld.idx.msk [tilespmem:v48+s23+$0x0], $0xffff  }
0x1a1: {  	v48 =	vor.u32 s18, v16;
	v45 =	vld.idx.msk [tilespmem:v45+s23+$0x0], $0xffff  }
0x1a2: {  	[tilespmem:v50+s12+$0x0] =	vst.idx.msk $0xffff, v49;
	v49 =	vor.u32 s31, v18;
	v50 =	vld [tilespmem:$0x1FFE0]  }
0x1a3: {  	v55 =	vor.u32 s2, v18;
	v54 =	vld.idx.msk [tilespmem:v54+s23+$0x0], $0xffff  }
0x1a4: {  	v1 =	vor.u32 v1, v39;
	[tilespmem:v52+s12+$0x0] =	vst.idx.msk $0xffff, v51;
	v51 =	vld [tilespmem:$0x1FFF0]  }
0x1a5: {  	v5 =	vor.u32 v5, v42;
	[tilespmem:v53+s12+$0x0] =	vst.idx.msk $0xffff, v3;
	v3 =	vld [tilespmem:$0x1FFF0]  }
0x1a6: {  	v7 =	vor.u32 v7, v43;
	[tilespmem:v48+s12+$0x0] =	vst.idx.msk $0xffff, v9;
	v9 =	vld [tilespmem:$0x1FFF0]  }
0x1a7: {  	v50 =	vor.u32 v50, v44;
	[tilespmem:v49+s12+$0x0] =	vst.idx.msk $0xffff, v45;
	v49 =	vld [tilespmem:$0x1FFF0]  }
0x1a8: {  	v0 =	vor.u32 v0, v37;
	[tilespmem:v55+s12+$0x0] =	vst.idx.msk $0xffff, v54;
	v55 =	vld [tilespmem:$0x1FFF0]  }
0x1a9: {  	v52 =	vor.u32 s13, v18;
	v51 =	vor.u32 v51, v38;
	v1 =	vld.idx.msk [tilespmem:v1+s23+$0x0], $0xffff  }
0x1aa: {  	v5 =	vld.idx.msk [tilespmem:v5+s23+$0x0], $0xffff;
	v53 =	vor.u32 s14, v18;
	v3 =	vor.u32 v3, v39  }
0x1ab: {  	v7 =	vld.idx.msk [tilespmem:v7+s23+$0x0], $0xffff;
	v48 =	vor.u32 s15, v18;
	v9 =	vor.u32 v9, v42  }
0x1ac: {  	v45 =	vor.u32 v49, v43;
	v49 =	vld.idx.msk [tilespmem:v50+s23+$0x0], $0xffff;
	v50 =	vor.u32 s18, v18  }
0x1ad: {  	v0 =	vld.idx.msk [tilespmem:v0+s23+$0x0], $0xffff;
	v54 =	vor.u32 s31, v20;
	v55 =	vor.u32 v55, v44  }
0x1ae: {  	[tilespmem:v52+s12+$0x0] =	vst.idx.msk $0xffff, v1;
	v1 =	vor.u32 v31, v37;
	v51 =	vld.idx.msk [tilespmem:v51+s23+$0x0], $0xffff;
	v52 =	vor.u32 s2, v20  }
0x1af: {  	[tilespmem:v53+s12+$0x0] =	vst.idx.msk $0xffff, v5;
	v5 =	vor.u32 v31, v38;
	v53 =	vor.u32 s13, v20;
	v3 =	vld.idx.msk [tilespmem:v3+s23+$0x0], $0xffff  }
0x1b0: {  	[tilespmem:v48+s12+$0x0] =	vst.idx.msk $0xffff, v7;
	v7 =	vor.u32 v31, v39;
	v48 =	vor.u32 s14, v20;
	v9 =	vld.idx.msk [tilespmem:v9+s23+$0x0], $0xffff  }
0x1b1: {  	[tilespmem:v50+s12+$0x0] =	vst.idx.msk $0xffff, v49;
	v49 =	vor.u32 v31, v42;
	v45 =	vld.idx.msk [tilespmem:v45+s23+$0x0], $0xffff;
	v50 =	vor.u32 s15, v20  }
0x1b2: {  	[tilespmem:v54+s12+$0x0] =	vst.idx.msk $0xffff, v0;
	v0 =	vor.u32 v31, v43;
	v54 =	vld.idx.msk [tilespmem:v55+s23+$0x0], $0xffff;
	v55 =	vor.u32 s18, v20  }
0x1b3: {  	v1 =	vld.idx.msk [tilespmem:v1+s23+$0x0], $0xffff;
	[tilespmem:v52+s12+$0x0] =	vst.idx.msk $0xffff, v51;
	v51 =	vor.u32 s31, v22;
	v52 =	vor.u32 v31, v44  }
0x1b4: {  	v5 =	vld.idx.msk [tilespmem:v5+s23+$0x0], $0xffff;
	[tilespmem:v53+s12+$0x0] =	vst.idx.msk $0xffff, v3;
	v3 =	vor.u32 v41, v37;
	v53 =	vor.u32 s2, v22  }
0x1b5: {  	[tilespmem:v48+s12+$0x0] =	vst.idx.msk $0xffff, v9;
	v9 =	vor.u32 v41, v38;
	v7 =	vld.idx.msk [tilespmem:v7+s23+$0x0], $0xffff;
	v48 =	vor.u32 s13, v22  }
0x1b6: {  	[tilespmem:v50+s12+$0x0] =	vst.idx.msk $0xffff, v45;
	v45 =	vor.u32 v41, v39;
	v49 =	vld.idx.msk [tilespmem:v49+s23+$0x0], $0xffff;
	v50 =	vor.u32 s14, v22  }
0x1b7: {  	[tilespmem:v55+s12+$0x0] =	vst.idx.msk $0xffff, v54;
	v54 =	vor.u32 v41, v42;
	v0 =	vld.idx.msk [tilespmem:v0+s23+$0x0], $0xffff;
	v55 =	vor.u32 s15, v22  }
0x1b8: {  	[tilespmem:v51+s12+$0x0] =	vst.idx.msk $0xffff, v1;
	v1 =	vor.u32 v41, v43;
	v51 =	vld.idx.msk [tilespmem:v52+s23+$0x0], $0xffff;
	v52 =	vor.u32 s18, v22  }
0x1b9: {  	v3 =	vld.idx.msk [tilespmem:v3+s23+$0x0], $0xffff;
	[tilespmem:v53+s12+$0x0] =	vst.idx.msk $0xffff, v5;
	v5 =	vor.u32 s31, v24;
	v53 =	vor.u32 v41, v44  }
0x1ba: {  	[tilespmem:v48+s12+$0x0] =	vst.idx.msk $0xffff, v7;
	v7 =	vor.u32 v46, v37;
	v9 =	vld.idx.msk [tilespmem:v9+s23+$0x0], $0xffff;
	v48 =	vor.u32 s2, v24  }
0x1bb: {  	[tilespmem:v50+s12+$0x0] =	vst.idx.msk $0xffff, v49;
	v49 =	vor.u32 v46, v38;
	v45 =	vld.idx.msk [tilespmem:v45+s23+$0x0], $0xffff;
	v50 =	vor.u32 s13, v24  }
0x1bc: {  	[tilespmem:v55+s12+$0x0] =	vst.idx.msk $0xffff, v0;
	v0 =	vor.u32 v46, v39;
	v54 =	vld.idx.msk [tilespmem:v54+s23+$0x0], $0xffff;
	v55 =	vor.u32 s14, v24  }
0x1bd: {  	[tilespmem:v52+s12+$0x0] =	vst.idx.msk $0xffff, v51;
	v51 =	vor.u32 v46, v42;
	v1 =	vld.idx.msk [tilespmem:v1+s23+$0x0], $0xffff;
	v52 =	vor.u32 s15, v24  }
0x1be: {  	[tilespmem:v5+s12+$0x0] =	vst.idx.msk $0xffff, v3;
	v3 =	vor.u32 v46, v43;
	v5 =	vld.idx.msk [tilespmem:v53+s23+$0x0], $0xffff;
	v53 =	vor.u32 s18, v24  }
0x1bf: {  	v7 =	vld.idx.msk [tilespmem:v7+s23+$0x0], $0xffff;
	[tilespmem:v48+s12+$0x0] =	vst.idx.msk $0xffff, v9;
	v9 =	vor.u32 s31, v26;
	v48 =	vor.u32 v46, v44  }
0x1c0: {  	[tilespmem:v50+s12+$0x0] =	vst.idx.msk $0xffff, v45;
	v45 =	vor.u32 v47, v37;
	v49 =	vld.idx.msk [tilespmem:v49+s23+$0x0], $0xffff;
	v50 =	vor.u32 s2, v26  }
0x1c1: {  	[tilespmem:v55+s12+$0x0] =	vst.idx.msk $0xffff, v54;
	v54 =	vor.u32 v47, v38;
	v0 =	vld.idx.msk [tilespmem:v0+s23+$0x0], $0xffff;
	v55 =	vor.u32 s13, v26  }
0x1c2: {  	[tilespmem:v52+s12+$0x0] =	vst.idx.msk $0xffff, v1;
	v1 =	vor.u32 v47, v39;
	v51 =	vld.idx.msk [tilespmem:v51+s23+$0x0], $0xffff;
	v52 =	vor.u32 s14, v26  }
0x1c3: {  	[tilespmem:v53+s12+$0x0] =	vst.idx.msk $0xffff, v5;
	v5 =	vor.u32 v47, v42;
	v3 =	vld.idx.msk [tilespmem:v3+s23+$0x0], $0xffff;
	v53 =	vor.u32 s15, v26  }
0x1c4: {  	[tilespmem:v9+s12+$0x0] =	vst.idx.msk $0xffff, v7;
	v7 =	vor.u32 v47, v43;
	v9 =	vld.idx.msk [tilespmem:v48+s23+$0x0], $0xffff;
	v48 =	vor.u32 s18, v26  }
0x1c5: {  	v45 =	vld.idx.msk [tilespmem:v45+s23+$0x0], $0xffff;
	[tilespmem:v50+s12+$0x0] =	vst.idx.msk $0xffff, v49;
	v49 =	vor.u32 s31, v28;
	v50 =	vor.u32 v47, v44  }
0x1c6: {  	[tilespmem:v55+s12+$0x0] =	vst.idx.msk $0xffff, v0;
	v0 =	vor.u32 v23, v37;
	v54 =	vld.idx.msk [tilespmem:v54+s23+$0x0], $0xffff;
	v55 =	vor.u32 s2, v28  }
0x1c7: {  	[tilespmem:v52+s12+$0x0] =	vst.idx.msk $0xffff, v51;
	v51 =	vor.u32 v23, v38;
	v1 =	vld.idx.msk [tilespmem:v1+s23+$0x0], $0xffff;
	v52 =	vor.u32 s13, v28  }
0x1c8: {  	[tilespmem:v53+s12+$0x0] =	vst.idx.msk $0xffff, v3;
	v3 =	vor.u32 v23, v39;
	v5 =	vld.idx.msk [tilespmem:v5+s23+$0x0], $0xffff;
	v53 =	vor.u32 s14, v28  }
0x1c9: {  	[tilespmem:v48+s12+$0x0] =	vst.idx.msk $0xffff, v9;
	v9 =	vor.u32 v23, v42;
	v7 =	vld.idx.msk [tilespmem:v7+s23+$0x0], $0xffff;
	v48 =	vor.u32 s15, v28  }
0x1ca: {  	[tilespmem:v49+s12+$0x0] =	vst.idx.msk $0xffff, v45;
	v45 =	vor.u32 v23, v43;
	v49 =	vld.idx.msk [tilespmem:v50+s23+$0x0], $0xffff;
	v50 =	vor.u32 s18, v28  }
0x1cb: {  	v0 =	vld.idx.msk [tilespmem:v0+s23+$0x0], $0xffff;
	[tilespmem:v55+s12+$0x0] =	vst.idx.msk $0xffff, v54;
	v54 =	vor.u32 s31, v30;
	v55 =	vor.u32 v23, v44  }
0x1cc: {  	[tilespmem:v52+s12+$0x0] =	vst.idx.msk $0xffff, v1;
	v1 =	vor.u32 v25, v37;
	v51 =	vld.idx.msk [tilespmem:v51+s23+$0x0], $0xffff;
	v52 =	vor.u32 s2, v30  }
0x1cd: {  	[tilespmem:v53+s12+$0x0] =	vst.idx.msk $0xffff, v5;
	v3 =	vld.idx.msk [tilespmem:v3+s23+$0x0], $0xffff;
	v53 =	vor.u32 s13, v30  }
0x1ce: {  	v5 =	vor.u32 v25, v38;
	[tilespmem:v48+s12+$0x0] =	vst.idx.msk $0xffff, v7;
	v9 =	vld.idx.msk [tilespmem:v9+s23+$0x0], $0xffff  }
0x1cf: {  	v48 =	vor.u32 s14, v30;
	[tilespmem:v50+s12+$0x0] =	vst.idx.msk $0xffff, v49;
	v45 =	vld.idx.msk [tilespmem:v45+s23+$0x0], $0xffff  }
0x1d0: {  	v50 =	vor.u32 s15, v30;
	[tilespmem:v54+s12+$0x0] =	vst.idx.msk $0xffff, v0;
	v54 =	vld.idx.msk [tilespmem:v55+s23+$0x0], $0xffff  }
0x1d1: {  	v55 =	vor.u32 s18, v30;
	[tilespmem:v52+s12+$0x0] =	vst.idx.msk $0xffff, v51;
	v1 =	vld.idx.msk [tilespmem:v1+s23+$0x0], $0xffff  }
0x1d2: {  	v51 =	vor.u32 s31, v40;
	[tilespmem:v53+s12+$0x0] =	vst.idx.msk $0xffff, v3;
	v3 =	vld [tilespmem:$0x1FFD0]  }
0x1d3: {  	v5 =	vld.idx.msk [tilespmem:v5+s23+$0x0], $0xffff;
	v53 =	vor.u32 s2, v40  }
0x1d4: {  	v7 =	vor.u32 v25, v39;
	[tilespmem:v48+s12+$0x0] =	vst.idx.msk $0xffff, v9;
	v9 =	vld [tilespmem:$0x1FFD0]  }
0x1d5: {  	v49 =	vor.u32 v25, v42;
	[tilespmem:v50+s12+$0x0] =	vst.idx.msk $0xffff, v45;
	v50 =	vld [tilespmem:$0x1FFD0]  }
0x1d6: {  	v0 =	vor.u32 v25, v43;
	[tilespmem:v55+s12+$0x0] =	vst.idx.msk $0xffff, v54;
	v54 =	vld [tilespmem:$0x1FFD0]  }
0x1d7: {  	v52 =	vor.u32 v25, v44;
	[tilespmem:v51+s12+$0x0] =	vst.idx.msk $0xffff, v1;
	v1 =	vld [tilespmem:$0x1FFD0]  }
0x1d8: {  	v3 =	vor.u32 v3, v37;
	[tilespmem:v53+s12+$0x0] =	vst.idx.msk $0xffff, v5;
	v53 =	vld [tilespmem:$0x1FFD0]  }
0x1d9: {  	v7 =	vld.idx.msk [tilespmem:v7+s23+$0x0], $0xffff;
	v48 =	vor.u32 s13, v40;
	v9 =	vor.u32 v9, v38  }
0x1da: {  	v49 =	vld.idx.msk [tilespmem:v49+s23+$0x0], $0xffff;
	v45 =	vor.u32 v50, v39;
	v50 =	vor.u32 s14, v40  }
0x1db: {  	v0 =	vld.idx.msk [tilespmem:v0+s23+$0x0], $0xffff;
	v55 =	vor.u32 s15, v40;
	v54 =	vor.u32 v54, v42  }
0x1dc: {  	s2 =	sadd.s32 $0xFFFFFFB0, s16;
	v51 =	vld.idx.msk [tilespmem:v52+s23+$0x0], $0xffff;
	v52 =	vor.u32 s18, v40;
	v1 =	vor.u32 v1, v43  }
0x1dd: {  	s13 =	sadd.s32 $0xFFFFFFC0, s16;
	v5 =	vor.u32 s2, v2;
	v3 =	vld.idx.msk [tilespmem:v3+s23+$0x0], $0xffff;
	v53 =	vor.u32 v53, v44  }
0x1de: {  	[tilespmem:v48+s12+$0x0] =	vst.idx.msk $0xffff, v7;
	v7 =	vor.u32 v27, v37;
	v48 =	vor.u32 s13, v2;
	s14 =	sadd.s32 $0xFFFFFFD0, s16;
	v9 =	vld.idx.msk [tilespmem:v9+s23+$0x0], $0xffff  }
0x1df: {  	s15 =	sadd.s32 $0xFFFFFFE0, s16;
	[tilespmem:v50+s12+$0x0] =	vst.idx.msk $0xffff, v49;
	v49 =	vor.u32 v27, v38;
	v45 =	vld.idx.msk [tilespmem:v45+s23+$0x0], $0xffff;
	v50 =	vor.u32 s14, v2  }
0x1e0: {  	s18 =	sadd.s32 $0xFFFFFFF0, s16;
	[tilespmem:v55+s12+$0x0] =	vst.idx.msk $0xffff, v0;
	v0 =	vor.u32 v27, v39;
	v55 =	vor.u32 s15, v2;
	v54 =	vld.idx.msk [tilespmem:v54+s23+$0x0], $0xffff  }
0x1e1: {  	[tilespmem:v52+s12+$0x0] =	vst.idx.msk $0xffff, v51;
	v51 =	vor.u32 v27, v42;
	v52 =	vor.u32 s18, v2;
	v1 =	vld.idx.msk [tilespmem:v1+s23+$0x0], $0xffff  }
0x1e2: {  	[tilespmem:v5+s12+$0x0] =	vst.idx.msk $0xffff, v3;
	v3 =	vor.u32 v27, v43;
	v5 =	vld.idx.msk [tilespmem:v53+s23+$0x0], $0xffff;
	v53 =	vor.u32 s16, v2  }
0x1e3: {  	v7 =	vld.idx.msk [tilespmem:v7+s23+$0x0], $0xffff;
	[tilespmem:v48+s12+$0x0] =	vst.idx.msk $0xffff, v9;
	v9 =	vor.u32 s2, v4;
	v48 =	vor.u32 v27, v44  }
0x1e4: {  	[tilespmem:v50+s12+$0x0] =	vst.idx.msk $0xffff, v45;
	v45 =	vor.u32 v29, v37;
	v49 =	vld.idx.msk [tilespmem:v49+s23+$0x0], $0xffff;
	v50 =	vor.u32 s13, v4  }
0x1e5: {  	[tilespmem:v55+s12+$0x0] =	vst.idx.msk $0xffff, v54;
	v54 =	vor.u32 v29, v38;
	v0 =	vld.idx.msk [tilespmem:v0+s23+$0x0], $0xffff;
	v55 =	vor.u32 s14, v4  }
0x1e6: {  	[tilespmem:v52+s12+$0x0] =	vst.idx.msk $0xffff, v1;
	v1 =	vor.u32 v29, v39;
	v51 =	vld.idx.msk [tilespmem:v51+s23+$0x0], $0xffff;
	v52 =	vor.u32 s15, v4  }
0x1e7: {  	[tilespmem:v53+s12+$0x0] =	vst.idx.msk $0xffff, v5;
	v5 =	vor.u32 v29, v42;
	v3 =	vld.idx.msk [tilespmem:v3+s23+$0x0], $0xffff;
	v53 =	vor.u32 s18, v4  }
0x1e8: {  	[tilespmem:v9+s12+$0x0] =	vst.idx.msk $0xffff, v7;
	v7 =	vor.u32 v29, v43;
	v9 =	vld.idx.msk [tilespmem:v48+s23+$0x0], $0xffff;
	v48 =	vor.u32 s16, v4  }
0x1e9: {  	v45 =	vld.idx.msk [tilespmem:v45+s23+$0x0], $0xffff;
	[tilespmem:v50+s12+$0x0] =	vst.idx.msk $0xffff, v49;
	v49 =	vor.u32 s2, v6;
	v50 =	vor.u32 v29, v44  }
0x1ea: {  	[tilespmem:v55+s12+$0x0] =	vst.idx.msk $0xffff, v0;
	v0 =	vor.u32 v56, v37;
	v54 =	vld.idx.msk [tilespmem:v54+s23+$0x0], $0xffff;
	v55 =	vor.u32 s13, v6  }
0x1eb: {  	[tilespmem:v52+s12+$0x0] =	vst.idx.msk $0xffff, v51;
	v51 =	vor.u32 v56, v38;
	v1 =	vld.idx.msk [tilespmem:v1+s23+$0x0], $0xffff;
	v52 =	vor.u32 s14, v6  }
0x1ec: {  	[tilespmem:v53+s12+$0x0] =	vst.idx.msk $0xffff, v3;
	v3 =	vor.u32 v56, v39;
	v5 =	vld.idx.msk [tilespmem:v5+s23+$0x0], $0xffff;
	v53 =	vor.u32 s15, v6  }
0x1ed: {  	[tilespmem:v48+s12+$0x0] =	vst.idx.msk $0xffff, v9;
	v9 =	vor.u32 v56, v42;
	v7 =	vld.idx.msk [tilespmem:v7+s23+$0x0], $0xffff;
	v48 =	vor.u32 s18, v6  }
0x1ee: {  	[tilespmem:v49+s12+$0x0] =	vst.idx.msk $0xffff, v45;
	v45 =	vor.u32 v56, v43;
	v49 =	vld.idx.msk [tilespmem:v50+s23+$0x0], $0xffff;
	v50 =	vor.u32 s16, v6  }
0x1ef: {  	v0 =	vld.idx.msk [tilespmem:v0+s23+$0x0], $0xffff;
	[tilespmem:v55+s12+$0x0] =	vst.idx.msk $0xffff, v54;
	v54 =	vor.u32 s2, v8;
	v55 =	vor.u32 v56, v44  }
0x1f0: {  	[tilespmem:v52+s12+$0x0] =	vst.idx.msk $0xffff, v1;
	v1 =	vor.u32 v57, v37;
	v51 =	vld.idx.msk [tilespmem:v51+s23+$0x0], $0xffff;
	v52 =	vor.u32 s13, v8  }
0x1f1: {  	[tilespmem:v53+s12+$0x0] =	vst.idx.msk $0xffff, v5;
	v5 =	vor.u32 v57, v38;
	v3 =	vld.idx.msk [tilespmem:v3+s23+$0x0], $0xffff;
	v53 =	vor.u32 s14, v8  }
0x1f2: {  	[tilespmem:v48+s12+$0x0] =	vst.idx.msk $0xffff, v7;
	v7 =	vor.u32 v57, v39;
	v9 =	vld.idx.msk [tilespmem:v9+s23+$0x0], $0xffff;
	v48 =	vor.u32 s15, v8  }
0x1f3: {  	[tilespmem:v50+s12+$0x0] =	vst.idx.msk $0xffff, v49;
	v49 =	vor.u32 v57, v42;
	v45 =	vld.idx.msk [tilespmem:v45+s23+$0x0], $0xffff;
	v50 =	vor.u32 s18, v8  }
0x1f4: {  	[tilespmem:v54+s12+$0x0] =	vst.idx.msk $0xffff, v0;
	v0 =	vor.u32 v57, v43;
	v54 =	vld.idx.msk [tilespmem:v55+s23+$0x0], $0xffff;
	v55 =	vor.u32 s16, v8  }
0x1f5: {  	v1 =	vld.idx.msk [tilespmem:v1+s23+$0x0], $0xffff;
	[tilespmem:v52+s12+$0x0] =	vst.idx.msk $0xffff, v51;
	v51 =	vor.u32 s2, v10;
	v52 =	vor.u32 v57, v44  }
0x1f6: {  	[tilespmem:v53+s12+$0x0] =	vst.idx.msk $0xffff, v3;
	v3 =	vor.u32 v58, v37;
	v5 =	vld.idx.msk [tilespmem:v5+s23+$0x0], $0xffff;
	v53 =	vor.u32 s13, v10  }
0x1f7: {  	[tilespmem:v48+s12+$0x0] =	vst.idx.msk $0xffff, v9;
	v9 =	vor.u32 v58, v38;
	v7 =	vld.idx.msk [tilespmem:v7+s23+$0x0], $0xffff;
	v48 =	vor.u32 s14, v10  }
0x1f8: {  	[tilespmem:v50+s12+$0x0] =	vst.idx.msk $0xffff, v45;
	v45 =	vor.u32 v58, v39;
	v49 =	vld.idx.msk [tilespmem:v49+s23+$0x0], $0xffff;
	v50 =	vor.u32 s15, v10  }
0x1f9: {  	[tilespmem:v55+s12+$0x0] =	vst.idx.msk $0xffff, v54;
	v54 =	vor.u32 v58, v42;
	v0 =	vld.idx.msk [tilespmem:v0+s23+$0x0], $0xffff;
	v55 =	vor.u32 s18, v10  }
0x1fa: {  	[tilespmem:v51+s12+$0x0] =	vst.idx.msk $0xffff, v1;
	v1 =	vor.u32 v58, v43;
	v51 =	vld.idx.msk [tilespmem:v52+s23+$0x0], $0xffff;
	v52 =	vor.u32 s16, v10  }
0x1fb: {  	v3 =	vld.idx.msk [tilespmem:v3+s23+$0x0], $0xffff;
	[tilespmem:v53+s12+$0x0] =	vst.idx.msk $0xffff, v5;
	v5 =	vor.u32 s2, v12;
	v53 =	vor.u32 v58, v44  }
0x1fc: {  	[tilespmem:v48+s12+$0x0] =	vst.idx.msk $0xffff, v7;
	v7 =	vor.u32 v59, v37;
	v9 =	vld.idx.msk [tilespmem:v9+s23+$0x0], $0xffff;
	v48 =	vor.u32 s13, v12  }
0x1fd: {  	[tilespmem:v50+s12+$0x0] =	vst.idx.msk $0xffff, v49;
	v49 =	vor.u32 v59, v38;
	v45 =	vld.idx.msk [tilespmem:v45+s23+$0x0], $0xffff;
	v50 =	vor.u32 s14, v12  }
0x1fe: {  	[tilespmem:v55+s12+$0x0] =	vst.idx.msk $0xffff, v0;
	v0 =	vor.u32 v59, v39;
	v54 =	vld.idx.msk [tilespmem:v54+s23+$0x0], $0xffff;
	v55 =	vor.u32 s15, v12  }
0x1ff: {  	[tilespmem:v52+s12+$0x0] =	vst.idx.msk $0xffff, v51;
	v51 =	vor.u32 v59, v42;
	v1 =	vld.idx.msk [tilespmem:v1+s23+$0x0], $0xffff;
	v52 =	vor.u32 s18, v12  }
0x200: {  	[tilespmem:v5+s12+$0x0] =	vst.idx.msk $0xffff, v3;
	v3 =	vor.u32 v59, v43;
	v5 =	vld.idx.msk [tilespmem:v53+s23+$0x0], $0xffff;
	v53 =	vor.u32 s16, v12  }
0x201: {  	v7 =	vld.idx.msk [tilespmem:v7+s23+$0x0], $0xffff;
	[tilespmem:v48+s12+$0x0] =	vst.idx.msk $0xffff, v9;
	v9 =	vor.u32 s2, v14;
	v48 =	vor.u32 v59, v44  }
0x202: {  	[tilespmem:v50+s12+$0x0] =	vst.idx.msk $0xffff, v45;
	v45 =	vor.u32 v60, v37;
	v49 =	vld.idx.msk [tilespmem:v49+s23+$0x0], $0xffff;
	v50 =	vor.u32 s13, v14  }
0x203: {  	[tilespmem:v55+s12+$0x0] =	vst.idx.msk $0xffff, v54;
	v54 =	vor.u32 v60, v38;
	v0 =	vld.idx.msk [tilespmem:v0+s23+$0x0], $0xffff;
	v55 =	vor.u32 s14, v14  }
0x204: {  	[tilespmem:v52+s12+$0x0] =	vst.idx.msk $0xffff, v1;
	v1 =	vor.u32 v60, v39;
	v51 =	vld.idx.msk [tilespmem:v51+s23+$0x0], $0xffff;
	v52 =	vor.u32 s15, v14  }
0x205: {  	[tilespmem:v53+s12+$0x0] =	vst.idx.msk $0xffff, v5;
	v5 =	vor.u32 v60, v42;
	v3 =	vld.idx.msk [tilespmem:v3+s23+$0x0], $0xffff;
	v53 =	vor.u32 s18, v14  }
0x206: {  	[tilespmem:v9+s12+$0x0] =	vst.idx.msk $0xffff, v7;
	v7 =	vor.u32 v60, v43;
	v9 =	vld.idx.msk [tilespmem:v48+s23+$0x0], $0xffff;
	v48 =	vor.u32 s16, v14  }
0x207: {  	v45 =	vld.idx.msk [tilespmem:v45+s23+$0x0], $0xffff;
	[tilespmem:v50+s12+$0x0] =	vst.idx.msk $0xffff, v49;
	v49 =	vor.u32 s2, v16;
	v50 =	vor.u32 v60, v44  }
0x208: {  	[tilespmem:v55+s12+$0x0] =	vst.idx.msk $0xffff, v0;
	v0 =	vor.u32 v61, v37;
	v54 =	vld.idx.msk [tilespmem:v54+s23+$0x0], $0xffff;
	v55 =	vor.u32 s13, v16  }
0x209: {  	[tilespmem:v52+s12+$0x0] =	vst.idx.msk $0xffff, v51;
	v51 =	vor.u32 v61, v38;
	v1 =	vld.idx.msk [tilespmem:v1+s23+$0x0], $0xffff;
	v52 =	vor.u32 s14, v16  }
0x20a: {  	[tilespmem:v53+s12+$0x0] =	vst.idx.msk $0xffff, v3;
	v3 =	vor.u32 v61, v39;
	v5 =	vld.idx.msk [tilespmem:v5+s23+$0x0], $0xffff;
	v53 =	vor.u32 s15, v16  }
0x20b: {  	[tilespmem:v48+s12+$0x0] =	vst.idx.msk $0xffff, v9;
	v9 =	vor.u32 v61, v42;
	v7 =	vld.idx.msk [tilespmem:v7+s23+$0x0], $0xffff;
	v48 =	vor.u32 s18, v16  }
0x20c: {  	[tilespmem:v49+s12+$0x0] =	vst.idx.msk $0xffff, v45;
	v45 =	vor.u32 v61, v43;
	v49 =	vld.idx.msk [tilespmem:v50+s23+$0x0], $0xffff;
	v50 =	vor.u32 s16, v16  }
0x20d: {  	v0 =	vld.idx.msk [tilespmem:v0+s23+$0x0], $0xffff;
	[tilespmem:v55+s12+$0x0] =	vst.idx.msk $0xffff, v54;
	v54 =	vor.u32 s2, v18;
	v55 =	vor.u32 v61, v44  }
0x20e: {  	[tilespmem:v52+s12+$0x0] =	vst.idx.msk $0xffff, v1;
	v1 =	vor.u32 v62, v37;
	v51 =	vld.idx.msk [tilespmem:v51+s23+$0x0], $0xffff;
	v52 =	vor.u32 s13, v18  }
0x20f: {  	[tilespmem:v53+s12+$0x0] =	vst.idx.msk $0xffff, v5;
	v5 =	vor.u32 v62, v38;
	v3 =	vld.idx.msk [tilespmem:v3+s23+$0x0], $0xffff;
	v53 =	vor.u32 s14, v18  }
0x210: {  	[tilespmem:v48+s12+$0x0] =	vst.idx.msk $0xffff, v7;
	v7 =	vor.u32 v62, v39;
	v9 =	vld.idx.msk [tilespmem:v9+s23+$0x0], $0xffff;
	v48 =	vor.u32 s15, v18  }
0x211: {  	[tilespmem:v50+s12+$0x0] =	vst.idx.msk $0xffff, v49;
	v49 =	vor.u32 v62, v42;
	v45 =	vld.idx.msk [tilespmem:v45+s23+$0x0], $0xffff;
	v50 =	vor.u32 s18, v18  }
0x212: {  	[tilespmem:v54+s12+$0x0] =	vst.idx.msk $0xffff, v0;
	v0 =	vor.u32 v62, v43;
	v54 =	vld.idx.msk [tilespmem:v55+s23+$0x0], $0xffff;
	v55 =	vor.u32 s16, v18  }
0x213: {  	v1 =	vld.idx.msk [tilespmem:v1+s23+$0x0], $0xffff;
	[tilespmem:v52+s12+$0x0] =	vst.idx.msk $0xffff, v51;
	v51 =	vor.u32 s2, v20;
	v52 =	vor.u32 v62, v44  }
0x214: {  	[tilespmem:v53+s12+$0x0] =	vst.idx.msk $0xffff, v3;
	v3 =	vor.u32 v63, v37;
	v5 =	vld.idx.msk [tilespmem:v5+s23+$0x0], $0xffff;
	v53 =	vor.u32 s13, v20  }
0x215: {  	[tilespmem:v48+s12+$0x0] =	vst.idx.msk $0xffff, v9;
	v9 =	vor.u32 v63, v38;
	v7 =	vld.idx.msk [tilespmem:v7+s23+$0x0], $0xffff;
	v48 =	vor.u32 s14, v20  }
0x216: {  	[tilespmem:v50+s12+$0x0] =	vst.idx.msk $0xffff, v45;
	v45 =	vor.u32 v63, v39;
	v49 =	vld.idx.msk [tilespmem:v49+s23+$0x0], $0xffff;
	v50 =	vor.u32 s15, v20  }
0x217: {  	[tilespmem:v55+s12+$0x0] =	vst.idx.msk $0xffff, v54;
	v54 =	vor.u32 v63, v42;
	v0 =	vld.idx.msk [tilespmem:v0+s23+$0x0], $0xffff;
	v55 =	vor.u32 s18, v20  }
0x218: {  	[tilespmem:v51+s12+$0x0] =	vst.idx.msk $0xffff, v1;
	v1 =	vor.u32 v63, v43;
	v51 =	vld.idx.msk [tilespmem:v52+s23+$0x0], $0xffff;
	v52 =	vor.u32 s16, v20  }
0x219: {  	v3 =	vld.idx.msk [tilespmem:v3+s23+$0x0], $0xffff;
	[tilespmem:v53+s12+$0x0] =	vst.idx.msk $0xffff, v5;
	v5 =	vor.u32 s2, v22;
	v53 =	vor.u32 v63, v44  }
0x21a: {  	[tilespmem:v48+s12+$0x0] =	vst.idx.msk $0xffff, v7;
	v7 =	vor.u32 v32, v37;
	v9 =	vld.idx.msk [tilespmem:v9+s23+$0x0], $0xffff;
	v48 =	vor.u32 s13, v22  }
0x21b: {  	[tilespmem:v50+s12+$0x0] =	vst.idx.msk $0xffff, v49;
	v49 =	vor.u32 v32, v38;
	v45 =	vld.idx.msk [tilespmem:v45+s23+$0x0], $0xffff;
	v50 =	vor.u32 s14, v22  }
0x21c: {  	[tilespmem:v55+s12+$0x0] =	vst.idx.msk $0xffff, v0;
	v0 =	vor.u32 v32, v39;
	v54 =	vld.idx.msk [tilespmem:v54+s23+$0x0], $0xffff;
	v55 =	vor.u32 s15, v22  }
0x21d: {  	[tilespmem:v52+s12+$0x0] =	vst.idx.msk $0xffff, v51;
	v51 =	vor.u32 v32, v42;
	v1 =	vld.idx.msk [tilespmem:v1+s23+$0x0], $0xffff;
	v52 =	vor.u32 s18, v22  }
0x21e: {  	[tilespmem:v5+s12+$0x0] =	vst.idx.msk $0xffff, v3;
	v3 =	vor.u32 v32, v43;
	v5 =	vld.idx.msk [tilespmem:v53+s23+$0x0], $0xffff;
	v53 =	vor.u32 s16, v22  }
0x21f: {  	v7 =	vld.idx.msk [tilespmem:v7+s23+$0x0], $0xffff;
	[tilespmem:v48+s12+$0x0] =	vst.idx.msk $0xffff, v9;
	v9 =	vor.u32 s2, v24;
	v48 =	vor.u32 v32, v44  }
0x220: {  	[tilespmem:v50+s12+$0x0] =	vst.idx.msk $0xffff, v45;
	v45 =	vor.u32 v33, v37;
	v49 =	vld.idx.msk [tilespmem:v49+s23+$0x0], $0xffff;
	v50 =	vor.u32 s13, v24  }
0x221: {  	[tilespmem:v55+s12+$0x0] =	vst.idx.msk $0xffff, v54;
	v54 =	vor.u32 v33, v38;
	v0 =	vld.idx.msk [tilespmem:v0+s23+$0x0], $0xffff;
	v55 =	vor.u32 s14, v24  }
0x222: {  	[tilespmem:v52+s12+$0x0] =	vst.idx.msk $0xffff, v1;
	v1 =	vor.u32 v33, v39;
	v51 =	vld.idx.msk [tilespmem:v51+s23+$0x0], $0xffff;
	v52 =	vor.u32 s15, v24  }
0x223: {  	[tilespmem:v53+s12+$0x0] =	vst.idx.msk $0xffff, v5;
	v5 =	vor.u32 v33, v42;
	v3 =	vld.idx.msk [tilespmem:v3+s23+$0x0], $0xffff;
	v53 =	vor.u32 s18, v24  }
0x224: {  	[tilespmem:v9+s12+$0x0] =	vst.idx.msk $0xffff, v7;
	v7 =	vor.u32 v33, v43;
	v9 =	vld.idx.msk [tilespmem:v48+s23+$0x0], $0xffff;
	v48 =	vor.u32 s16, v24  }
0x225: {  	v45 =	vld.idx.msk [tilespmem:v45+s23+$0x0], $0xffff;
	[tilespmem:v50+s12+$0x0] =	vst.idx.msk $0xffff, v49;
	v49 =	vor.u32 s2, v26;
	v50 =	vor.u32 v33, v44  }
0x226: {  	[tilespmem:v55+s12+$0x0] =	vst.idx.msk $0xffff, v0;
	v0 =	vor.u32 v34, v37;
	v54 =	vld.idx.msk [tilespmem:v54+s23+$0x0], $0xffff;
	v55 =	vor.u32 s13, v26  }
0x227: {  	[tilespmem:v52+s12+$0x0] =	vst.idx.msk $0xffff, v51;
	v51 =	vor.u32 v34, v38;
	v1 =	vld.idx.msk [tilespmem:v1+s23+$0x0], $0xffff;
	v52 =	vor.u32 s14, v26  }
0x228: {  	[tilespmem:v53+s12+$0x0] =	vst.idx.msk $0xffff, v3;
	v3 =	vor.u32 v34, v39;
	v5 =	vld.idx.msk [tilespmem:v5+s23+$0x0], $0xffff;
	v53 =	vor.u32 s15, v26  }
0x229: {  	[tilespmem:v48+s12+$0x0] =	vst.idx.msk $0xffff, v9;
	v9 =	vor.u32 v34, v42;
	v7 =	vld.idx.msk [tilespmem:v7+s23+$0x0], $0xffff;
	v48 =	vor.u32 s18, v26  }
0x22a: {  	[tilespmem:v49+s12+$0x0] =	vst.idx.msk $0xffff, v45;
	v45 =	vor.u32 v34, v43;
	v49 =	vld.idx.msk [tilespmem:v50+s23+$0x0], $0xffff;
	v50 =	vor.u32 s16, v26  }
0x22b: {  	v0 =	vld.idx.msk [tilespmem:v0+s23+$0x0], $0xffff;
	[tilespmem:v55+s12+$0x0] =	vst.idx.msk $0xffff, v54;
	v54 =	vor.u32 s2, v28;
	v55 =	vor.u32 v34, v44  }
0x22c: {  	[tilespmem:v52+s12+$0x0] =	vst.idx.msk $0xffff, v1;
	v1 =	vor.u32 v35, v37;
	v51 =	vld.idx.msk [tilespmem:v51+s23+$0x0], $0xffff;
	v52 =	vor.u32 s13, v28  }
0x22d: {  	[tilespmem:v53+s12+$0x0] =	vst.idx.msk $0xffff, v5;
	v5 =	vor.u32 v35, v38;
	v3 =	vld.idx.msk [tilespmem:v3+s23+$0x0], $0xffff;
	v53 =	vor.u32 s14, v28  }
0x22e: {  	[tilespmem:v48+s12+$0x0] =	vst.idx.msk $0xffff, v7;
	v7 =	vor.u32 v35, v39;
	v9 =	vld.idx.msk [tilespmem:v9+s23+$0x0], $0xffff;
	v48 =	vor.u32 s15, v28  }
0x22f: {  	[tilespmem:v50+s12+$0x0] =	vst.idx.msk $0xffff, v49;
	v49 =	vor.u32 v35, v42;
	v45 =	vld.idx.msk [tilespmem:v45+s23+$0x0], $0xffff;
	v50 =	vor.u32 s18, v28  }
0x230: {  	[tilespmem:v54+s12+$0x0] =	vst.idx.msk $0xffff, v0;
	v54 =	vld.idx.msk [tilespmem:v55+s23+$0x0], $0xffff;
	v55 =	vor.u32 s16, v28  }
0x231: {  	v0 =	vor.u32 v35, v43;
	v1 =	vld.idx.msk [tilespmem:v1+s23+$0x0], $0xffff;
	[tilespmem:v52+s12+$0x0] =	vst.idx.msk $0xffff, v51  }
0x232: {  	v51 =	vor.u32 s2, v30;
	v52 =	vor.u32 v35, v44;
	[tilespmem:v53+s12+$0x0] =	vst.idx.msk $0xffff, v3;
	v5 =	vld.idx.msk [tilespmem:v5+s23+$0x0], $0xffff  }
0x233: {  	v3 =	vor.u32 v36, v37;
	v37 =	vor.u32 s13, v30;
	[tilespmem:v48+s12+$0x0] =	vst.idx.msk $0xffff, v9;
	v7 =	vld.idx.msk [tilespmem:v7+s23+$0x0], $0xffff  }
0x234: {  	v9 =	vor.u32 v36, v38;
	v38 =	vor.u32 s14, v30;
	[tilespmem:v50+s12+$0x0] =	vst.idx.msk $0xffff, v45;
	v45 =	vld.idx.msk [tilespmem:v49+s23+$0x0], $0xffff  }
0x235: {  	v39 =	vor.u32 v36, v39;
	v48 =	vor.u32 s15, v30;
	[tilespmem:v55+s12+$0x0] =	vst.idx.msk $0xffff, v54;
	v55 =	vld [tilespmem:$0x1FFD0]  }
0x236: {  	v42 =	vor.u32 v36, v42;
	v49 =	vor.u32 s18, v30;
	v0 =	vld.idx.msk [tilespmem:v0+s23+$0x0], $0xffff  }
0x237: {  	v50 =	vor.u32 s16, v30;
	[tilespmem:v51+s12+$0x0] =	vst.idx.msk $0xffff, v1;
	v1 =	vor.u32 v36, v43;
	v43 =	vld.idx.msk [tilespmem:v52+s23+$0x0], $0xffff  }
0x238: {  	[tilespmem:v37+s12+$0x0] =	vst.idx.msk $0xffff, v5;
	v5 =	vor.u32 s2, v40;
	v3 =	vld.idx.msk [tilespmem:v3+s23+$0x0], $0xffff;
	v37 =	vor.u32 v36, v44  }
0x239: {  	[tilespmem:v38+s12+$0x0] =	vst.idx.msk $0xffff, v7;
	v7 =	vor.u32 s13, v40;
	v9 =	vld.idx.msk [tilespmem:v9+s23+$0x0], $0xffff  }
0x23a: {  	v38 =	vor.u32 s14, v40;
	[tilespmem:v48+s12+$0x0] =	vst.idx.msk $0xffff, v45;
	v39 =	vld.idx.msk [tilespmem:v39+s23+$0x0], $0xffff  }
0x23b: {  	[tilespmem:v49+s12+$0x0] =	vst.idx.msk $0xffff, v0;
	v0 =	vor.u32 s15, v40;
	v42 =	vld.idx.msk [tilespmem:v42+s23+$0x0], $0xffff  }
0x23c: {  	s9 =	sadd.s32 $0x8, s9;
	[tilespmem:v50+s12+$0x0] =	vst.idx.msk $0xffff, v43;
	v1 =	vld.idx.msk [tilespmem:v1+s23+$0x0], $0xffff;
	v43 =	vor.u32 s18, v40  }
0x23d: {  	p0 =	slt.u32 s9, $0x18;
	[tilespmem:v5+s12+$0x0] =	vst.idx.msk $0xffff, v3;
	v3 =	vld.idx.msk [tilespmem:v37+s23+$0x0], $0xffff;
	v5 =	vor.u32 s16, v40  }
.Ltmp0:
0x23e: {  	v44 =	vld [tilespmem:$0x1FFF0];
	[tilespmem:v7+s12+$0x0] =	vst.idx.msk $0xffff, v9;
	(pc) =	sbr.rel @p0 .LBB2_3-.Ltmp0, $4  }
0x23f: {  	[tilespmem:v38+s12+$0x0] =	vst.idx.msk $0xffff, v39;
	v39 =	vld [tilespmem:$0x1FFB0]  }
0x240: {  	v53 =	vmov v27;
	v54 =	vmov v29;
	v51 =	vmov v23;
	[tilespmem:v0+s12+$0x0] =	vst.idx.msk $0xffff, v42;
	v42 =	vld [tilespmem:$0x1FFC0]  }
0x241: {  	v52 =	vmovc v25;
	v48 =	vmovc v41;
	v45 =	vmov v31;
	v49 =	vmov v46;
	v50 =	vmov v47;
	[tilespmem:v43+s12+$0x0] =	vst.idx.msk $0xffff, v1;
	v43 =	vld [tilespmem:$0x1FFE0]  }
0x242: {  	s7 =	sadd.s32 $0x80, s7;
	s16 =	sadd.s32 $0x400, s16;
	v9 =	vmovc v13;
	v7 =	vmovc v19;
	v38 =	vmov v21;
	v1 =	vld [tilespmem:$0x1FFA0];
	[tilespmem:v5+s12+$0x0] =	vst.idx.msk $0xffff, v3;
	v5 =	vmov v17;
	v3 =	vmov v15  }
0x243: {  	s2 =	sadd.s32 s6, s3  }
0x244: {  	s7 =	sshrl.u32 s2, $0x3  }
0x245: {  	s2 =	sshll.u32 s2, $0xC;
	s9 =	sshll.u32 s7, $0xF  }
0x246: {  	s7 =	sshll.u32 s7, $0x11;
	s2 =	ssub.s32 s2, s9  }
0x247: {  	s2 =	sadd.s32 s7, s2  }
0x248: {  	s7 =	sshrl.u32 s2, $0x3  }
0x249: {  	s13 =	sadd.s32 $0x8000, s2;
	s7 =	sadd.s32 s1, s7  }
0x24a: {  	[hbm4b:s7+s4] =	stream.linear.scatter [tilespmem:s12], [sflag:$0x5], $0x1000, $0x38;
	[tilespmem:$0x10400] =	vst v63  }
0x24b: {  	s7 =	sshrl.u32 s13, $0x3  }
0x24c: {  	s14 =	simm.s32 $0x9400;
	s15 =	sadd.s32 $0x10000, s2;
	s7 =	sadd.s32 s1, s7  }
0x24d: {  	[hbm4b:s7+s4] =	stream.linear.scatter [tilespmem:s14], [sflag:$0x5], $0x1000, $0x38;
	[tilespmem:$0x10400] =	vst v63  }
0x24e: {  	s2 =	sadd.s32 $0x18000, s2;
	s7 =	sshrl.u32 s15, $0x3  }
0x24f: {  	s16 =	simm.s32 $0xA400;
	s2 =	sshrl.u32 s2, $0x3;
	s7 =	sadd.s32 s1, s7  }
0x250: {  	[hbm4b:s7+s4] =	stream.linear.scatter [tilespmem:s16], [sflag:$0x5], $0x1000, $0x38;
	[tilespmem:$0x10400] =	vst v63  }
0x251: {  	s18 =	simm.s32 $0xB400;
	s31 =	smin.u32 s3, $0x2E;
	s2 =	sadd.s32 s1, s2  }
0x252: {  	[hbm4b:s2+s4] =	stream.linear.scatter [tilespmem:s18], [sflag:$0x5], $0x1000, $0x38;
	[tilespmem:$0x10400] =	vst v63  }
0x253: {  	s2 =	sadd.s32 s31, s11;
	_ =	swait.ge [sflag:s29], $0x4000  }
0x254: {  	s2 =	sshll.u32 s2, $0x6;
	[sflag:s29] =	ssyncset.done $0x0  }
0x255: {  	s2 =	sadd.s32 s0, s2;
	[sflag:s29] =	ssyncadd.s32 $0xFFFFC000  }
0x256: {  	[tilespmem:s21], [sflag:$0x2] =	stream.linear.gather [hbm4b:s2+s4], $0x200, $0x38;
	[tilespmem:$0x10400] =	vst v63  }
0x257: {  	_ =	swait.ge [sflag:s22], $0x200  }
0x258: {  	[sflag:s22] =	ssyncset.done $0x0  }
0x259: {  	[sflag:s22] =	ssyncadd.s32 $0xFFFFFE00  }
0x25a: {  	[tilespmem:s23], [sflag:$0x3] =	stream.indirect.gather [hbm4b:s8+s21], $0x20, s4, s21, $0xb8;
	[tilespmem:$0x10400] =	vst v63  }
0x25b: {  	_ =	swait.ge [sflag:s30], $0x1000  }
0x25c: {  	[sflag:s30] =	ssyncset.done $0x0  }
0x25d: {  	[sflag:s30] =	ssyncadd.s32 $0xFFFFF000  }
0x25e: {  	_ =	swait.ge [sflag:s30], $0x1000  }
0x25f: {  	[sflag:s30] =	ssyncset.done $0x0  }
0x260: {  	[sflag:s30] =	ssyncadd.s32 $0xFFFFF000  }
0x261: {  	_ =	swait.ge [sflag:s30], $0x1000  }
0x262: {  	[sflag:s30] =	ssyncset.done $0x0  }
0x263: {  	[sflag:s30] =	ssyncadd.s32 $0xFFFFF000  }
0x264: {  	_ =	swait.ge [sflag:s30], $0x1000  }
0x265: {  	s9 =	simm.s32 $0x2070;
	[sflag:s30] =	ssyncset.done $0x0  }
0x266: {  	s7 =	simm.s32 $0xFFFFFFF8;
	s16 =	simm.s32 $0x70;
	[sflag:s30] =	ssyncadd.s32 $0xFFFFF000  }
.LBB2_5:
0x267: {  	s2 =	sadd.s32 $0xFFFFFF90, s16  }
0x268: {  	v0 =	vmov s2  }
0x269: {  	v0 =	vshll.u32 v0, $0x5  }
0x26a: {  	v37 =	vor.u32 v1, v0  }
0x26b: {  	v0 =	vor.u32 v11, v37;
	_ =	sdelay $0x3  }
0x26c: {  	s15 =	sadd.s32 $0xFFFFDF90, s9  }
0x26d: {  	v1 =	vor.u32 s15, v2;
	v0 =	vld.idx.msk [tilespmem:v0+s26+$0x0], $0xffff  }
0x26e: {  	v3 =	vor.u32 v15, v37;
	_ =	sdelay $0x3  }
0x26f: {  	[tilespmem:v1+s17+$0x0] =	vst.idx.msk $0xffff, v0  }
0x270: {  	v1 =	vor.u32 s15, v4;
	v0 =	vld.idx.msk [tilespmem:v3+s26+$0x0], $0xffff  }
0x271: {  	v3 =	vor.u32 v5, v37;
	_ =	sdelay $0x3  }
0x272: {  	[tilespmem:v1+s17+$0x0] =	vst.idx.msk $0xffff, v0  }
0x273: {  	v1 =	vor.u32 s15, v6;
	v0 =	vld.idx.msk [tilespmem:v3+s26+$0x0], $0xffff  }
0x274: {  	v3 =	vor.u32 v7, v37;
	_ =	sdelay $0x3  }
0x275: {  	[tilespmem:v1+s17+$0x0] =	vst.idx.msk $0xffff, v0  }
0x276: {  	v1 =	vor.u32 s15, v8;
	v0 =	vld.idx.msk [tilespmem:v3+s26+$0x0], $0xffff  }
0x277: {  	v3 =	vor.u32 v9, v37;
	_ =	sdelay $0x3  }
0x278: {  	[tilespmem:v1+s17+$0x0] =	vst.idx.msk $0xffff, v0  }
0x279: {  	v1 =	vor.u32 s15, v10;
	v0 =	vld.idx.msk [tilespmem:v3+s26+$0x0], $0xffff;
	_ =	sdelay $0x1  }
0x27a: {  	v3 =	vor.u32 v38, v37;
	v38 =	vld [tilespmem:$0x1FFA0];
	_ =	sdelay $0x1  }
0x27b: {  	s13 =	sadd.s32 $0xFFFFFFA0, s16  }
0x27c: {  	[tilespmem:v1+s17+$0x0] =	vst.idx.msk $0xffff, v0;
	v0 =	vmov s13  }
0x27d: {  	v0 =	vshll.u32 v0, $0x5  }
0x27e: {  	v38 =	vor.u32 v38, v0  }
0x27f: {  	v1 =	vld.idx.msk [tilespmem:v3+s26+$0x0], $0xffff;
	v3 =	vor.u32 s15, v12;
	v0 =	vor.u32 v11, v38  }
0x280: {  	v5 =	vor.u32 v39, v37;
	_ =	sdelay $0x2  }
0x281: {  	s18 =	sadd.s32 $0xFFFFDFA0, s9  }
0x282: {  	[tilespmem:v3+s17+$0x0] =	vst.idx.msk $0xffff, v1;
	v3 =	vor.u32 s18, v2;
	v0 =	vld.idx.msk [tilespmem:v0+s26+$0x0], $0xffff  }
0x283: {  	v1 =	vld.idx.msk [tilespmem:v5+s26+$0x0], $0xffff;
	v5 =	vor.u32 v15, v38;
	_ =	sdelay $0x3  }
0x284: {  	[tilespmem:v3+s17+$0x0] =	vst.idx.msk $0xffff, v0  }
0x285: {  	v3 =	vor.u32 s18, v4;
	v0 =	vld.idx.msk [tilespmem:v5+s26+$0x0], $0xffff  }
0x286: {  	v5 =	vor.u32 v17, v38;
	_ =	sdelay $0x3  }
0x287: {  	[tilespmem:v3+s17+$0x0] =	vst.idx.msk $0xffff, v0  }
0x288: {  	v3 =	vor.u32 s18, v6;
	v0 =	vld.idx.msk [tilespmem:v5+s26+$0x0], $0xffff  }
0x289: {  	v5 =	vor.u32 v7, v38;
	_ =	sdelay $0x3  }
0x28a: {  	[tilespmem:v3+s17+$0x0] =	vst.idx.msk $0xffff, v0  }
0x28b: {  	v3 =	vor.u32 s18, v8;
	v0 =	vld.idx.msk [tilespmem:v5+s26+$0x0], $0xffff  }
0x28c: {  	v5 =	vor.u32 v9, v38;
	_ =	sdelay $0x3  }
0x28d: {  	[tilespmem:v3+s17+$0x0] =	vst.idx.msk $0xffff, v0  }
0x28e: {  	v3 =	vor.u32 s18, v10;
	v0 =	vld.idx.msk [tilespmem:v5+s26+$0x0], $0xffff  }
0x28f: {  	v5 =	vor.u32 v21, v38;
	_ =	sdelay $0x3  }
0x290: {  	[tilespmem:v3+s17+$0x0] =	vst.idx.msk $0xffff, v0  }
0x291: {  	v3 =	vor.u32 s18, v12;
	v0 =	vld.idx.msk [tilespmem:v5+s26+$0x0], $0xffff  }
0x292: {  	v5 =	vor.u32 v39, v38;
	_ =	sdelay $0x1  }
0x293: {  	v7 =	vor.u32 s15, v14  }
0x294: {  	v9 =	vor.u32 v42, v37  }
0x295: {  	[tilespmem:v3+s17+$0x0] =	vst.idx.msk $0xffff, v0  }
0x296: {  	v3 =	vor.u32 s18, v14;
	v0 =	vld.idx.msk [tilespmem:v5+s26+$0x0], $0xffff  }
0x297: {  	v5 =	vor.u32 v42, v38  }
0x298: {  	[tilespmem:v7+s17+$0x0] =	vst.idx.msk $0xffff, v1  }
0x299: {  	v7 =	vor.u32 s15, v16;
	v1 =	vld.idx.msk [tilespmem:v9+s26+$0x0], $0xffff  }
0x29a: {  	v9 =	vor.u32 v43, v37  }
0x29b: {  	[tilespmem:v3+s17+$0x0] =	vst.idx.msk $0xffff, v0  }
0x29c: {  	v3 =	vor.u32 s18, v16;
	v0 =	vld.idx.msk [tilespmem:v5+s26+$0x0], $0xffff  }
0x29d: {  	v5 =	vor.u32 v43, v38  }
0x29e: {  	[tilespmem:v7+s17+$0x0] =	vst.idx.msk $0xffff, v1  }
0x29f: {  	v7 =	vor.u32 s15, v18;
	v1 =	vld.idx.msk [tilespmem:v9+s26+$0x0], $0xffff  }
0x2a0: {  	v9 =	vor.u32 v44, v37  }
0x2a1: {  	[tilespmem:v3+s17+$0x0] =	vst.idx.msk $0xffff, v0  }
0x2a2: {  	v3 =	vor.u32 s18, v18;
	v0 =	vld.idx.msk [tilespmem:v5+s26+$0x0], $0xffff  }
0x2a3: {  	v5 =	vor.u32 v44, v38  }
0x2a4: {  	[tilespmem:v7+s17+$0x0] =	vst.idx.msk $0xffff, v1  }
0x2a5: {  	v7 =	vor.u32 s15, v20;
	v1 =	vld.idx.msk [tilespmem:v9+s26+$0x0], $0xffff  }
0x2a6: {  	v9 =	vor.u32 v45, v37  }
0x2a7: {  	[tilespmem:v3+s17+$0x0] =	vst.idx.msk $0xffff, v0  }
0x2a8: {  	v3 =	vor.u32 s18, v20;
	v0 =	vld.idx.msk [tilespmem:v5+s26+$0x0], $0xffff  }
0x2a9: {  	v5 =	vor.u32 v45, v38  }
0x2aa: {  	[tilespmem:v7+s17+$0x0] =	vst.idx.msk $0xffff, v1  }
0x2ab: {  	v7 =	vor.u32 s15, v22;
	v1 =	vld.idx.msk [tilespmem:v9+s26+$0x0], $0xffff  }
0x2ac: {  	v9 =	vor.u32 v48, v37  }
0x2ad: {  	[tilespmem:v3+s17+$0x0] =	vst.idx.msk $0xffff, v0  }
0x2ae: {  	v3 =	vor.u32 s18, v22;
	v0 =	vld.idx.msk [tilespmem:v5+s26+$0x0], $0xffff  }
0x2af: {  	v5 =	vor.u32 v48, v38  }
0x2b0: {  	[tilespmem:v7+s17+$0x0] =	vst.idx.msk $0xffff, v1  }
0x2b1: {  	v7 =	vor.u32 s15, v24;
	v1 =	vld.idx.msk [tilespmem:v9+s26+$0x0], $0xffff  }
0x2b2: {  	v9 =	vor.u32 v49, v37  }
0x2b3: {  	[tilespmem:v3+s17+$0x0] =	vst.idx.msk $0xffff, v0  }
0x2b4: {  	v3 =	vor.u32 s18, v24;
	v0 =	vld.idx.msk [tilespmem:v5+s26+$0x0], $0xffff  }
0x2b5: {  	v5 =	vor.u32 v49, v38  }
0x2b6: {  	[tilespmem:v7+s17+$0x0] =	vst.idx.msk $0xffff, v1  }
0x2b7: {  	v7 =	vor.u32 s15, v26;
	v1 =	vld.idx.msk [tilespmem:v9+s26+$0x0], $0xffff  }
0x2b8: {  	v9 =	vor.u32 v50, v37  }
0x2b9: {  	[tilespmem:v3+s17+$0x0] =	vst.idx.msk $0xffff, v0  }
0x2ba: {  	v3 =	vor.u32 s18, v26;
	v0 =	vld.idx.msk [tilespmem:v5+s26+$0x0], $0xffff  }
0x2bb: {  	v5 =	vor.u32 v50, v38  }
0x2bc: {  	[tilespmem:v7+s17+$0x0] =	vst.idx.msk $0xffff, v1  }
0x2bd: {  	v7 =	vor.u32 s15, v28;
	v1 =	vld.idx.msk [tilespmem:v9+s26+$0x0], $0xffff  }
0x2be: {  	v9 =	vor.u32 v51, v37  }
0x2bf: {  	[tilespmem:v3+s17+$0x0] =	vst.idx.msk $0xffff, v0  }
0x2c0: {  	v3 =	vor.u32 s18, v28;
	v0 =	vld.idx.msk [tilespmem:v5+s26+$0x0], $0xffff  }
0x2c1: {  	v5 =	vor.u32 v51, v38  }
0x2c2: {  	[tilespmem:v7+s17+$0x0] =	vst.idx.msk $0xffff, v1  }
0x2c3: {  	v7 =	vor.u32 s15, v30;
	v1 =	vld.idx.msk [tilespmem:v9+s26+$0x0], $0xffff  }
0x2c4: {  	v9 =	vor.u32 v52, v37  }
0x2c5: {  	[tilespmem:v3+s17+$0x0] =	vst.idx.msk $0xffff, v0  }
0x2c6: {  	v3 =	vor.u32 s18, v30;
	v0 =	vld.idx.msk [tilespmem:v5+s26+$0x0], $0xffff  }
0x2c7: {  	v5 =	vor.u32 v52, v38  }
0x2c8: {  	[tilespmem:v7+s17+$0x0] =	vst.idx.msk $0xffff, v1  }
0x2c9: {  	v7 =	vor.u32 s15, v40;
	v1 =	vld.idx.msk [tilespmem:v9+s26+$0x0], $0xffff  }
0x2ca: {  	v9 =	vor.u32 v55, v37  }
0x2cb: {  	[tilespmem:v3+s17+$0x0] =	vst.idx.msk $0xffff, v0  }
0x2cc: {  	v3 =	vor.u32 s18, v40;
	v0 =	vld.idx.msk [tilespmem:v5+s26+$0x0], $0xffff  }
0x2cd: {  	v5 =	vor.u32 v55, v38  }
0x2ce: {  	s31 =	sadd.s32 $0xFFFFFF90, s9;
	[tilespmem:v7+s17+$0x0] =	vst.idx.msk $0xffff, v1  }
0x2cf: {  	v7 =	vor.u32 s31, v2;
	v1 =	vld.idx.msk [tilespmem:v9+s26+$0x0], $0xffff  }
0x2d0: {  	v9 =	vor.u32 v53, v37  }
0x2d1: {  	s2 =	sadd.s32 $0xFFFFFFA0, s9;
	[tilespmem:v3+s17+$0x0] =	vst.idx.msk $0xffff, v0  }
0x2d2: {  	v3 =	vor.u32 s2, v2;
	v0 =	vld.idx.msk [tilespmem:v5+s26+$0x0], $0xffff  }
0x2d3: {  	v5 =	vor.u32 v53, v38  }
0x2d4: {  	[tilespmem:v7+s17+$0x0] =	vst.idx.msk $0xffff, v1  }
0x2d5: {  	v7 =	vor.u32 s31, v4;
	v1 =	vld.idx.msk [tilespmem:v9+s26+$0x0], $0xffff  }
0x2d6: {  	v9 =	vor.u32 v54, v37  }
0x2d7: {  	[tilespmem:v3+s17+$0x0] =	vst.idx.msk $0xffff, v0  }
0x2d8: {  	v3 =	vor.u32 s2, v4;
	v0 =	vld.idx.msk [tilespmem:v5+s26+$0x0], $0xffff  }
0x2d9: {  	v5 =	vor.u32 v54, v38  }
0x2da: {  	[tilespmem:v7+s17+$0x0] =	vst.idx.msk $0xffff, v1  }
0x2db: {  	v7 =	vor.u32 s31, v6;
	v1 =	vld.idx.msk [tilespmem:v9+s26+$0x0], $0xffff  }
0x2dc: {  	v9 =	vor.u32 v56, v37  }
0x2dd: {  	[tilespmem:v3+s17+$0x0] =	vst.idx.msk $0xffff, v0  }
0x2de: {  	v3 =	vor.u32 s2, v6;
	v0 =	vld.idx.msk [tilespmem:v5+s26+$0x0], $0xffff  }
0x2df: {  	v5 =	vor.u32 v56, v38  }
0x2e0: {  	[tilespmem:v7+s17+$0x0] =	vst.idx.msk $0xffff, v1  }
0x2e1: {  	v7 =	vor.u32 s31, v8;
	v1 =	vld.idx.msk [tilespmem:v9+s26+$0x0], $0xffff  }
0x2e2: {  	v9 =	vor.u32 v57, v37  }
0x2e3: {  	[tilespmem:v3+s17+$0x0] =	vst.idx.msk $0xffff, v0  }
0x2e4: {  	v3 =	vor.u32 s2, v8;
	v0 =	vld.idx.msk [tilespmem:v5+s26+$0x0], $0xffff  }
0x2e5: {  	v5 =	vor.u32 v57, v38  }
0x2e6: {  	[tilespmem:v7+s17+$0x0] =	vst.idx.msk $0xffff, v1  }
0x2e7: {  	v7 =	vor.u32 s31, v10;
	v1 =	vld.idx.msk [tilespmem:v9+s26+$0x0], $0xffff  }
0x2e8: {  	v9 =	vor.u32 v58, v37  }
0x2e9: {  	[tilespmem:v3+s17+$0x0] =	vst.idx.msk $0xffff, v0  }
0x2ea: {  	v3 =	vor.u32 s2, v10;
	v0 =	vld.idx.msk [tilespmem:v5+s26+$0x0], $0xffff  }
0x2eb: {  	v5 =	vor.u32 v58, v38  }
0x2ec: {  	[tilespmem:v7+s17+$0x0] =	vst.idx.msk $0xffff, v1  }
0x2ed: {  	v7 =	vor.u32 s31, v12;
	v1 =	vld.idx.msk [tilespmem:v9+s26+$0x0], $0xffff  }
0x2ee: {  	v9 =	vor.u32 v59, v37  }
0x2ef: {  	[tilespmem:v3+s17+$0x0] =	vst.idx.msk $0xffff, v0  }
0x2f0: {  	v3 =	vor.u32 s2, v12;
	v0 =	vld.idx.msk [tilespmem:v5+s26+$0x0], $0xffff  }
0x2f1: {  	v5 =	vor.u32 v59, v38  }
0x2f2: {  	[tilespmem:v7+s17+$0x0] =	vst.idx.msk $0xffff, v1  }
0x2f3: {  	v7 =	vor.u32 s31, v14;
	v1 =	vld.idx.msk [tilespmem:v9+s26+$0x0], $0xffff  }
0x2f4: {  	v9 =	vor.u32 v60, v37  }
0x2f5: {  	[tilespmem:v3+s17+$0x0] =	vst.idx.msk $0xffff, v0  }
0x2f6: {  	v3 =	vor.u32 s2, v14;
	v0 =	vld.idx.msk [tilespmem:v5+s26+$0x0], $0xffff  }
0x2f7: {  	v5 =	vor.u32 v60, v38  }
0x2f8: {  	[tilespmem:v7+s17+$0x0] =	vst.idx.msk $0xffff, v1  }
0x2f9: {  	v7 =	vor.u32 s31, v16;
	v1 =	vld.idx.msk [tilespmem:v9+s26+$0x0], $0xffff  }
0x2fa: {  	v9 =	vor.u32 v61, v37  }
0x2fb: {  	[tilespmem:v3+s17+$0x0] =	vst.idx.msk $0xffff, v0  }
0x2fc: {  	v3 =	vor.u32 s2, v16;
	v0 =	vld.idx.msk [tilespmem:v5+s26+$0x0], $0xffff  }
0x2fd: {  	v5 =	vor.u32 v61, v38  }
0x2fe: {  	[tilespmem:v7+s17+$0x0] =	vst.idx.msk $0xffff, v1  }
0x2ff: {  	v7 =	vor.u32 s31, v18;
	v1 =	vld.idx.msk [tilespmem:v9+s26+$0x0], $0xffff  }
0x300: {  	v9 =	vor.u32 v62, v37  }
0x301: {  	[tilespmem:v3+s17+$0x0] =	vst.idx.msk $0xffff, v0  }
0x302: {  	v3 =	vor.u32 s2, v18;
	v0 =	vld.idx.msk [tilespmem:v5+s26+$0x0], $0xffff  }
0x303: {  	v5 =	vor.u32 v62, v38  }
0x304: {  	[tilespmem:v7+s17+$0x0] =	vst.idx.msk $0xffff, v1  }
0x305: {  	v7 =	vor.u32 s31, v20;
	v1 =	vld.idx.msk [tilespmem:v9+s26+$0x0], $0xffff  }
0x306: {  	v9 =	vor.u32 v63, v37  }
0x307: {  	[tilespmem:v3+s17+$0x0] =	vst.idx.msk $0xffff, v0  }
0x308: {  	v3 =	vor.u32 s2, v20;
	v0 =	vld.idx.msk [tilespmem:v5+s26+$0x0], $0xffff  }
0x309: {  	v5 =	vor.u32 v63, v38  }
0x30a: {  	[tilespmem:v7+s17+$0x0] =	vst.idx.msk $0xffff, v1  }
0x30b: {  	v7 =	vor.u32 s31, v22;
	v1 =	vld.idx.msk [tilespmem:v9+s26+$0x0], $0xffff  }
0x30c: {  	v9 =	vor.u32 v32, v37  }
0x30d: {  	[tilespmem:v3+s17+$0x0] =	vst.idx.msk $0xffff, v0  }
0x30e: {  	v3 =	vor.u32 s2, v22;
	v0 =	vld.idx.msk [tilespmem:v5+s26+$0x0], $0xffff  }
0x30f: {  	v5 =	vor.u32 v32, v38  }
0x310: {  	[tilespmem:v7+s17+$0x0] =	vst.idx.msk $0xffff, v1  }
0x311: {  	v7 =	vor.u32 s31, v24;
	v1 =	vld.idx.msk [tilespmem:v9+s26+$0x0], $0xffff  }
0x312: {  	v9 =	vor.u32 v33, v37  }
0x313: {  	[tilespmem:v3+s17+$0x0] =	vst.idx.msk $0xffff, v0  }
0x314: {  	v3 =	vor.u32 s2, v24;
	v0 =	vld.idx.msk [tilespmem:v5+s26+$0x0], $0xffff  }
0x315: {  	v5 =	vor.u32 v33, v38  }
0x316: {  	[tilespmem:v7+s17+$0x0] =	vst.idx.msk $0xffff, v1  }
0x317: {  	v7 =	vor.u32 s31, v26;
	v1 =	vld.idx.msk [tilespmem:v9+s26+$0x0], $0xffff  }
0x318: {  	v9 =	vor.u32 v34, v37  }
0x319: {  	[tilespmem:v3+s17+$0x0] =	vst.idx.msk $0xffff, v0  }
0x31a: {  	v3 =	vor.u32 s2, v26;
	v0 =	vld.idx.msk [tilespmem:v5+s26+$0x0], $0xffff  }
0x31b: {  	v5 =	vor.u32 v34, v38  }
0x31c: {  	[tilespmem:v7+s17+$0x0] =	vst.idx.msk $0xffff, v1  }
0x31d: {  	v7 =	vor.u32 s31, v28;
	v1 =	vld.idx.msk [tilespmem:v9+s26+$0x0], $0xffff  }
0x31e: {  	v9 =	vor.u32 v35, v37  }
0x31f: {  	[tilespmem:v3+s17+$0x0] =	vst.idx.msk $0xffff, v0  }
0x320: {  	v3 =	vor.u32 s2, v28;
	v0 =	vld.idx.msk [tilespmem:v5+s26+$0x0], $0xffff  }
0x321: {  	v49 =	vld [tilespmem:$0x1FFA0];
	v5 =	vor.u32 v35, v38  }
0x322: {  	v53 =	vld [tilespmem:$0x1FFA0];
	[tilespmem:v7+s17+$0x0] =	vst.idx.msk $0xffff, v1  }
0x323: {  	s14 =	sadd.s32 $0xFFFFFFB0, s16;
	v1 =	vor.u32 s31, v30;
	v9 =	vld.idx.msk [tilespmem:v9+s26+$0x0], $0xffff  }
0x324: {  	v51 =	vmov s14;
	v50 =	vld [tilespmem:$0x1FFA0]  }
0x325: {  	v43 =	vor.u32 s2, v30;
	v45 =	vor.u32 s31, v40;
	s14 =	sadd.s32 $0xFFFFFFC0, s16;
	s15 =	sadd.s32 $0xFFFFFFD0, s16;
	[tilespmem:v3+s17+$0x0] =	vst.idx.msk $0xffff, v0;
	v3 =	vshll.u32 v51, $0x5;
	v51 =	vld [tilespmem:$0x1FFA0]  }
0x326: {  	v52 =	vmov s14;
	v54 =	vmov s15;
	v7 =	vor.u32 v36, v37;
	v5 =	vld.idx.msk [tilespmem:v5+s26+$0x0], $0xffff  }
0x327: {  	s31 =	sadd.s32 $0xFFFFFFF0, s16;
	v0 =	vor.u32 v36, v38;
	v37 =	vor.u32 v53, v3;
	v3 =	vshll.u32 v52, $0x5;
	v52 =	vld [tilespmem:$0x1FFA0]  }
0x328: {  	s18 =	sadd.s32 $0xFFFFFFE0, s16;
	[tilespmem:v1+s17+$0x0] =	vst.idx.msk $0xffff, v9;
	v9 =	vmov s31;
	v53 =	vld [tilespmem:$0x1FFA0];
	v38 =	vor.u32 v49, v3;
	v3 =	vshll.u32 v54, $0x5  }
0x329: {  	v55 =	vor.u32 v11, v37;
	v39 =	vor.u32 v50, v3;
	v3 =	vmov s18  }
0x32a: {  	v49 =	vor.u32 v11, v38;
	v1 =	vor.u32 v11, v39;
	v3 =	vshll.u32 v3, $0x5  }
0x32b: {  	v7 =	vld.idx.msk [tilespmem:v7+s26+$0x0], $0xffff;
	v42 =	vor.u32 v51, v3;
	v3 =	vshll.u32 v9, $0x5;
	v9 =	vmov s16  }
0x32c: {  	[tilespmem:v43+s17+$0x0] =	vst.idx.msk $0xffff, v5;
	v5 =	vor.u32 v11, v42;
	v43 =	vor.u32 v52, v3;
	v3 =	vshll.u32 v9, $0x5  }
0x32d: {  	s15 =	sadd.s32 $0xFFFFDFB0, s9;
	v9 =	vor.u32 s2, v40;
	v0 =	vld.idx.msk [tilespmem:v0+s26+$0x0], $0xffff;
	v50 =	vor.u32 v11, v43;
	v44 =	vor.u32 v53, v3  }
0x32e: {  	v48 =	vor.u32 s15, v2;
	s2 =	sadd.s32 $0xFFFFDFC0, s9;
	v3 =	vld.idx.msk [tilespmem:v55+s26+$0x0], $0xffff;
	v51 =	vor.u32 v11, v44  }
0x32f: {  	s13 =	sadd.s32 $0xFFFFDFD0, s9;
	v52 =	vor.u32 v15, v37;
	v53 =	vor.u32 s2, v2;
	v49 =	vld.idx.msk [tilespmem:v49+s26+$0x0], $0xffff  }
0x330: {  	s14 =	sadd.s32 $0xFFFFDFE0, s9;
	v54 =	vor.u32 v15, v38;
	v55 =	vor.u32 s13, v2;
	v1 =	vld.idx.msk [tilespmem:v1+s26+$0x0], $0xffff  }
0x331: {  	s18 =	sadd.s32 $0xFFFFDFF0, s9;
	[tilespmem:v45+s17+$0x0] =	vst.idx.msk $0xffff, v7;
	v7 =	vor.u32 v15, v39;
	v45 =	vor.u32 s14, v2;
	v5 =	vld.idx.msk [tilespmem:v5+s26+$0x0], $0xffff  }
0x332: {  	s31 =	sadd.s32 $0xFFFFE000, s9;
	[tilespmem:v9+s17+$0x0] =	vst.idx.msk $0xffff, v0;
	v0 =	vor.u32 v15, v42;
	v9 =	vld.idx.msk [tilespmem:v50+s26+$0x0], $0xffff;
	v50 =	vor.u32 s18, v2  }
0x333: {  	[tilespmem:v48+s17+$0x0] =	vst.idx.msk $0xffff, v3;
	v3 =	vor.u32 v15, v43;
	v48 =	vld.idx.msk [tilespmem:v51+s26+$0x0], $0xffff;
	v51 =	vor.u32 s31, v2  }
0x334: {  	v11 =	vor.u32 s15, v4;
	v52 =	vld.idx.msk [tilespmem:v52+s26+$0x0], $0xffff;
	[tilespmem:v53+s17+$0x0] =	vst.idx.msk $0xffff, v49;
	v49 =	vor.u32 v15, v44  }
0x335: {  	v53 =	vor.u32 v17, v37;
	v54 =	vld.idx.msk [tilespmem:v54+s26+$0x0], $0xffff;
	[tilespmem:v55+s17+$0x0] =	vst.idx.msk $0xffff, v1;
	v1 =	vor.u32 s2, v4  }
0x336: {  	v55 =	vor.u32 v17, v38;
	v7 =	vld.idx.msk [tilespmem:v7+s26+$0x0], $0xffff;
	[tilespmem:v45+s17+$0x0] =	vst.idx.msk $0xffff, v5;
	v5 =	vor.u32 s13, v4  }
0x337: {  	v45 =	vor.u32 v17, v39;
	v0 =	vld.idx.msk [tilespmem:v0+s26+$0x0], $0xffff;
	[tilespmem:v50+s17+$0x0] =	vst.idx.msk $0xffff, v9;
	v9 =	vor.u32 s14, v4  }
0x338: {  	v50 =	vor.u32 v17, v42;
	v3 =	vld.idx.msk [tilespmem:v3+s26+$0x0], $0xffff;
	[tilespmem:v51+s17+$0x0] =	vst.idx.msk $0xffff, v48;
	v48 =	vor.u32 s18, v4  }
0x339: {  	[tilespmem:v11+s17+$0x0] =	vst.idx.msk $0xffff, v52;
	v11 =	vor.u32 v17, v43;
	v51 =	vor.u32 s31, v4;
	v49 =	vld.idx.msk [tilespmem:v49+s26+$0x0], $0xffff  }
0x33a: {  	v52 =	vld.idx.msk [tilespmem:v53+s26+$0x0], $0xffff;
	v53 =	vor.u32 s15, v6;
	[tilespmem:v1+s17+$0x0] =	vst.idx.msk $0xffff, v54;
	v1 =	vor.u32 v17, v44  }
0x33b: {  	v54 =	vor.u32 v19, v37;
	v55 =	vld.idx.msk [tilespmem:v55+s26+$0x0], $0xffff;
	[tilespmem:v5+s17+$0x0] =	vst.idx.msk $0xffff, v7;
	v5 =	vor.u32 s2, v6  }
0x33c: {  	v7 =	vor.u32 v19, v38;
	v45 =	vld.idx.msk [tilespmem:v45+s26+$0x0], $0xffff;
	[tilespmem:v9+s17+$0x0] =	vst.idx.msk $0xffff, v0;
	v0 =	vor.u32 s13, v6  }
0x33d: {  	v9 =	vor.u32 v19, v39;
	v50 =	vld.idx.msk [tilespmem:v50+s26+$0x0], $0xffff;
	[tilespmem:v48+s17+$0x0] =	vst.idx.msk $0xffff, v3;
	v3 =	vor.u32 s14, v6  }
0x33e: {  	v48 =	vor.u32 v19, v42;
	v11 =	vld.idx.msk [tilespmem:v11+s26+$0x0], $0xffff;
	[tilespmem:v51+s17+$0x0] =	vst.idx.msk $0xffff, v49;
	v49 =	vor.u32 s18, v6  }
0x33f: {  	[tilespmem:v53+s17+$0x0] =	vst.idx.msk $0xffff, v52;
	v51 =	vor.u32 v19, v43;
	v52 =	vor.u32 s31, v6;
	v1 =	vld.idx.msk [tilespmem:v1+s26+$0x0], $0xffff  }
0x340: {  	v53 =	vld.idx.msk [tilespmem:v54+s26+$0x0], $0xffff;
	v54 =	vor.u32 s15, v8;
	[tilespmem:v5+s17+$0x0] =	vst.idx.msk $0xffff, v55;
	v5 =	vor.u32 v19, v44  }
0x341: {  	v55 =	vor.u32 v13, v37;
	v7 =	vld.idx.msk [tilespmem:v7+s26+$0x0], $0xffff;
	[tilespmem:v0+s17+$0x0] =	vst.idx.msk $0xffff, v45;
	v0 =	vor.u32 s2, v8  }
0x342: {  	v45 =	vor.u32 v13, v38;
	v9 =	vld.idx.msk [tilespmem:v9+s26+$0x0], $0xffff;
	[tilespmem:v3+s17+$0x0] =	vst.idx.msk $0xffff, v50;
	v3 =	vor.u32 s13, v8  }
0x343: {  	v50 =	vor.u32 v13, v39;
	v48 =	vld.idx.msk [tilespmem:v48+s26+$0x0], $0xffff;
	[tilespmem:v49+s17+$0x0] =	vst.idx.msk $0xffff, v11;
	v11 =	vor.u32 s14, v8  }
0x344: {  	v49 =	vor.u32 v13, v42;
	v51 =	vld.idx.msk [tilespmem:v51+s26+$0x0], $0xffff;
	[tilespmem:v52+s17+$0x0] =	vst.idx.msk $0xffff, v1;
	v1 =	vor.u32 s18, v8  }
0x345: {  	[tilespmem:v54+s17+$0x0] =	vst.idx.msk $0xffff, v53;
	v52 =	vor.u32 v13, v43;
	v53 =	vor.u32 s31, v8;
	v5 =	vld.idx.msk [tilespmem:v5+s26+$0x0], $0xffff  }
0x346: {  	v54 =	vld.idx.msk [tilespmem:v55+s26+$0x0], $0xffff;
	v55 =	vor.u32 s15, v10;
	[tilespmem:v0+s17+$0x0] =	vst.idx.msk $0xffff, v7;
	v0 =	vor.u32 v13, v44  }
0x347: {  	v7 =	vor.u32 v21, v37;
	v45 =	vld.idx.msk [tilespmem:v45+s26+$0x0], $0xffff;
	[tilespmem:v3+s17+$0x0] =	vst.idx.msk $0xffff, v9  }
0x348: {  	v3 =	vor.u32 s2, v10;
	v50 =	vld.idx.msk [tilespmem:v50+s26+$0x0], $0xffff;
	[tilespmem:v11+s17+$0x0] =	vst.idx.msk $0xffff, v48  }
0x349: {  	v9 =	vor.u32 v21, v38;
	v49 =	vld.idx.msk [tilespmem:v49+s26+$0x0], $0xffff;
	[tilespmem:v1+s17+$0x0] =	vst.idx.msk $0xffff, v51  }
0x34a: {  	v11 =	vor.u32 s13, v10;
	v52 =	vld.idx.msk [tilespmem:v52+s26+$0x0], $0xffff;
	[tilespmem:v53+s17+$0x0] =	vst.idx.msk $0xffff, v5  }
0x34b: {  	v48 =	vor.u32 v21, v39;
	[tilespmem:v55+s17+$0x0] =	vst.idx.msk $0xffff, v54;
	v0 =	vld.idx.msk [tilespmem:v0+s26+$0x0], $0xffff  }
0x34c: {  	v1 =	vor.u32 s14, v10;
	v7 =	vld.idx.msk [tilespmem:v7+s26+$0x0], $0xffff  }
0x34d: {  	v51 =	vor.u32 v21, v42;
	[tilespmem:v3+s17+$0x0] =	vst.idx.msk $0xffff, v45;
	v45 =	vld [tilespmem:$0x1FFB0]  }
0x34e: {  	v5 =	vor.u32 s18, v10;
	v9 =	vld.idx.msk [tilespmem:v9+s26+$0x0], $0xffff  }
0x34f: {  	v53 =	vor.u32 v21, v43;
	v54 =	vor.u32 s31, v10;
	[tilespmem:v11+s17+$0x0] =	vst.idx.msk $0xffff, v50;
	v50 =	vld [tilespmem:$0x1FFB0]  }
0x350: {  	v55 =	vor.u32 s15, v12;
	v48 =	vld.idx.msk [tilespmem:v48+s26+$0x0], $0xffff  }
0x351: {  	v3 =	vor.u32 v21, v44;
	[tilespmem:v1+s17+$0x0] =	vst.idx.msk $0xffff, v49;
	v49 =	vld [tilespmem:$0x1FFB0]  }
0x352: {  	v11 =	vor.u32 s2, v12;
	v51 =	vld.idx.msk [tilespmem:v51+s26+$0x0], $0xffff  }
0x353: {  	[tilespmem:v5+s17+$0x0] =	vst.idx.msk $0xffff, v52;
	v52 =	vld [tilespmem:$0x1FFB0]  }
0x354: {  	v1 =	vor.u32 s13, v12;
	v53 =	vld.idx.msk [tilespmem:v53+s26+$0x0], $0xffff;
	[tilespmem:v54+s17+$0x0] =	vst.idx.msk $0xffff, v0  }
0x355: {  	v5 =	vor.u32 s14, v12;
	[tilespmem:v55+s17+$0x0] =	vst.idx.msk $0xffff, v7;
	v7 =	vld [tilespmem:$0x1FFB0]  }
0x356: {  	v0 =	vor.u32 s18, v12;
	v3 =	vld.idx.msk [tilespmem:v3+s26+$0x0], $0xffff  }
0x357: {  	v45 =	vor.u32 v45, v37;
	[tilespmem:v11+s17+$0x0] =	vst.idx.msk $0xffff, v9;
	v9 =	vld [tilespmem:$0x1FFB0]  }
0x358: {  	v54 =	vor.u32 s31, v12;
	v11 =	vld [tilespmem:$0x1FFC0]  }
0x359: {  	v50 =	vor.u32 v50, v38;
	[tilespmem:v1+s17+$0x0] =	vst.idx.msk $0xffff, v48;
	v48 =	vld [tilespmem:$0x1FFC0]  }
0x35a: {  	v49 =	vor.u32 v49, v39;
	[tilespmem:v5+s17+$0x0] =	vst.idx.msk $0xffff, v51;
	v51 =	vld [tilespmem:$0x1FFC0]  }
0x35b: {  	v52 =	vor.u32 v52, v42;
	[tilespmem:v0+s17+$0x0] =	vst.idx.msk $0xffff, v53;
	v53 =	vld [tilespmem:$0x1FFC0]  }
0x35c: {  	v7 =	vor.u32 v7, v43;
	v45 =	vld.idx.msk [tilespmem:v45+s26+$0x0], $0xffff  }
0x35d: {  	v55 =	vor.u32 s15, v14;
	[tilespmem:v54+s17+$0x0] =	vst.idx.msk $0xffff, v3;
	v54 =	vld [tilespmem:$0x1FFC0];
	v9 =	vor.u32 v9, v44  }
0x35e: {  	v11 =	vor.u32 v11, v37;
	v50 =	vld.idx.msk [tilespmem:v50+s26+$0x0], $0xffff  }
0x35f: {  	v1 =	vor.u32 s2, v14;
	v49 =	vld.idx.msk [tilespmem:v49+s26+$0x0], $0xffff  }
0x360: {  	v52 =	vld.idx.msk [tilespmem:v52+s26+$0x0], $0xffff  }
0x361: {  	v48 =	vor.u32 v48, v38;
	v7 =	vld.idx.msk [tilespmem:v7+s26+$0x0], $0xffff  }
0x362: {  	v5 =	vor.u32 s13, v14;
	[tilespmem:v55+s17+$0x0] =	vst.idx.msk $0xffff, v45;
	v9 =	vld.idx.msk [tilespmem:v9+s26+$0x0], $0xffff  }
0x363: {  	v51 =	vor.u32 v51, v39;
	v11 =	vld.idx.msk [tilespmem:v11+s26+$0x0], $0xffff  }
0x364: {  	v0 =	vor.u32 s14, v14;
	[tilespmem:v1+s17+$0x0] =	vst.idx.msk $0xffff, v50;
	v1 =	vld [tilespmem:$0x1FFC0]  }
0x365: {  	v53 =	vor.u32 v53, v42;
	v50 =	vld [tilespmem:$0x1FFE0]  }
0x366: {  	v3 =	vor.u32 s18, v14;
	v48 =	vld.idx.msk [tilespmem:v48+s26+$0x0], $0xffff  }
0x367: {  	v45 =	vor.u32 v54, v43;
	[tilespmem:v5+s17+$0x0] =	vst.idx.msk $0xffff, v49;
	v49 =	vld [tilespmem:$0x1FFE0]  }
0x368: {  	v55 =	vor.u32 s15, v16;
	v51 =	vld.idx.msk [tilespmem:v51+s26+$0x0], $0xffff  }
0x369: {  	v5 =	vor.u32 s2, v16;
	[tilespmem:v0+s17+$0x0] =	vst.idx.msk $0xffff, v52;
	v52 =	vld [tilespmem:$0x1FFE0]  }
0x36a: {  	v54 =	vor.u32 s31, v14;
	v53 =	vld.idx.msk [tilespmem:v53+s26+$0x0], $0xffff  }
0x36b: {  	v0 =	vor.u32 s13, v16;
	[tilespmem:v3+s17+$0x0] =	vst.idx.msk $0xffff, v7;
	v7 =	vld [tilespmem:$0x1FFE0]  }
0x36c: {  	v45 =	vld.idx.msk [tilespmem:v45+s26+$0x0], $0xffff;
	v50 =	vor.u32 v50, v37  }
0x36d: {  	[tilespmem:v55+s17+$0x0] =	vst.idx.msk $0xffff, v11;
	v11 =	vld [tilespmem:$0x1FFE0];
	v49 =	vor.u32 v49, v38  }
0x36e: {  	v3 =	vor.u32 s14, v16;
	[tilespmem:v5+s17+$0x0] =	vst.idx.msk $0xffff, v48;
	v5 =	vld [tilespmem:$0x1FFE0]  }
0x36f: {  	v1 =	vor.u32 v1, v44;
	[tilespmem:v54+s17+$0x0] =	vst.idx.msk $0xffff, v9;
	v48 =	vld [tilespmem:$0x1FFF0]  }
0x370: {  	v9 =	vor.u32 s18, v16;
	[tilespmem:v0+s17+$0x0] =	vst.idx.msk $0xffff, v51;
	v51 =	vld [tilespmem:$0x1FFF0]  }
0x371: {  	v55 =	vor.u32 s15, v18;
	v50 =	vld.idx.msk [tilespmem:v50+s26+$0x0], $0xffff  }
0x372: {  	v0 =	vor.u32 s2, v18;
	v49 =	vld.idx.msk [tilespmem:v49+s26+$0x0], $0xffff  }
0x373: {  	v52 =	vor.u32 v52, v39;
	[tilespmem:v3+s17+$0x0] =	vst.idx.msk $0xffff, v53;
	v53 =	vld [tilespmem:$0x1FFF0]  }
0x374: {  	v7 =	vor.u32 v7, v42;
	v1 =	vld.idx.msk [tilespmem:v1+s26+$0x0], $0xffff  }
0x375: {  	v54 =	vor.u32 s31, v16;
	v11 =	vor.u32 v11, v43;
	[tilespmem:v9+s17+$0x0] =	vst.idx.msk $0xffff, v45;
	v45 =	vld [tilespmem:$0x1FFF0]  }
0x376: {  	v5 =	vor.u32 v5, v44;
	[tilespmem:v55+s17+$0x0] =	vst.idx.msk $0xffff, v50;
	v55 =	vld [tilespmem:$0x1FFF0]  }
0x377: {  	v48 =	vor.u32 v48, v37;
	[tilespmem:v0+s17+$0x0] =	vst.idx.msk $0xffff, v49;
	v0 =	vld [tilespmem:$0x1FFF0]  }
0x378: {  	v3 =	vor.u32 s13, v18;
	v51 =	vor.u32 v51, v38;
	v52 =	vld.idx.msk [tilespmem:v52+s26+$0x0], $0xffff  }
0x379: {  	v9 =	vor.u32 s14, v18;
	v53 =	vor.u32 v53, v39;
	v7 =	vld.idx.msk [tilespmem:v7+s26+$0x0], $0xffff  }
0x37a: {  	v45 =	vor.u32 v45, v42;
	v11 =	vld.idx.msk [tilespmem:v11+s26+$0x0], $0xffff;
	[tilespmem:v54+s17+$0x0] =	vst.idx.msk $0xffff, v1;
	v1 =	vor.u32 s18, v18  }
0x37b: {  	v54 =	vor.u32 s31, v18;
	v5 =	vld.idx.msk [tilespmem:v5+s26+$0x0], $0xffff;
	v50 =	vor.u32 v55, v43  }
0x37c: {  	v48 =	vld.idx.msk [tilespmem:v48+s26+$0x0], $0xffff;
	v55 =	vor.u32 s15, v20;
	v0 =	vor.u32 v0, v44  }
0x37d: {  	v49 =	vor.u32 v31, v37;
	v51 =	vld.idx.msk [tilespmem:v51+s26+$0x0], $0xffff;
	[tilespmem:v3+s17+$0x0] =	vst.idx.msk $0xffff, v52;
	v3 =	vor.u32 s2, v20  }
0x37e: {  	v52 =	vor.u32 v31, v38;
	v53 =	vld.idx.msk [tilespmem:v53+s26+$0x0], $0xffff;
	[tilespmem:v9+s17+$0x0] =	vst.idx.msk $0xffff, v7;
	v7 =	vor.u32 s13, v20  }
0x37f: {  	v9 =	vor.u32 v31, v39;
	v45 =	vld.idx.msk [tilespmem:v45+s26+$0x0], $0xffff;
	[tilespmem:v1+s17+$0x0] =	vst.idx.msk $0xffff, v11;
	v1 =	vor.u32 s14, v20  }
0x380: {  	v11 =	vor.u32 v31, v42;
	[tilespmem:v54+s17+$0x0] =	vst.idx.msk $0xffff, v5;
	v5 =	vor.u32 s18, v20;
	v50 =	vld.idx.msk [tilespmem:v50+s26+$0x0], $0xffff  }
0x381: {  	v54 =	vor.u32 s31, v20;
	[tilespmem:v55+s17+$0x0] =	vst.idx.msk $0xffff, v48;
	v48 =	vor.u32 v31, v43;
	v0 =	vld.idx.msk [tilespmem:v0+s26+$0x0], $0xffff  }
0x382: {  	[tilespmem:v3+s17+$0x0] =	vst.idx.msk $0xffff, v51;
	v3 =	vor.u32 v31, v44;
	v55 =	vor.u32 s15, v22;
	v49 =	vld.idx.msk [tilespmem:v49+s26+$0x0], $0xffff  }
0x383: {  	v51 =	vor.u32 v41, v37;
	v52 =	vld.idx.msk [tilespmem:v52+s26+$0x0], $0xffff;
	[tilespmem:v7+s17+$0x0] =	vst.idx.msk $0xffff, v53;
	v7 =	vor.u32 s2, v22  }
0x384: {  	v53 =	vor.u32 v41, v38;
	v9 =	vld.idx.msk [tilespmem:v9+s26+$0x0], $0xffff;
	[tilespmem:v1+s17+$0x0] =	vst.idx.msk $0xffff, v45;
	v1 =	vor.u32 s13, v22  }
0x385: {  	v45 =	vor.u32 v41, v39;
	v11 =	vld.idx.msk [tilespmem:v11+s26+$0x0], $0xffff;
	[tilespmem:v5+s17+$0x0] =	vst.idx.msk $0xffff, v50;
	v5 =	vor.u32 s14, v22  }
0x386: {  	v50 =	vor.u32 v41, v42;
	v48 =	vld.idx.msk [tilespmem:v48+s26+$0x0], $0xffff;
	[tilespmem:v54+s17+$0x0] =	vst.idx.msk $0xffff, v0;
	v0 =	vor.u32 s18, v22  }
0x387: {  	[tilespmem:v55+s17+$0x0] =	vst.idx.msk $0xffff, v49;
	v49 =	vor.u32 v41, v43;
	v54 =	vor.u32 s31, v22;
	v3 =	vld.idx.msk [tilespmem:v3+s26+$0x0], $0xffff  }
0x388: {  	[tilespmem:v7+s17+$0x0] =	vst.idx.msk $0xffff, v52;
	v7 =	vor.u32 v41, v44;
	v55 =	vor.u32 s15, v24;
	v51 =	vld.idx.msk [tilespmem:v51+s26+$0x0], $0xffff  }
0x389: {  	v52 =	vor.u32 v46, v37;
	v53 =	vld.idx.msk [tilespmem:v53+s26+$0x0], $0xffff;
	[tilespmem:v1+s17+$0x0] =	vst.idx.msk $0xffff, v9;
	v1 =	vor.u32 s2, v24  }
0x38a: {  	v9 =	vor.u32 v46, v38;
	v45 =	vld.idx.msk [tilespmem:v45+s26+$0x0], $0xffff;
	[tilespmem:v5+s17+$0x0] =	vst.idx.msk $0xffff, v11;
	v5 =	vor.u32 s13, v24  }
0x38b: {  	v11 =	vor.u32 v46, v39;
	v50 =	vld.idx.msk [tilespmem:v50+s26+$0x0], $0xffff;
	[tilespmem:v0+s17+$0x0] =	vst.idx.msk $0xffff, v48;
	v0 =	vor.u32 s14, v24  }
0x38c: {  	v48 =	vor.u32 v46, v42;
	v49 =	vld.idx.msk [tilespmem:v49+s26+$0x0], $0xffff;
	[tilespmem:v54+s17+$0x0] =	vst.idx.msk $0xffff, v3;
	v3 =	vor.u32 s18, v24  }
0x38d: {  	[tilespmem:v55+s17+$0x0] =	vst.idx.msk $0xffff, v51;
	v51 =	vor.u32 v46, v43;
	v54 =	vor.u32 s31, v24;
	v7 =	vld.idx.msk [tilespmem:v7+s26+$0x0], $0xffff  }
0x38e: {  	[tilespmem:v1+s17+$0x0] =	vst.idx.msk $0xffff, v53;
	v1 =	vor.u32 v46, v44;
	v55 =	vor.u32 s15, v26;
	v52 =	vld.idx.msk [tilespmem:v52+s26+$0x0], $0xffff  }
0x38f: {  	v53 =	vor.u32 v47, v37;
	v9 =	vld.idx.msk [tilespmem:v9+s26+$0x0], $0xffff;
	[tilespmem:v5+s17+$0x0] =	vst.idx.msk $0xffff, v45;
	v5 =	vor.u32 s2, v26  }
0x390: {  	v45 =	vor.u32 v47, v38;
	v11 =	vld.idx.msk [tilespmem:v11+s26+$0x0], $0xffff;
	[tilespmem:v0+s17+$0x0] =	vst.idx.msk $0xffff, v50;
	v0 =	vor.u32 s13, v26  }
0x391: {  	v50 =	vor.u32 v47, v39;
	v48 =	vld.idx.msk [tilespmem:v48+s26+$0x0], $0xffff;
	[tilespmem:v3+s17+$0x0] =	vst.idx.msk $0xffff, v49;
	v3 =	vor.u32 s14, v26  }
0x392: {  	v49 =	vor.u32 v47, v42;
	v51 =	vld.idx.msk [tilespmem:v51+s26+$0x0], $0xffff;
	[tilespmem:v54+s17+$0x0] =	vst.idx.msk $0xffff, v7;
	v7 =	vor.u32 s18, v26  }
0x393: {  	[tilespmem:v55+s17+$0x0] =	vst.idx.msk $0xffff, v52;
	v52 =	vor.u32 v47, v43;
	v54 =	vor.u32 s31, v26;
	v1 =	vld.idx.msk [tilespmem:v1+s26+$0x0], $0xffff  }
0x394: {  	v55 =	vor.u32 s15, v28;
	v53 =	vld.idx.msk [tilespmem:v53+s26+$0x0], $0xffff;
	[tilespmem:v5+s17+$0x0] =	vst.idx.msk $0xffff, v9;
	v5 =	vor.u32 v47, v44  }
0x395: {  	v9 =	vor.u32 v23, v37;
	v45 =	vld.idx.msk [tilespmem:v45+s26+$0x0], $0xffff;
	[tilespmem:v0+s17+$0x0] =	vst.idx.msk $0xffff, v11;
	v0 =	vor.u32 s2, v28  }
0x396: {  	v11 =	vor.u32 v23, v38;
	v50 =	vld.idx.msk [tilespmem:v50+s26+$0x0], $0xffff;
	[tilespmem:v3+s17+$0x0] =	vst.idx.msk $0xffff, v48;
	v3 =	vor.u32 s13, v28  }
0x397: {  	v48 =	vor.u32 v23, v39;
	v49 =	vld.idx.msk [tilespmem:v49+s26+$0x0], $0xffff;
	[tilespmem:v7+s17+$0x0] =	vst.idx.msk $0xffff, v51;
	v7 =	vor.u32 s14, v28  }
0x398: {  	v51 =	vor.u32 v23, v42;
	v52 =	vld.idx.msk [tilespmem:v52+s26+$0x0], $0xffff;
	[tilespmem:v54+s17+$0x0] =	vst.idx.msk $0xffff, v1;
	v1 =	vor.u32 s18, v28  }
0x399: {  	[tilespmem:v55+s17+$0x0] =	vst.idx.msk $0xffff, v53;
	v53 =	vor.u32 v23, v43;
	v54 =	vor.u32 s31, v28;
	v5 =	vld.idx.msk [tilespmem:v5+s26+$0x0], $0xffff  }
0x39a: {  	v55 =	vor.u32 s15, v30;
	v9 =	vld.idx.msk [tilespmem:v9+s26+$0x0], $0xffff;
	[tilespmem:v0+s17+$0x0] =	vst.idx.msk $0xffff, v45;
	v0 =	vor.u32 v23, v44  }
0x39b: {  	v45 =	vor.u32 v25, v37;
	v11 =	vld.idx.msk [tilespmem:v11+s26+$0x0], $0xffff;
	[tilespmem:v3+s17+$0x0] =	vst.idx.msk $0xffff, v50;
	v3 =	vor.u32 s2, v30  }
0x39c: {  	v48 =	vld.idx.msk [tilespmem:v48+s26+$0x0], $0xffff;
	[tilespmem:v7+s17+$0x0] =	vst.idx.msk $0xffff, v49;
	v7 =	vor.u32 s13, v30  }
0x39d: {  	v51 =	vld.idx.msk [tilespmem:v51+s26+$0x0], $0xffff;
	[tilespmem:v1+s17+$0x0] =	vst.idx.msk $0xffff, v52;
	v1 =	vor.u32 s14, v30  }
0x39e: {  	v53 =	vld.idx.msk [tilespmem:v53+s26+$0x0], $0xffff;
	[tilespmem:v54+s17+$0x0] =	vst.idx.msk $0xffff, v5;
	v5 =	vor.u32 s18, v30  }
0x39f: {  	[tilespmem:v55+s17+$0x0] =	vst.idx.msk $0xffff, v9;
	v54 =	vor.u32 s31, v30;
	v0 =	vld.idx.msk [tilespmem:v0+s26+$0x0], $0xffff  }
0x3a0: {  	v55 =	vor.u32 s15, v40;
	[tilespmem:v3+s17+$0x0] =	vst.idx.msk $0xffff, v11;
	v3 =	vld.idx.msk [tilespmem:v45+s26+$0x0], $0xffff  }
0x3a1: {  	v50 =	vor.u32 v25, v38;
	[tilespmem:v7+s17+$0x0] =	vst.idx.msk $0xffff, v48;
	v7 =	vld [tilespmem:$0x1FFD0]  }
0x3a2: {  	v49 =	vor.u32 v25, v39;
	[tilespmem:v1+s17+$0x0] =	vst.idx.msk $0xffff, v51;
	v1 =	vld [tilespmem:$0x1FFD0]  }
0x3a3: {  	v52 =	vor.u32 v25, v42;
	[tilespmem:v5+s17+$0x0] =	vst.idx.msk $0xffff, v53;
	v5 =	vld [tilespmem:$0x1FFD0]  }
0x3a4: {  	v9 =	vor.u32 v25, v43;
	[tilespmem:v54+s17+$0x0] =	vst.idx.msk $0xffff, v0;
	v0 =	vld [tilespmem:$0x1FFD0]  }
0x3a5: {  	v11 =	vor.u32 v25, v44;
	[tilespmem:v55+s17+$0x0] =	vst.idx.msk $0xffff, v3;
	v55 =	vld [tilespmem:$0x1FFD0]  }
0x3a6: {  	v45 =	vld.idx.msk [tilespmem:v50+s26+$0x0], $0xffff;
	v48 =	vor.u32 s2, v40;
	v7 =	vor.u32 v7, v37  }
0x3a7: {  	v50 =	vor.u32 s13, v40;
	v49 =	vld.idx.msk [tilespmem:v49+s26+$0x0], $0xffff;
	v1 =	vor.u32 v1, v38  }
0x3a8: {  	v51 =	vld.idx.msk [tilespmem:v52+s26+$0x0], $0xffff;
	v52 =	vor.u32 s14, v40;
	v5 =	vor.u32 v5, v39  }
0x3a9: {  	v53 =	vor.u32 s18, v40;
	v9 =	vld.idx.msk [tilespmem:v9+s26+$0x0], $0xffff;
	v0 =	vor.u32 v0, v42  }
0x3aa: {  	s13 =	sadd.s32 $0xFFFFFFB0, s9;
	v54 =	vor.u32 s31, v40;
	v11 =	vld.idx.msk [tilespmem:v11+s26+$0x0], $0xffff;
	v3 =	vor.u32 v55, v43  }
0x3ab: {  	s14 =	sadd.s32 $0xFFFFFFC0, s9;
	[tilespmem:v48+s17+$0x0] =	vst.idx.msk $0xffff, v45;
	v45 =	vor.u32 s13, v2;
	v48 =	vor.u32 v55, v44;
	v7 =	vld.idx.msk [tilespmem:v7+s26+$0x0], $0xffff  }
0x3ac: {  	s15 =	sadd.s32 $0xFFFFFFD0, s9;
	[tilespmem:v50+s17+$0x0] =	vst.idx.msk $0xffff, v49;
	v49 =	vor.u32 v27, v37;
	v50 =	vor.u32 s14, v2;
	v1 =	vld.idx.msk [tilespmem:v1+s26+$0x0], $0xffff  }
0x3ad: {  	s18 =	sadd.s32 $0xFFFFFFE0, s9;
	[tilespmem:v52+s17+$0x0] =	vst.idx.msk $0xffff, v51;
	v51 =	vor.u32 v27, v38;
	v52 =	vor.u32 s15, v2;
	v5 =	vld.idx.msk [tilespmem:v5+s26+$0x0], $0xffff  }
0x3ae: {  	s31 =	sadd.s32 $0xFFFFFFF0, s9;
	[tilespmem:v53+s17+$0x0] =	vst.idx.msk $0xffff, v9;
	v9 =	vor.u32 v27, v39;
	v53 =	vor.u32 s18, v2;
	v0 =	vld.idx.msk [tilespmem:v0+s26+$0x0], $0xffff  }
0x3af: {  	[tilespmem:v54+s17+$0x0] =	vst.idx.msk $0xffff, v11;
	v11 =	vor.u32 v27, v42;
	v54 =	vor.u32 s31, v2;
	v3 =	vld.idx.msk [tilespmem:v3+s26+$0x0], $0xffff  }
0x3b0: {  	[tilespmem:v45+s17+$0x0] =	vst.idx.msk $0xffff, v7;
	v7 =	vor.u32 v27, v43;
	v45 =	vld.idx.msk [tilespmem:v48+s26+$0x0], $0xffff;
	v48 =	vor.u32 s9, v2  }
0x3b1: {  	v49 =	vld.idx.msk [tilespmem:v49+s26+$0x0], $0xffff;
	[tilespmem:v50+s17+$0x0] =	vst.idx.msk $0xffff, v1;
	v1 =	vor.u32 s13, v4;
	v50 =	vor.u32 v27, v44  }
0x3b2: {  	[tilespmem:v52+s17+$0x0] =	vst.idx.msk $0xffff, v5;
	v5 =	vor.u32 v29, v37;
	v51 =	vld.idx.msk [tilespmem:v51+s26+$0x0], $0xffff;
	v52 =	vor.u32 s14, v4  }
0x3b3: {  	[tilespmem:v53+s17+$0x0] =	vst.idx.msk $0xffff, v0;
	v0 =	vor.u32 v29, v38;
	v9 =	vld.idx.msk [tilespmem:v9+s26+$0x0], $0xffff;
	v53 =	vor.u32 s15, v4  }
0x3b4: {  	[tilespmem:v54+s17+$0x0] =	vst.idx.msk $0xffff, v3;
	v3 =	vor.u32 v29, v39;
	v11 =	vld.idx.msk [tilespmem:v11+s26+$0x0], $0xffff;
	v54 =	vor.u32 s18, v4  }
0x3b5: {  	[tilespmem:v48+s17+$0x0] =	vst.idx.msk $0xffff, v45;
	v45 =	vor.u32 v29, v42;
	v7 =	vld.idx.msk [tilespmem:v7+s26+$0x0], $0xffff;
	v48 =	vor.u32 s31, v4  }
0x3b6: {  	[tilespmem:v1+s17+$0x0] =	vst.idx.msk $0xffff, v49;
	v1 =	vor.u32 v29, v43;
	v49 =	vld.idx.msk [tilespmem:v50+s26+$0x0], $0xffff;
	v50 =	vor.u32 s9, v4  }
0x3b7: {  	v5 =	vld.idx.msk [tilespmem:v5+s26+$0x0], $0xffff;
	[tilespmem:v52+s17+$0x0] =	vst.idx.msk $0xffff, v51;
	v51 =	vor.u32 s13, v6;
	v52 =	vor.u32 v29, v44  }
0x3b8: {  	[tilespmem:v53+s17+$0x0] =	vst.idx.msk $0xffff, v9;
	v9 =	vor.u32 v56, v37;
	v0 =	vld.idx.msk [tilespmem:v0+s26+$0x0], $0xffff;
	v53 =	vor.u32 s14, v6  }
0x3b9: {  	[tilespmem:v54+s17+$0x0] =	vst.idx.msk $0xffff, v11;
	v11 =	vor.u32 v56, v38;
	v3 =	vld.idx.msk [tilespmem:v3+s26+$0x0], $0xffff;
	v54 =	vor.u32 s15, v6  }
0x3ba: {  	[tilespmem:v48+s17+$0x0] =	vst.idx.msk $0xffff, v7;
	v7 =	vor.u32 v56, v39;
	v45 =	vld.idx.msk [tilespmem:v45+s26+$0x0], $0xffff;
	v48 =	vor.u32 s18, v6  }
0x3bb: {  	[tilespmem:v50+s17+$0x0] =	vst.idx.msk $0xffff, v49;
	v49 =	vor.u32 v56, v42;
	v1 =	vld.idx.msk [tilespmem:v1+s26+$0x0], $0xffff;
	v50 =	vor.u32 s31, v6  }
0x3bc: {  	[tilespmem:v51+s17+$0x0] =	vst.idx.msk $0xffff, v5;
	v5 =	vor.u32 v56, v43;
	v51 =	vld.idx.msk [tilespmem:v52+s26+$0x0], $0xffff;
	v52 =	vor.u32 s9, v6  }
0x3bd: {  	v9 =	vld.idx.msk [tilespmem:v9+s26+$0x0], $0xffff;
	[tilespmem:v53+s17+$0x0] =	vst.idx.msk $0xffff, v0;
	v0 =	vor.u32 s13, v8;
	v53 =	vor.u32 v56, v44  }
0x3be: {  	[tilespmem:v54+s17+$0x0] =	vst.idx.msk $0xffff, v3;
	v3 =	vor.u32 v57, v37;
	v11 =	vld.idx.msk [tilespmem:v11+s26+$0x0], $0xffff;
	v54 =	vor.u32 s14, v8  }
0x3bf: {  	[tilespmem:v48+s17+$0x0] =	vst.idx.msk $0xffff, v45;
	v45 =	vor.u32 v57, v38;
	v7 =	vld.idx.msk [tilespmem:v7+s26+$0x0], $0xffff;
	v48 =	vor.u32 s15, v8  }
0x3c0: {  	[tilespmem:v50+s17+$0x0] =	vst.idx.msk $0xffff, v1;
	v1 =	vor.u32 v57, v39;
	v49 =	vld.idx.msk [tilespmem:v49+s26+$0x0], $0xffff;
	v50 =	vor.u32 s18, v8  }
0x3c1: {  	[tilespmem:v52+s17+$0x0] =	vst.idx.msk $0xffff, v51;
	v51 =	vor.u32 v57, v42;
	v5 =	vld.idx.msk [tilespmem:v5+s26+$0x0], $0xffff;
	v52 =	vor.u32 s31, v8  }
0x3c2: {  	[tilespmem:v0+s17+$0x0] =	vst.idx.msk $0xffff, v9;
	v0 =	vor.u32 v57, v43;
	v9 =	vld.idx.msk [tilespmem:v53+s26+$0x0], $0xffff;
	v53 =	vor.u32 s9, v8  }
0x3c3: {  	v3 =	vld.idx.msk [tilespmem:v3+s26+$0x0], $0xffff;
	[tilespmem:v54+s17+$0x0] =	vst.idx.msk $0xffff, v11;
	v11 =	vor.u32 s13, v10;
	v54 =	vor.u32 v57, v44  }
0x3c4: {  	[tilespmem:v48+s17+$0x0] =	vst.idx.msk $0xffff, v7;
	v7 =	vor.u32 v58, v37;
	v45 =	vld.idx.msk [tilespmem:v45+s26+$0x0], $0xffff;
	v48 =	vor.u32 s14, v10  }
0x3c5: {  	[tilespmem:v50+s17+$0x0] =	vst.idx.msk $0xffff, v49;
	v49 =	vor.u32 v58, v38;
	v1 =	vld.idx.msk [tilespmem:v1+s26+$0x0], $0xffff;
	v50 =	vor.u32 s15, v10  }
0x3c6: {  	[tilespmem:v52+s17+$0x0] =	vst.idx.msk $0xffff, v5;
	v5 =	vor.u32 v58, v39;
	v51 =	vld.idx.msk [tilespmem:v51+s26+$0x0], $0xffff;
	v52 =	vor.u32 s18, v10  }
0x3c7: {  	[tilespmem:v53+s17+$0x0] =	vst.idx.msk $0xffff, v9;
	v9 =	vor.u32 v58, v42;
	v0 =	vld.idx.msk [tilespmem:v0+s26+$0x0], $0xffff;
	v53 =	vor.u32 s31, v10  }
0x3c8: {  	[tilespmem:v11+s17+$0x0] =	vst.idx.msk $0xffff, v3;
	v3 =	vor.u32 v58, v43;
	v11 =	vld.idx.msk [tilespmem:v54+s26+$0x0], $0xffff;
	v54 =	vor.u32 s9, v10  }
0x3c9: {  	v7 =	vld.idx.msk [tilespmem:v7+s26+$0x0], $0xffff;
	[tilespmem:v48+s17+$0x0] =	vst.idx.msk $0xffff, v45;
	v45 =	vor.u32 s13, v12;
	v48 =	vor.u32 v58, v44  }
0x3ca: {  	[tilespmem:v50+s17+$0x0] =	vst.idx.msk $0xffff, v1;
	v1 =	vor.u32 v59, v37;
	v49 =	vld.idx.msk [tilespmem:v49+s26+$0x0], $0xffff;
	v50 =	vor.u32 s14, v12  }
0x3cb: {  	[tilespmem:v52+s17+$0x0] =	vst.idx.msk $0xffff, v51;
	v51 =	vor.u32 v59, v38;
	v5 =	vld.idx.msk [tilespmem:v5+s26+$0x0], $0xffff;
	v52 =	vor.u32 s15, v12  }
0x3cc: {  	[tilespmem:v53+s17+$0x0] =	vst.idx.msk $0xffff, v0;
	v0 =	vor.u32 v59, v39;
	v9 =	vld.idx.msk [tilespmem:v9+s26+$0x0], $0xffff;
	v53 =	vor.u32 s18, v12  }
0x3cd: {  	[tilespmem:v54+s17+$0x0] =	vst.idx.msk $0xffff, v11;
	v11 =	vor.u32 v59, v42;
	v3 =	vld.idx.msk [tilespmem:v3+s26+$0x0], $0xffff;
	v54 =	vor.u32 s31, v12  }
0x3ce: {  	[tilespmem:v45+s17+$0x0] =	vst.idx.msk $0xffff, v7;
	v7 =	vor.u32 v59, v43;
	v45 =	vld.idx.msk [tilespmem:v48+s26+$0x0], $0xffff;
	v48 =	vor.u32 s9, v12  }
0x3cf: {  	v1 =	vld.idx.msk [tilespmem:v1+s26+$0x0], $0xffff;
	[tilespmem:v50+s17+$0x0] =	vst.idx.msk $0xffff, v49;
	v49 =	vor.u32 s13, v14;
	v50 =	vor.u32 v59, v44  }
0x3d0: {  	[tilespmem:v52+s17+$0x0] =	vst.idx.msk $0xffff, v5;
	v5 =	vor.u32 v60, v37;
	v51 =	vld.idx.msk [tilespmem:v51+s26+$0x0], $0xffff;
	v52 =	vor.u32 s14, v14  }
0x3d1: {  	[tilespmem:v53+s17+$0x0] =	vst.idx.msk $0xffff, v9;
	v9 =	vor.u32 v60, v38;
	v0 =	vld.idx.msk [tilespmem:v0+s26+$0x0], $0xffff;
	v53 =	vor.u32 s15, v14  }
0x3d2: {  	[tilespmem:v54+s17+$0x0] =	vst.idx.msk $0xffff, v3;
	v3 =	vor.u32 v60, v39;
	v11 =	vld.idx.msk [tilespmem:v11+s26+$0x0], $0xffff;
	v54 =	vor.u32 s18, v14  }
0x3d3: {  	[tilespmem:v48+s17+$0x0] =	vst.idx.msk $0xffff, v45;
	v45 =	vor.u32 v60, v42;
	v7 =	vld.idx.msk [tilespmem:v7+s26+$0x0], $0xffff;
	v48 =	vor.u32 s31, v14  }
0x3d4: {  	[tilespmem:v49+s17+$0x0] =	vst.idx.msk $0xffff, v1;
	v1 =	vor.u32 v60, v43;
	v49 =	vld.idx.msk [tilespmem:v50+s26+$0x0], $0xffff;
	v50 =	vor.u32 s9, v14  }
0x3d5: {  	v5 =	vld.idx.msk [tilespmem:v5+s26+$0x0], $0xffff;
	[tilespmem:v52+s17+$0x0] =	vst.idx.msk $0xffff, v51;
	v51 =	vor.u32 s13, v16;
	v52 =	vor.u32 v60, v44  }
0x3d6: {  	[tilespmem:v53+s17+$0x0] =	vst.idx.msk $0xffff, v0;
	v0 =	vor.u32 v61, v37;
	v9 =	vld.idx.msk [tilespmem:v9+s26+$0x0], $0xffff;
	v53 =	vor.u32 s14, v16  }
0x3d7: {  	[tilespmem:v54+s17+$0x0] =	vst.idx.msk $0xffff, v11;
	v11 =	vor.u32 v61, v38;
	v3 =	vld.idx.msk [tilespmem:v3+s26+$0x0], $0xffff;
	v54 =	vor.u32 s15, v16  }
0x3d8: {  	[tilespmem:v48+s17+$0x0] =	vst.idx.msk $0xffff, v7;
	v7 =	vor.u32 v61, v39;
	v45 =	vld.idx.msk [tilespmem:v45+s26+$0x0], $0xffff;
	v48 =	vor.u32 s18, v16  }
0x3d9: {  	[tilespmem:v50+s17+$0x0] =	vst.idx.msk $0xffff, v49;
	v49 =	vor.u32 v61, v42;
	v1 =	vld.idx.msk [tilespmem:v1+s26+$0x0], $0xffff;
	v50 =	vor.u32 s31, v16  }
0x3da: {  	[tilespmem:v51+s17+$0x0] =	vst.idx.msk $0xffff, v5;
	v5 =	vor.u32 v61, v43;
	v51 =	vld.idx.msk [tilespmem:v52+s26+$0x0], $0xffff;
	v52 =	vor.u32 s9, v16  }
0x3db: {  	v0 =	vld.idx.msk [tilespmem:v0+s26+$0x0], $0xffff;
	[tilespmem:v53+s17+$0x0] =	vst.idx.msk $0xffff, v9;
	v9 =	vor.u32 s13, v18;
	v53 =	vor.u32 v61, v44  }
0x3dc: {  	[tilespmem:v54+s17+$0x0] =	vst.idx.msk $0xffff, v3;
	v3 =	vor.u32 v62, v37;
	v11 =	vld.idx.msk [tilespmem:v11+s26+$0x0], $0xffff;
	v54 =	vor.u32 s14, v18  }
0x3dd: {  	[tilespmem:v48+s17+$0x0] =	vst.idx.msk $0xffff, v45;
	v45 =	vor.u32 v62, v38;
	v7 =	vld.idx.msk [tilespmem:v7+s26+$0x0], $0xffff;
	v48 =	vor.u32 s15, v18  }
0x3de: {  	[tilespmem:v50+s17+$0x0] =	vst.idx.msk $0xffff, v1;
	v1 =	vor.u32 v62, v39;
	v49 =	vld.idx.msk [tilespmem:v49+s26+$0x0], $0xffff;
	v50 =	vor.u32 s18, v18  }
0x3df: {  	[tilespmem:v52+s17+$0x0] =	vst.idx.msk $0xffff, v51;
	v51 =	vor.u32 v62, v42;
	v5 =	vld.idx.msk [tilespmem:v5+s26+$0x0], $0xffff;
	v52 =	vor.u32 s31, v18  }
0x3e0: {  	[tilespmem:v9+s17+$0x0] =	vst.idx.msk $0xffff, v0;
	v0 =	vor.u32 v62, v43;
	v9 =	vld.idx.msk [tilespmem:v53+s26+$0x0], $0xffff;
	v53 =	vor.u32 s9, v18  }
0x3e1: {  	v3 =	vld.idx.msk [tilespmem:v3+s26+$0x0], $0xffff;
	[tilespmem:v54+s17+$0x0] =	vst.idx.msk $0xffff, v11;
	v11 =	vor.u32 s13, v20;
	v54 =	vor.u32 v62, v44  }
0x3e2: {  	[tilespmem:v48+s17+$0x0] =	vst.idx.msk $0xffff, v7;
	v7 =	vor.u32 v63, v37;
	v45 =	vld.idx.msk [tilespmem:v45+s26+$0x0], $0xffff;
	v48 =	vor.u32 s14, v20  }
0x3e3: {  	[tilespmem:v50+s17+$0x0] =	vst.idx.msk $0xffff, v49;
	v49 =	vor.u32 v63, v38;
	v1 =	vld.idx.msk [tilespmem:v1+s26+$0x0], $0xffff;
	v50 =	vor.u32 s15, v20  }
0x3e4: {  	[tilespmem:v52+s17+$0x0] =	vst.idx.msk $0xffff, v5;
	v5 =	vor.u32 v63, v39;
	v51 =	vld.idx.msk [tilespmem:v51+s26+$0x0], $0xffff;
	v52 =	vor.u32 s18, v20  }
0x3e5: {  	[tilespmem:v53+s17+$0x0] =	vst.idx.msk $0xffff, v9;
	v9 =	vor.u32 v63, v42;
	v0 =	vld.idx.msk [tilespmem:v0+s26+$0x0], $0xffff;
	v53 =	vor.u32 s31, v20  }
0x3e6: {  	[tilespmem:v11+s17+$0x0] =	vst.idx.msk $0xffff, v3;
	v3 =	vor.u32 v63, v43;
	v11 =	vld.idx.msk [tilespmem:v54+s26+$0x0], $0xffff;
	v54 =	vor.u32 s9, v20  }
0x3e7: {  	v7 =	vld.idx.msk [tilespmem:v7+s26+$0x0], $0xffff;
	[tilespmem:v48+s17+$0x0] =	vst.idx.msk $0xffff, v45;
	v45 =	vor.u32 s13, v22;
	v48 =	vor.u32 v63, v44  }
0x3e8: {  	[tilespmem:v50+s17+$0x0] =	vst.idx.msk $0xffff, v1;
	v1 =	vor.u32 v32, v37;
	v49 =	vld.idx.msk [tilespmem:v49+s26+$0x0], $0xffff;
	v50 =	vor.u32 s14, v22  }
0x3e9: {  	[tilespmem:v52+s17+$0x0] =	vst.idx.msk $0xffff, v51;
	v51 =	vor.u32 v32, v38;
	v5 =	vld.idx.msk [tilespmem:v5+s26+$0x0], $0xffff;
	v52 =	vor.u32 s15, v22  }
0x3ea: {  	[tilespmem:v53+s17+$0x0] =	vst.idx.msk $0xffff, v0;
	v0 =	vor.u32 v32, v39;
	v9 =	vld.idx.msk [tilespmem:v9+s26+$0x0], $0xffff;
	v53 =	vor.u32 s18, v22  }
0x3eb: {  	[tilespmem:v54+s17+$0x0] =	vst.idx.msk $0xffff, v11;
	v11 =	vor.u32 v32, v42;
	v3 =	vld.idx.msk [tilespmem:v3+s26+$0x0], $0xffff;
	v54 =	vor.u32 s31, v22  }
0x3ec: {  	[tilespmem:v45+s17+$0x0] =	vst.idx.msk $0xffff, v7;
	v7 =	vor.u32 v32, v43;
	v45 =	vld.idx.msk [tilespmem:v48+s26+$0x0], $0xffff;
	v48 =	vor.u32 s9, v22  }
0x3ed: {  	v1 =	vld.idx.msk [tilespmem:v1+s26+$0x0], $0xffff;
	[tilespmem:v50+s17+$0x0] =	vst.idx.msk $0xffff, v49;
	v49 =	vor.u32 s13, v24;
	v50 =	vor.u32 v32, v44  }
0x3ee: {  	[tilespmem:v52+s17+$0x0] =	vst.idx.msk $0xffff, v5;
	v5 =	vor.u32 v33, v37;
	v51 =	vld.idx.msk [tilespmem:v51+s26+$0x0], $0xffff;
	v52 =	vor.u32 s14, v24  }
0x3ef: {  	[tilespmem:v53+s17+$0x0] =	vst.idx.msk $0xffff, v9;
	v9 =	vor.u32 v33, v38;
	v0 =	vld.idx.msk [tilespmem:v0+s26+$0x0], $0xffff;
	v53 =	vor.u32 s15, v24  }
0x3f0: {  	[tilespmem:v54+s17+$0x0] =	vst.idx.msk $0xffff, v3;
	v3 =	vor.u32 v33, v39;
	v11 =	vld.idx.msk [tilespmem:v11+s26+$0x0], $0xffff;
	v54 =	vor.u32 s18, v24  }
0x3f1: {  	[tilespmem:v48+s17+$0x0] =	vst.idx.msk $0xffff, v45;
	v45 =	vor.u32 v33, v42;
	v7 =	vld.idx.msk [tilespmem:v7+s26+$0x0], $0xffff;
	v48 =	vor.u32 s31, v24  }
0x3f2: {  	[tilespmem:v49+s17+$0x0] =	vst.idx.msk $0xffff, v1;
	v1 =	vor.u32 v33, v43;
	v49 =	vld.idx.msk [tilespmem:v50+s26+$0x0], $0xffff;
	v50 =	vor.u32 s9, v24  }
0x3f3: {  	v5 =	vld.idx.msk [tilespmem:v5+s26+$0x0], $0xffff;
	[tilespmem:v52+s17+$0x0] =	vst.idx.msk $0xffff, v51;
	v51 =	vor.u32 s13, v26;
	v52 =	vor.u32 v33, v44  }
0x3f4: {  	[tilespmem:v53+s17+$0x0] =	vst.idx.msk $0xffff, v0;
	v0 =	vor.u32 v34, v37;
	v9 =	vld.idx.msk [tilespmem:v9+s26+$0x0], $0xffff;
	v53 =	vor.u32 s14, v26  }
0x3f5: {  	[tilespmem:v54+s17+$0x0] =	vst.idx.msk $0xffff, v11;
	v11 =	vor.u32 v34, v38;
	v3 =	vld.idx.msk [tilespmem:v3+s26+$0x0], $0xffff;
	v54 =	vor.u32 s15, v26  }
0x3f6: {  	[tilespmem:v48+s17+$0x0] =	vst.idx.msk $0xffff, v7;
	v7 =	vor.u32 v34, v39;
	v45 =	vld.idx.msk [tilespmem:v45+s26+$0x0], $0xffff;
	v48 =	vor.u32 s18, v26  }
0x3f7: {  	[tilespmem:v50+s17+$0x0] =	vst.idx.msk $0xffff, v49;
	v49 =	vor.u32 v34, v42;
	v1 =	vld.idx.msk [tilespmem:v1+s26+$0x0], $0xffff;
	v50 =	vor.u32 s31, v26  }
0x3f8: {  	[tilespmem:v51+s17+$0x0] =	vst.idx.msk $0xffff, v5;
	v5 =	vor.u32 v34, v43;
	v51 =	vld.idx.msk [tilespmem:v52+s26+$0x0], $0xffff;
	v52 =	vor.u32 s9, v26  }
0x3f9: {  	v0 =	vld.idx.msk [tilespmem:v0+s26+$0x0], $0xffff;
	[tilespmem:v53+s17+$0x0] =	vst.idx.msk $0xffff, v9;
	v9 =	vor.u32 s13, v28;
	v53 =	vor.u32 v34, v44  }
0x3fa: {  	[tilespmem:v54+s17+$0x0] =	vst.idx.msk $0xffff, v3;
	v3 =	vor.u32 v35, v37;
	v11 =	vld.idx.msk [tilespmem:v11+s26+$0x0], $0xffff;
	v54 =	vor.u32 s14, v28  }
0x3fb: {  	[tilespmem:v48+s17+$0x0] =	vst.idx.msk $0xffff, v45;
	v45 =	vor.u32 v35, v38;
	v7 =	vld.idx.msk [tilespmem:v7+s26+$0x0], $0xffff;
	v48 =	vor.u32 s15, v28  }
0x3fc: {  	[tilespmem:v50+s17+$0x0] =	vst.idx.msk $0xffff, v1;
	v1 =	vor.u32 v35, v39;
	v49 =	vld.idx.msk [tilespmem:v49+s26+$0x0], $0xffff;
	v50 =	vor.u32 s18, v28  }
0x3fd: {  	[tilespmem:v52+s17+$0x0] =	vst.idx.msk $0xffff, v51;
	v51 =	vor.u32 v35, v42;
	v5 =	vld.idx.msk [tilespmem:v5+s26+$0x0], $0xffff;
	v52 =	vor.u32 s31, v28  }
0x3fe: {  	[tilespmem:v9+s17+$0x0] =	vst.idx.msk $0xffff, v0;
	v0 =	vor.u32 v35, v43;
	v9 =	vld.idx.msk [tilespmem:v53+s26+$0x0], $0xffff;
	v53 =	vor.u32 s9, v28  }
0x3ff: {  	v3 =	vld.idx.msk [tilespmem:v3+s26+$0x0], $0xffff;
	[tilespmem:v54+s17+$0x0] =	vst.idx.msk $0xffff, v11;
	v11 =	vor.u32 s13, v30;
	v54 =	vor.u32 v35, v44  }
0x400: {  	[tilespmem:v48+s17+$0x0] =	vst.idx.msk $0xffff, v7;
	v7 =	vor.u32 v36, v37;
	v37 =	vld.idx.msk [tilespmem:v45+s26+$0x0], $0xffff;
	v45 =	vor.u32 s14, v30  }
0x401: {  	v38 =	vor.u32 v36, v38;
	v48 =	vor.u32 s15, v30;
	[tilespmem:v50+s17+$0x0] =	vst.idx.msk $0xffff, v49;
	v1 =	vld.idx.msk [tilespmem:v1+s26+$0x0], $0xffff  }
0x402: {  	v49 =	vor.u32 s18, v30;
	[tilespmem:v52+s17+$0x0] =	vst.idx.msk $0xffff, v5;
	v5 =	vor.u32 v36, v39;
	v39 =	vld.idx.msk [tilespmem:v51+s26+$0x0], $0xffff  }
0x403: {  	[tilespmem:v53+s17+$0x0] =	vst.idx.msk $0xffff, v9;
	v9 =	vor.u32 v36, v42;
	v0 =	vld.idx.msk [tilespmem:v0+s26+$0x0], $0xffff;
	v42 =	vor.u32 s31, v30  }
0x404: {  	[tilespmem:v11+s17+$0x0] =	vst.idx.msk $0xffff, v3;
	v3 =	vor.u32 v36, v43;
	v11 =	vld.idx.msk [tilespmem:v54+s26+$0x0], $0xffff;
	v43 =	vor.u32 s9, v30  }
0x405: {  	v50 =	vor.u32 s13, v40;
	[tilespmem:v45+s17+$0x0] =	vst.idx.msk $0xffff, v37;
	v7 =	vld.idx.msk [tilespmem:v7+s26+$0x0], $0xffff;
	v37 =	vor.u32 v36, v44  }
0x406: {  	v44 =	vor.u32 s14, v40;
	[tilespmem:v48+s17+$0x0] =	vst.idx.msk $0xffff, v1;
	v1 =	vld.idx.msk [tilespmem:v38+s26+$0x0], $0xffff  }
0x407: {  	v38 =	vor.u32 s15, v40;
	[tilespmem:v49+s17+$0x0] =	vst.idx.msk $0xffff, v39;
	v5 =	vld.idx.msk [tilespmem:v5+s26+$0x0], $0xffff  }
0x408: {  	v39 =	vor.u32 s18, v40;
	[tilespmem:v42+s17+$0x0] =	vst.idx.msk $0xffff, v0;
	v0 =	vld.idx.msk [tilespmem:v9+s26+$0x0], $0xffff  }
0x409: {  	s7 =	sadd.s32 $0x8, s7;
	v9 =	vor.u32 s31, v40;
	[tilespmem:v43+s17+$0x0] =	vst.idx.msk $0xffff, v11;
	v3 =	vld.idx.msk [tilespmem:v3+s26+$0x0], $0xffff  }
0x40a: {  	p0 =	slt.u32 s7, $0x18;
	v11 =	vor.u32 s9, v40;
	[tilespmem:v50+s17+$0x0] =	vst.idx.msk $0xffff, v7;
	v7 =	vld.idx.msk [tilespmem:v37+s26+$0x0], $0xffff  }
.Ltmp1:
0x40b: {  	v42 =	vld [tilespmem:$0x1FFC0];
	[tilespmem:v44+s17+$0x0] =	vst.idx.msk $0xffff, v1;
	(pc) =	sbr.rel @p0 .LBB2_5-.Ltmp1, $4  }
0x40c: {  	v43 =	vld [tilespmem:$0x1FFE0];
	[tilespmem:v38+s17+$0x0] =	vst.idx.msk $0xffff, v5  }
0x40d: {  	v52 =	vmov v25;
	v51 =	vmov v23;
	v53 =	vmov v27;
	v44 =	vld [tilespmem:$0x1FFF0];
	[tilespmem:v39+s17+$0x0] =	vst.idx.msk $0xffff, v0  }
0x40e: {  	v54 =	vmovc v29;
	v45 =	vmovc v31;
	v48 =	vmov v41;
	v49 =	vmov v46;
	v50 =	vmov v47;
	v1 =	vld [tilespmem:$0x1FFA0];
	[tilespmem:v9+s17+$0x0] =	vst.idx.msk $0xffff, v3  }
0x40f: {  	s16 =	sadd.s32 $0x80, s16;
	s9 =	sadd.s32 $0x400, s9;
	v38 =	vmovc v21;
	v5 =	vmovc v17;
	v39 =	vld [tilespmem:$0x1FFB0];
	v9 =	vmov v13;
	[tilespmem:v11+s17+$0x0] =	vst.idx.msk $0xffff, v7;
	v7 =	vmov v19;
	v11 =	vlaneseq.u32  }
0x410: {  	s2 =	sadd.s32 s3, s6  }
0x411: {  	s2 =	sadd.s32 $0x1, s2  }
0x412: {  	s15 =	sshrl.u32 s2, $0x3  }
0x413: {  	s2 =	sshll.u32 s2, $0xC;
	s7 =	sshll.u32 s15, $0xF  }
0x414: {  	s3 =	sshll.u32 s15, $0x11;
	s2 =	ssub.s32 s2, s7  }
0x415: {  	s2 =	sadd.s32 s3, s2  }
0x416: {  	s3 =	sshrl.u32 s2, $0x3  }
0x417: {  	s16 =	sadd.s32 $0x8000, s2;
	s3 =	sadd.s32 s1, s3  }
0x418: {  	[hbm4b:s3+s4] =	stream.linear.scatter [tilespmem:s17], [sflag:$0x6], $0x1000, $0x38;
	[tilespmem:$0x10400] =	vst v63  }
0x419: {  	s18 =	simm.s32 $0xD400;
	s5 =	sadd.s32 $0x1, s5;
	s3 =	sshrl.u32 s16, $0x3  }
0x41a: {  	p0 =	sne.s32 s5, $0x19;
	s31 =	sadd.s32 $0x10000, s2;
	s3 =	sadd.s32 s1, s3  }
0x41b: {  	[hbm4b:s3+s4] =	stream.linear.scatter [tilespmem:s18], [sflag:$0x6], $0x1000, $0x38;
	[tilespmem:$0x10400] =	vst v63  }
.Ltmp2:
0x41c: {  	s2 =	sadd.s32 $0x18000, s2;
	s3 =	sshrl.u32 s31, $0x3;
	(pc) =	sbr.rel @p0 .LBB2_2-.Ltmp2, $4  }
0x41d: {  	s2 =	sshrl.u32 s2, $0x3;
	s3 =	sadd.s32 s1, s3  }
0x41e: {  	[hbm4b:s3+s4] =	stream.linear.scatter [tilespmem:s19], [sflag:$0x6], $0x1000, $0x38;
	[tilespmem:$0x10400] =	vst v63  }
0x41f: {  	s2 =	sadd.s32 s1, s2  }
0x420: {  	v3 =	vmov v15;
	[hbm4b:s2+s4] =	stream.linear.scatter [tilespmem:s20], [sflag:$0x6], $0x1000, $0x38;
	[tilespmem:$0x10400] =	vst v63  }
0x421: {  	_ =	swait.ge [sflag:s24], $0x4000  }
0x422: {  	[sflag:s24] =	ssyncset.done $0x0  }
0x423: {  	[sflag:s24] =	ssyncadd.s32 $0xFFFFC000  }
0x424: {  	_ =	swait.ge [sflag:s25], $0x200  }
0x425: {  	[sflag:s25] =	ssyncset.done $0x0  }
0x426: {  	[sflag:s25] =	ssyncadd.s32 $0xFFFFFE00  }
0x427: {  	_ =	swait.ge [sflag:s28], $0x1000  }
0x428: {  	[sflag:s28] =	ssyncset.done $0x0  }
0x429: {  	[sflag:s28] =	ssyncadd.s32 $0xFFFFF000  }
0x42a: {  	_ =	swait.ge [sflag:s28], $0x1000  }
0x42b: {  	[sflag:s28] =	ssyncset.done $0x0  }
0x42c: {  	[sflag:s28] =	ssyncadd.s32 $0xFFFFF000  }
0x42d: {  	_ =	swait.ge [sflag:s28], $0x1000  }
0x42e: {  	[sflag:s28] =	ssyncset.done $0x0  }
0x42f: {  	[sflag:s28] =	ssyncadd.s32 $0xFFFFF000  }
0x430: {  	_ =	swait.ge [sflag:s28], $0x1000  }
0x431: {  	[sflag:s28] =	ssyncset.done $0x0  }
0x432: {  	[sflag:s28] =	ssyncadd.s32 $0xFFFFF000  }
0x433: {  	_ =	swait.ge [sflag:s30], $0x1000  }
0x434: {  	[sflag:s30] =	ssyncset.done $0x0  }
0x435: {  	[sflag:s30] =	ssyncadd.s32 $0xFFFFF000  }
0x436: {  	_ =	swait.ge [sflag:s30], $0x1000  }
0x437: {  	[sflag:s30] =	ssyncset.done $0x0  }
0x438: {  	[sflag:s30] =	ssyncadd.s32 $0xFFFFF000  }
0x439: {  	_ =	swait.ge [sflag:s30], $0x1000  }
0x43a: {  	[sflag:s30] =	ssyncset.done $0x0  }
0x43b: {  	[sflag:s30] =	ssyncadd.s32 $0xFFFFF000  }
0x43c: {  	_ =	swait.ge [sflag:s30], $0x1000  }
0x43d: {  	s3 =	rddreg [dreg:$0x8]  }
0x43e: {  	s2 =	rddreg [dreg:$0x7];
	s3 =	sadd.s32 $0x1, s3  }
0x43f: {  	p0 =	sne.s32 s3, s2  }
.Ltmp3:
0x440: {  	_ = 	snop;
	(pc) =	sbr.rel @p0 .LBB2_1-.Ltmp3, $3  }
0x441: {  	_ =	sdelay $0x1  }
0x442: {  	[sflag:s30] =	ssyncset.done $0x0  }
0x443: {  	[sflag:s30] =	ssyncadd.s32 $0xFFFFF000  }
0x444: {  	_ =	sfence.sel $0x180000  }
0x445: {  	[bflag:$0x0] =	sbarrier.arrive $0xFFFF  }
0x446: {  	_ =	strace $0x90000047  }
0x447: {  	s0 =	stileid.u32;
	[bflag:$0x2] =	sbarrier.arrive $0xFFFF  }
0x448: {  	p0 =	sne.s32 s0, $0x0;
	s0 =	rddreg [dreg:$0x4]  }
0x449: {  	s0 =	sadd.s32 @!p0 $0x100000, s0  }
0x44a: {  	[sflag:s0] =	ssyncadd.tile.s32 @!p0 $0x1;
	_ =	shalt  }
.Lfunc_end2:
_tile_overlayer_lowered:
.L_overlay_start_2:
0x44b: {  	(tag) =	ssettag $0x2  }
0x44c: {  	s0 =	rddreg [dreg:$0x0];
	s2 =	stileid.u32  }
0x44d: {  	s1 =	rddreg [dreg:$0x1];
	p0 =	sne.s32 s2, $0x0  }
0x44e: {  	s3 =	rddreg [dreg:$0x2];
	[bflag:$0x3] =	sbarrier.arrive $0xFFFF;
	s2 =	simm.s32 @!p0 $0x1C07  }
0x44f: {  	[timem:s3], [sflag:s2] =	dma.local @!p0 [hbm:s0], s1  }
0x450: {  	s0 =	simm.s32 @!p0 $0x7  }
0x451: {  	_ =	swait.ge @!p0 [sflag:s0], s1  }
0x452: {  	s1 =	ssub.s32 @!p0 $0x0, s1;
	[sflag:s0] =	ssyncset.done @!p0 $0x0  }
0x453: {  	[sflag:s0] =	ssyncadd.s32 @!p0 s1  }
0x454: {  	[bflag:$0x3] =	sbarrier.arrive $0xFFFF  }
0x455: {  	_ =	shalt  }

</sc_bundles>
